<compile_context>
chip_gen: v7x
topology: tpu7x:2x2x1
jax: 0.10.2.dev20260603
libtpu: 0.0.44.dev20260713+nightly
codegen_flags: <defaults>
</compile_context>

<pallas_src>
import functools

import jax
import jax.numpy as jnp
from jax import lax
from jax.experimental import pallas as pl
from jax.experimental.pallas import tpu as pltpu
from jax.experimental.pallas import tpu_sc as plsc

E = 64
TOPK = 2
CAP = 128
NC = 2
NS = 16
NW = NC * NS


def _router_body(x_ref, wg_ref, tok_slot_ref, gate_slot_ref, s0_ref, s1_ref):
    T = x_ref.shape[0]
    x = x_ref[...]
    wg = wg_ref[...]
    logits = jnp.dot(x, wg, preferred_element_type=jnp.float32)

    lane = lax.broadcasted_iota(jnp.int32, (T, E), 1)
    m1 = jnp.max(logits, axis=1, keepdims=True)
    i1 = jnp.min(jnp.where(logits == m1, lane, E), axis=1, keepdims=True)
    masked = jnp.where(lane == i1, -jnp.inf, logits)
    m2 = jnp.max(masked, axis=1, keepdims=True)
    i2 = jnp.min(jnp.where(masked == m2, lane, E), axis=1, keepdims=True)

    g0 = 1.0 / (1.0 + jnp.exp(m2 - m1))
    g1 = 1.0 / (1.0 + jnp.exp(m1 - m2))

    A = (lane == i1).astype(jnp.float32)
    Bh = (lane == i2).astype(jnp.float32)

    C = jnp.concatenate([A, Bh], axis=1)
    acc = C
    s = 1
    while s < T:
        shifted = jnp.concatenate(
            [jnp.zeros((s, 2 * E), jnp.float32), acc[: T - s]], axis=0)
        acc = acc + shifted
        s *= 2
    ec = acc - C
    ecA = ec[:, :E]
    ecB = ec[:, E:]

    pos0 = jnp.sum(A * (ecA + ecB), axis=1, keepdims=True)
    pos1 = jnp.sum(Bh * (ecA + ecB + A), axis=1, keepdims=True)
    pos0i = pos0.astype(jnp.int32)
    pos1i = pos1.astype(jnp.int32)
    keep0 = pos0i < CAP
    keep1 = pos1i < CAP

    capl = lax.broadcasted_iota(jnp.int32, (T, CAP), 1)
    P0 = ((capl == pos0i) & keep0).astype(jnp.float32)
    P1 = ((capl == pos1i) & keep1).astype(jnp.float32)

    tcol = lax.broadcasted_iota(jnp.int32, (T, 1), 0).astype(jnp.float32)
    hi = lax.Precision.HIGHEST
    dn = (((0,), (0,)), ((), ()))
    tok = (lax.dot_general(A, P0 * tcol, dn, precision=hi)
           + lax.dot_general(Bh, P1 * tcol, dn, precision=hi))
    gslot = (lax.dot_general(A, P0 * g0, dn, precision=hi)
             + lax.dot_general(Bh, P1 * g1, dn, precision=hi))

    count = (lax.dot_general(A + Bh, jnp.ones((T, 1), jnp.float32), dn,
                             precision=hi)).astype(jnp.int32)
    cape = lax.broadcasted_iota(jnp.int32, (E, CAP), 1)
    eid = lax.broadcasted_iota(jnp.int32, (E, CAP), 0)
    spread = (eid * CAP + cape) & (T - 1)
    toki = jnp.where(cape < count, tok.astype(jnp.int32), spread)

    tok_slot_ref[...] = toki
    gate_slot_ref[...] = jnp.concatenate(
        [gslot, jnp.zeros((1, CAP), jnp.float32)], axis=0)

    sent = E * CAP
    s0_ref[...] = jnp.where(keep0, i1 * CAP + pos0i, sent)
    s1_ref[...] = jnp.where(keep1, i2 * CAP + pos1i, sent)


def _router_call(x, Wg):
    T = x.shape[0]
    return pl.pallas_call(
        _router_body,
        out_shape=(
            jax.ShapeDtypeStruct((E, CAP), jnp.int32),
            jax.ShapeDtypeStruct((E + 1, CAP), jnp.float32),
            jax.ShapeDtypeStruct((T, 1), jnp.int32),
            jax.ShapeDtypeStruct((T, 1), jnp.int32),
        ),
    )(x, Wg)


def _make_dispatch(T, D):
    SLOTS = E * CAP
    per_w = SLOTS // NW
    CH = 64
    NB = per_w // CH
    mesh = plsc.VectorSubcoreMesh(core_axis_name="c", subcore_axis_name="s",
                                  num_cores=NC, num_subcores=NS)

    @functools.partial(
        pl.kernel,
        out_type=jax.ShapeDtypeStruct((SLOTS, D), jnp.float32),
        mesh=mesh,
        scratch_types=[
            pltpu.VMEM((per_w,), jnp.int32),
            pltpu.VMEM((CH, D), jnp.float32),
            pltpu.VMEM((CH, D), jnp.float32),
            pltpu.SemaphoreType.DMA,
            pltpu.SemaphoreType.DMA,
        ],
    )
    def dispatch(x_hbm, tokslot_hbm, disp_hbm, idx_v, rows0_v, rows1_v,
                 sem0, sem1):
        wid = lax.axis_index("c") * NS + lax.axis_index("s")
        base = wid * per_w
        pltpu.sync_copy(tokslot_hbm.at[pl.ds(base, per_w)], idx_v)
        bufs = (rows0_v, rows1_v)
        sems = (sem0, sem1)
        cps = [None, None]
        cps[0] = pltpu.async_copy(
            x_hbm.at[idx_v.at[pl.ds(0, CH)]], rows0_v, sem0)
        for j in range(NB):
            p = j % 2
            cps[p].wait()
            if j + 1 < NB:
                q = (j + 1) % 2
                cps[q] = pltpu.async_copy(
                    x_hbm.at[idx_v.at[pl.ds((j + 1) * CH, CH)]],
                    bufs[q], sems[q])
            pltpu.sync_copy(bufs[p], disp_hbm.at[pl.ds(base + j * CH, CH)])

    return dispatch


def _ffn_body(disp_ref, w1_ref, b1_ref, w2_ref, b2_ref, gate_ref, y_ref):
    e = pl.program_id(0)
    ec = jnp.minimum(e, E - 1)
    xb = disp_ref[...]
    h = jnp.dot(xb, w1_ref[0], preferred_element_type=jnp.float32)
    h = jax.nn.gelu(h + b1_ref[pl.ds(ec, 1)])
    y = jnp.dot(h, w2_ref[0], preferred_element_type=jnp.float32)
    gcol = gate_ref[pl.ds(e, 1)].reshape(CAP, 1)
    y = (y + b2_ref[pl.ds(ec, 1)]) * gcol
    y_ref[...] = y


def _ffn_call(disp, W1, b1, W2, b2, gate_slot):
    D = disp.shape[1]
    F = W1.shape[2]
    grid = (E + 1,)
    ew3 = lambda e: (jnp.minimum(e, E - 1), 0, 0)
    zm = lambda e: (0, 0)
    return pl.pallas_call(
        _ffn_body,
        grid=grid,
        in_specs=[
            pl.BlockSpec((CAP, D), lambda e: (jnp.minimum(e, E - 1), 0)),
            pl.BlockSpec((1, D, F), ew3),
            pl.BlockSpec((E, F), zm),
            pl.BlockSpec((1, F, D), ew3),
            pl.BlockSpec((E, D), zm),
            pl.BlockSpec((E + 1, CAP, 1), lambda e: (0, 0, 0)),
        ],
        out_specs=pl.BlockSpec((CAP, D), lambda e: (e, 0)),
        out_shape=jax.ShapeDtypeStruct(((E + 1) * CAP, D), jnp.float32),
    )(disp, W1, b1, W2, b2, gate_slot)


def _make_combine(T, D):
    per_w = T // NW
    LPR = D // 16
    mesh = plsc.VectorSubcoreMesh(core_axis_name="c", subcore_axis_name="s",
                                  num_cores=NC, num_subcores=NS)

    @functools.partial(
        pl.kernel,
        out_type=jax.ShapeDtypeStruct((T, D), jnp.float32),
        mesh=mesh,
        scratch_types=[
            pltpu.VMEM((per_w,), jnp.int32),
            pltpu.VMEM((per_w,), jnp.int32),
            pltpu.VMEM((per_w, D), jnp.float32),
            pltpu.VMEM((per_w, D), jnp.float32),
            pltpu.SemaphoreType.DMA,
            pltpu.SemaphoreType.DMA,
        ],
    )
    def combine(y_hbm, s0_hbm, s1_hbm, out_hbm, idxA_v, idxB_v,
                rowsA_v, rowsB_v, semA, semB):
        wid = lax.axis_index("c") * NS + lax.axis_index("s")
        base = wid * per_w
        pltpu.sync_copy(s0_hbm.at[pl.ds(base, per_w)], idxA_v)
        cpA = pltpu.async_copy(y_hbm.at[idxA_v], rowsA_v, semA)
        pltpu.sync_copy(s1_hbm.at[pl.ds(base, per_w)], idxB_v)
        cpB = pltpu.async_copy(y_hbm.at[idxB_v], rowsB_v, semB)
        cpA.wait()
        cpB.wait()

        def row_add(i, _):
            for c in range(LPR):
                sl = pl.ds(c * 16, 16)
                rowsA_v[i, sl] = rowsA_v[i, sl] + rowsB_v[i, sl]
            return 0

        lax.fori_loop(0, per_w, row_add, 0)
        pltpu.sync_copy(rowsA_v, out_hbm.at[pl.ds(base, per_w)])

    return combine


def kernel(hidden, Wg, W1, b1, W2, b2):
    B, S, D = hidden.shape
    T = B * S
    x = hidden.reshape(T, D)

    tok_slot, gate_slot, s0, s1 = _router_call(x, Wg)
    disp = _make_dispatch(T, D)(x, tok_slot.reshape(-1))
    y = _ffn_call(disp, W1, b1, W2, b2, gate_slot.reshape(E + 1, CAP, 1))
    out = _make_combine(T, D)(y, s0.reshape(-1), s1.reshape(-1))
    return out.reshape(B, S, D)

# --- scband reference (transcript-rebuilt; emitter-appended) ---
"""Pipeline reference for scband-sparse-moe-feed-forward-73796128080300 (READ-ONLY COPY).

The authoritative reference and input builder live on the scoring server;
editing this copy changes nothing except your own understanding.
"""

import jax, jax.numpy as jnp
import numpy as np

E = 64          # experts_per_block
TOPK = 2        # active_experts_per_token
D = 768         # hidden_dim
F = 1536        # hidden_dim * expert_ffn_multiplier
CAP = 128       # expert capacity (~2x mean tokens per expert: 2048*2/64 = 64)


def setup_inputs(seed: int = 0) -> dict:
    key = jax.random.key(seed)
    ks = jax.random.split(key, 6)
    hidden = jax.random.normal(ks[0], (1, 2048, D), dtype=jnp.float32)
    Wg = jax.random.normal(ks[1], (D, E), dtype=jnp.float32) * 0.02
    W1 = jax.random.normal(ks[2], (E, D, F), dtype=jnp.float32) * 0.02
    b1 = jnp.zeros((E, F), dtype=jnp.float32)
    W2 = jax.random.normal(ks[3], (E, F, D), dtype=jnp.float32) * 0.02
    b2 = jnp.zeros((E, D), dtype=jnp.float32)
    return {"hidden": hidden, "Wg": Wg, "W1": W1, "b1": b1, "W2": W2, "b2": b2}


def reference(hidden, Wg, W1, b1, W2, b2):
    B, S, Dm = hidden.shape
    x = hidden.reshape(-1, Dm)                      # [T, D]
    T = x.shape[0]
    # --- router.plan: top-k softmax gating (RoutePlan) ---
    router_logits = x @ Wg                          # [T, E]
    top_vals, top_idx = jax.lax.top_k(router_logits, TOPK)   # [T, k]
    gate = jax.nn.softmax(top_vals, axis=-1)        # expert_weights [T, k]
    # --- dispatcher.dispatch: capacity-based expert dispatch ---
    flat_idx = top_idx.reshape(-1)                  # [T*k]
    flat_gate = gate.reshape(-1)                    # [T*k]
    x_rep = jnp.repeat(x, TOPK, axis=0)             # [T*k, D]
    onehot = jax.nn.one_hot(flat_idx, E, dtype=jnp.int32)    # [T*k, E]
    pos = jnp.cumsum(onehot, axis=0) - 1
    pos = jnp.sum(pos * onehot, axis=1)             # position within expert [T*k]
    keep = (pos < CAP).astype(x.dtype)              # tokens beyond capacity are dropped
    posc = jnp.clip(pos, 0, CAP - 1)
    disp = jnp.zeros((E, CAP, Dm), dtype=x.dtype).at[flat_idx, posc].add(x_rep * keep[:, None])
    # --- per-expert PositionWiseFeedForward ---
    h = jax.nn.gelu(jnp.einsum('ecd,edf->ecf', disp, W1) + b1[:, None, :])
    y = jnp.einsum('ecf,efd->ecd', h, W2) + b2[:, None, :]
    # --- combine weighted expert outputs ---
    comb = y[flat_idx, posc] * flat_gate[:, None] * keep[:, None]   # [T*k, D]
    out = comb.reshape(T, TOPK, Dm).sum(axis=1)
    return out.reshape(B, S, Dm)

if __name__ == "__main__":
    import jax
    _d = setup_inputs()
    print(jax.jit(kernel)(*tuple(_d.values())))

</pallas_src>

<mosaic_0001>
#map = affine_map<(d0, d1) -> (0, 0)>
#map1 = affine_map<(d0, d1) -> (0)>
module attributes {stable_mosaic.version = 14 : i64} {
  func.func @dispatch(%arg0: i32, %arg1: i32, %arg2: memref<2048x768xf32, #tpu.memory_space<hbm>>, %arg3: memref<8192xi32, #tpu.memory_space<hbm>>, %arg4: memref<8192x768xf32, #tpu.memory_space<hbm>>, %arg5: memref<256xi32, #tpu.memory_space<vmem>>, %arg6: memref<64x768xf32, #tpu.memory_space<vmem>>, %arg7: memref<64x768xf32, #tpu.memory_space<vmem>>, %arg8: memref<!tpu.dma_semaphore, #tpu.memory_space<semaphore_mem>>, %arg9: memref<!tpu.dma_semaphore, #tpu.memory_space<semaphore_mem>>) attributes {dimension_semantics = [#tpu.dimension_semantics<core_parallel>, #tpu.dimension_semantics<subcore_parallel>], iteration_bounds = array<i64: 2, 16>, scalar_prefetch = 0 : i64, scratch_operands = 5 : i64, tpu.core_type = #tpu.core_type<sc_vector_subcore>, window_params = [{transform_indices = #map}, {transform_indices = #map1}, {transform_indices = #map}]} {
    %mul3A = arith.constant 16 : i32
    %mul3A_0 = arith.muli %arg0, %mul3A : i32
    %add3A = arith.addi %mul3A_0, %arg1 : i32
    %mul3A_1 = arith.constant 256 : i32
    %mul3A_2 = arith.muli %add3A, %mul3A_1 : i32
    "tpu.region"() ({
      %run_scoped3A = tpu.sem_alloc : memref<!tpu.dma_semaphore, #tpu.memory_space<semaphore_mem>>
      %dma_start3A_49 = tpu.memref_slice %arg3[%mul3A_2] : memref<8192xi32, #tpu.memory_space<hbm>> -> memref<256xi32, #tpu.memory_space<hbm>>
      %dma_start3A_50 = tpu.memref_slice %arg3[%mul3A_2] : memref<8192xi32, #tpu.memory_space<hbm>> -> memref<256xi32, #tpu.memory_space<hbm>>
      tpu.enqueue_dma source(%dma_start3A_50 : memref<256xi32, #tpu.memory_space<hbm>>) target(%arg5 : memref<256xi32, #tpu.memory_space<vmem>>) target_semaphore(%run_scoped3A : memref<!tpu.dma_semaphore, #tpu.memory_space<semaphore_mem>>)
      %dma_wait3A_51 = tpu.memref_slice %arg3[%mul3A_2] : memref<8192xi32, #tpu.memory_space<hbm>> -> memref<256xi32, #tpu.memory_space<hbm>>
      %dma_wait3A_52 = tpu.memref_slice %arg3[%mul3A_2] : memref<8192xi32, #tpu.memory_space<hbm>> -> memref<256xi32, #tpu.memory_space<hbm>>
      tpu.wait_dma2 semaphore(%run_scoped3A : memref<!tpu.dma_semaphore, #tpu.memory_space<semaphore_mem>>) src(%dma_wait3A_52 : memref<256xi32, #tpu.memory_space<hbm>>) dst(%arg5 : memref<256xi32, #tpu.memory_space<vmem>>)
      tpu.yield
    }) : () -> ()
    %dma_start3A = arith.constant 0 : i32
    %dma_start3A_3 = tpu.memref_slice %arg5[%dma_start3A] : memref<256xi32, #tpu.memory_space<vmem>> -> memref<64xi32, #tpu.memory_space<vmem>>
    %dma_start3A_4 = arith.constant 0 : i32
    %dma_start3A_5 = arith.constant 0 : i32
    %dma_start3A_6 = tpu.memref_slice %arg2[%dma_start3A_4, %dma_start3A_5] : memref<2048x768xf32, #tpu.memory_space<hbm>> -> memref<2048x768xf32, #tpu.memory_space<hbm>>
    tpu.enqueue_indirect_dma source(%dma_start3A_6 : memref<2048x768xf32, #tpu.memory_space<hbm>>) target(%arg6 : memref<64x768xf32, #tpu.memory_space<vmem>>) offsets(%dma_start3A_3 : memref<64xi32, #tpu.memory_space<vmem>>) semaphore(%arg8 : memref<!tpu.dma_semaphore, #tpu.memory_space<semaphore_mem>>)
    %dma_wait3A = arith.constant 0 : i32
    %dma_wait3A_7 = tpu.memref_slice %arg5[%dma_wait3A] : memref<256xi32, #tpu.memory_space<vmem>> -> memref<64xi32, #tpu.memory_space<vmem>>
    %dma_wait3A_8 = arith.constant 0 : i32
    %dma_wait3A_9 = arith.constant 0 : i32
    %dma_wait3A_10 = tpu.memref_slice %arg2[%dma_wait3A_8, %dma_wait3A_9] : memref<2048x768xf32, #tpu.memory_space<hbm>> -> memref<2048x768xf32, #tpu.memory_space<hbm>>
    tpu.wait_indirect_dma semaphore(%arg8 : memref<!tpu.dma_semaphore, #tpu.memory_space<semaphore_mem>>) src(%dma_wait3A_10 : memref<2048x768xf32, #tpu.memory_space<hbm>>) dst(%arg6 : memref<64x768xf32, #tpu.memory_space<vmem>>)
    %dma_start3A_11 = arith.constant 64 : i32
    %dma_start3A_12 = tpu.memref_slice %arg5[%dma_start3A_11] : memref<256xi32, #tpu.memory_space<vmem>> -> memref<64xi32, #tpu.memory_space<vmem>>
    %dma_start3A_13 = arith.constant 0 : i32
    %dma_start3A_14 = arith.constant 0 : i32
    %dma_start3A_15 = tpu.memref_slice %arg2[%dma_start3A_13, %dma_start3A_14] : memref<2048x768xf32, #tpu.memory_space<hbm>> -> memref<2048x768xf32, #tpu.memory_space<hbm>>
    tpu.enqueue_indirect_dma source(%dma_start3A_15 : memref<2048x768xf32, #tpu.memory_space<hbm>>) target(%arg7 : memref<64x768xf32, #tpu.memory_space<vmem>>) offsets(%dma_start3A_12 : memref<64xi32, #tpu.memory_space<vmem>>) semaphore(%arg9 : memref<!tpu.dma_semaphore, #tpu.memory_space<semaphore_mem>>)
    %add3A_16 = arith.constant 0 : i32
    %add3A_17 = arith.addi %mul3A_2, %add3A_16 : i32
    "tpu.region"() ({
      %run_scoped3A = tpu.sem_alloc : memref<!tpu.dma_semaphore, #tpu.memory_space<semaphore_mem>>
      %dma_start3A_49 = arith.constant 0 : i32
      %dma_start3A_50 = tpu.memref_slice %arg4[%add3A_17, %dma_start3A_49] : memref<8192x768xf32, #tpu.memory_space<hbm>> -> memref<64x768xf32, #tpu.memory_space<hbm>>
      %dma_start3A_51 = arith.constant 0 : i32
      %dma_start3A_52 = tpu.memref_slice %arg4[%add3A_17, %dma_start3A_51] : memref<8192x768xf32, #tpu.memory_space<hbm>> -> memref<64x768xf32, #tpu.memory_space<hbm>>
      tpu.enqueue_dma source(%arg6 : memref<64x768xf32, #tpu.memory_space<vmem>>) target(%dma_start3A_52 : memref<64x768xf32, #tpu.memory_space<hbm>>) target_semaphore(%run_scoped3A : memref<!tpu.dma_semaphore, #tpu.memory_space<semaphore_mem>>)
      %dma_wait3A_53 = arith.constant 0 : i32
      %dma_wait3A_54 = tpu.memref_slice %arg4[%add3A_17, %dma_wait3A_53] : memref<8192x768xf32, #tpu.memory_space<hbm>> -> memref<64x768xf32, #tpu.memory_space<hbm>>
      %dma_wait3A_55 = arith.constant 0 : i32
      %dma_wait3A_56 = tpu.memref_slice %arg4[%add3A_17, %dma_wait3A_55] : memref<8192x768xf32, #tpu.memory_space<hbm>> -> memref<64x768xf32, #tpu.memory_space<hbm>>
      tpu.wait_dma2 semaphore(%run_scoped3A : memref<!tpu.dma_semaphore, #tpu.memory_space<semaphore_mem>>) src(%arg6 : memref<64x768xf32, #tpu.memory_space<vmem>>) dst(%dma_wait3A_56 : memref<64x768xf32, #tpu.memory_space<hbm>>)
      tpu.yield
    }) : () -> ()
    %dma_wait3A_18 = arith.constant 64 : i32
    %dma_wait3A_19 = tpu.memref_slice %arg5[%dma_wait3A_18] : memref<256xi32, #tpu.memory_space<vmem>> -> memref<64xi32, #tpu.memory_space<vmem>>
    %dma_wait3A_20 = arith.constant 0 : i32
    %dma_wait3A_21 = arith.constant 0 : i32
    %dma_wait3A_22 = tpu.memref_slice %arg2[%dma_wait3A_20, %dma_wait3A_21] : memref<2048x768xf32, #tpu.memory_space<hbm>> -> memref<2048x768xf32, #tpu.memory_space<hbm>>
    tpu.wait_indirect_dma semaphore(%arg9 : memref<!tpu.dma_semaphore, #tpu.memory_space<semaphore_mem>>) src(%dma_wait3A_22 : memref<2048x768xf32, #tpu.memory_space<hbm>>) dst(%arg7 : memref<64x768xf32, #tpu.memory_space<vmem>>)
    %dma_start3A_23 = arith.constant 128 : i32
    %dma_start3A_24 = tpu.memref_slice %arg5[%dma_start3A_23] : memref<256xi32, #tpu.memory_space<vmem>> -> memref<64xi32, #tpu.memory_space<vmem>>
    %dma_start3A_25 = arith.constant 0 : i32
    %dma_start3A_26 = arith.constant 0 : i32
    %dma_start3A_27 = tpu.memref_slice %arg2[%dma_start3A_25, %dma_start3A_26] : memref<2048x768xf32, #tpu.memory_space<hbm>> -> memref<2048x768xf32, #tpu.memory_space<hbm>>
    tpu.enqueue_indirect_dma source(%dma_start3A_27 : memref<2048x768xf32, #tpu.memory_space<hbm>>) target(%arg6 : memref<64x768xf32, #tpu.memory_space<vmem>>) offsets(%dma_start3A_24 : memref<64xi32, #tpu.memory_space<vmem>>) semaphore(%arg8 : memref<!tpu.dma_semaphore, #tpu.memory_space<semaphore_mem>>)
    %add3A_28 = arith.constant 64 : i32
    %add3A_29 = arith.addi %mul3A_2, %add3A_28 : i32
    "tpu.region"() ({
      %run_scoped3A = tpu.sem_alloc : memref<!tpu.dma_semaphore, #tpu.memory_space<semaphore_mem>>
      %dma_start3A_49 = arith.constant 0 : i32
      %dma_start3A_50 = tpu.memref_slice %arg4[%add3A_29, %dma_start3A_49] : memref<8192x768xf32, #tpu.memory_space<hbm>> -> memref<64x768xf32, #tpu.memory_space<hbm>>
      %dma_start3A_51 = arith.constant 0 : i32
      %dma_start3A_52 = tpu.memref_slice %arg4[%add3A_29, %dma_start3A_51] : memref<8192x768xf32, #tpu.memory_space<hbm>> -> memref<64x768xf32, #tpu.memory_space<hbm>>
      tpu.enqueue_dma source(%arg7 : memref<64x768xf32, #tpu.memory_space<vmem>>) target(%dma_start3A_52 : memref<64x768xf32, #tpu.memory_space<hbm>>) target_semaphore(%run_scoped3A : memref<!tpu.dma_semaphore, #tpu.memory_space<semaphore_mem>>)
      %dma_wait3A_53 = arith.constant 0 : i32
      %dma_wait3A_54 = tpu.memref_slice %arg4[%add3A_29, %dma_wait3A_53] : memref<8192x768xf32, #tpu.memory_space<hbm>> -> memref<64x768xf32, #tpu.memory_space<hbm>>
      %dma_wait3A_55 = arith.constant 0 : i32
      %dma_wait3A_56 = tpu.memref_slice %arg4[%add3A_29, %dma_wait3A_55] : memref<8192x768xf32, #tpu.memory_space<hbm>> -> memref<64x768xf32, #tpu.memory_space<hbm>>
      tpu.wait_dma2 semaphore(%run_scoped3A : memref<!tpu.dma_semaphore, #tpu.memory_space<semaphore_mem>>) src(%arg7 : memref<64x768xf32, #tpu.memory_space<vmem>>) dst(%dma_wait3A_56 : memref<64x768xf32, #tpu.memory_space<hbm>>)
      tpu.yield
    }) : () -> ()
    %dma_wait3A_30 = arith.constant 128 : i32
    %dma_wait3A_31 = tpu.memref_slice %arg5[%dma_wait3A_30] : memref<256xi32, #tpu.memory_space<vmem>> -> memref<64xi32, #tpu.memory_space<vmem>>
    %dma_wait3A_32 = arith.constant 0 : i32
    %dma_wait3A_33 = arith.constant 0 : i32
    %dma_wait3A_34 = tpu.memref_slice %arg2[%dma_wait3A_32, %dma_wait3A_33] : memref<2048x768xf32, #tpu.memory_space<hbm>> -> memref<2048x768xf32, #tpu.memory_space<hbm>>
    tpu.wait_indirect_dma semaphore(%arg8 : memref<!tpu.dma_semaphore, #tpu.memory_space<semaphore_mem>>) src(%dma_wait3A_34 : memref<2048x768xf32, #tpu.memory_space<hbm>>) dst(%arg6 : memref<64x768xf32, #tpu.memory_space<vmem>>)
    %dma_start3A_35 = arith.constant 192 : i32
    %dma_start3A_36 = tpu.memref_slice %arg5[%dma_start3A_35] : memref<256xi32, #tpu.memory_space<vmem>> -> memref<64xi32, #tpu.memory_space<vmem>>
    %dma_start3A_37 = arith.constant 0 : i32
    %dma_start3A_38 = arith.constant 0 : i32
    %dma_start3A_39 = tpu.memref_slice %arg2[%dma_start3A_37, %dma_start3A_38] : memref<2048x768xf32, #tpu.memory_space<hbm>> -> memref<2048x768xf32, #tpu.memory_space<hbm>>
    tpu.enqueue_indirect_dma source(%dma_start3A_39 : memref<2048x768xf32, #tpu.memory_space<hbm>>) target(%arg7 : memref<64x768xf32, #tpu.memory_space<vmem>>) offsets(%dma_start3A_36 : memref<64xi32, #tpu.memory_space<vmem>>) semaphore(%arg9 : memref<!tpu.dma_semaphore, #tpu.memory_space<semaphore_mem>>)
    %add3A_40 = arith.constant 128 : i32
    %add3A_41 = arith.addi %mul3A_2, %add3A_40 : i32
    "tpu.region"() ({
      %run_scoped3A = tpu.sem_alloc : memref<!tpu.dma_semaphore, #tpu.memory_space<semaphore_mem>>
      %dma_start3A_49 = arith.constant 0 : i32
      %dma_start3A_50 = tpu.memref_slice %arg4[%add3A_41, %dma_start3A_49] : memref<8192x768xf32, #tpu.memory_space<hbm>> -> memref<64x768xf32, #tpu.memory_space<hbm>>
      %dma_start3A_51 = arith.constant 0 : i32
      %dma_start3A_52 = tpu.memref_slice %arg4[%add3A_41, %dma_start3A_51] : memref<8192x768xf32, #tpu.memory_space<hbm>> -> memref<64x768xf32, #tpu.memory_space<hbm>>
      tpu.enqueue_dma source(%arg6 : memref<64x768xf32, #tpu.memory_space<vmem>>) target(%dma_start3A_52 : memref<64x768xf32, #tpu.memory_space<hbm>>) target_semaphore(%run_scoped3A : memref<!tpu.dma_semaphore, #tpu.memory_space<semaphore_mem>>)
      %dma_wait3A_53 = arith.constant 0 : i32
      %dma_wait3A_54 = tpu.memref_slice %arg4[%add3A_41, %dma_wait3A_53] : memref<8192x768xf32, #tpu.memory_space<hbm>> -> memref<64x768xf32, #tpu.memory_space<hbm>>
      %dma_wait3A_55 = arith.constant 0 : i32
      %dma_wait3A_56 = tpu.memref_slice %arg4[%add3A_41, %dma_wait3A_55] : memref<8192x768xf32, #tpu.memory_space<hbm>> -> memref<64x768xf32, #tpu.memory_space<hbm>>
      tpu.wait_dma2 semaphore(%run_scoped3A : memref<!tpu.dma_semaphore, #tpu.memory_space<semaphore_mem>>) src(%arg6 : memref<64x768xf32, #tpu.memory_space<vmem>>) dst(%dma_wait3A_56 : memref<64x768xf32, #tpu.memory_space<hbm>>)
      tpu.yield
    }) : () -> ()
    %dma_wait3A_42 = arith.constant 192 : i32
    %dma_wait3A_43 = tpu.memref_slice %arg5[%dma_wait3A_42] : memref<256xi32, #tpu.memory_space<vmem>> -> memref<64xi32, #tpu.memory_space<vmem>>
    %dma_wait3A_44 = arith.constant 0 : i32
    %dma_wait3A_45 = arith.constant 0 : i32
    %dma_wait3A_46 = tpu.memref_slice %arg2[%dma_wait3A_44, %dma_wait3A_45] : memref<2048x768xf32, #tpu.memory_space<hbm>> -> memref<2048x768xf32, #tpu.memory_space<hbm>>
    tpu.wait_indirect_dma semaphore(%arg9 : memref<!tpu.dma_semaphore, #tpu.memory_space<semaphore_mem>>) src(%dma_wait3A_46 : memref<2048x768xf32, #tpu.memory_space<hbm>>) dst(%arg7 : memref<64x768xf32, #tpu.memory_space<vmem>>)
    %add3A_47 = arith.constant 192 : i32
    %add3A_48 = arith.addi %mul3A_2, %add3A_47 : i32
    "tpu.region"() ({
      %run_scoped3A = tpu.sem_alloc : memref<!tpu.dma_semaphore, #tpu.memory_space<semaphore_mem>>
      %dma_start3A_49 = arith.constant 0 : i32
      %dma_start3A_50 = tpu.memref_slice %arg4[%add3A_48, %dma_start3A_49] : memref<8192x768xf32, #tpu.memory_space<hbm>> -> memref<64x768xf32, #tpu.memory_space<hbm>>
      %dma_start3A_51 = arith.constant 0 : i32
      %dma_start3A_52 = tpu.memref_slice %arg4[%add3A_48, %dma_start3A_51] : memref<8192x768xf32, #tpu.memory_space<hbm>> -> memref<64x768xf32, #tpu.memory_space<hbm>>
      tpu.enqueue_dma source(%arg7 : memref<64x768xf32, #tpu.memory_space<vmem>>) target(%dma_start3A_52 : memref<64x768xf32, #tpu.memory_space<hbm>>) target_semaphore(%run_scoped3A : memref<!tpu.dma_semaphore, #tpu.memory_space<semaphore_mem>>)
      %dma_wait3A_53 = arith.constant 0 : i32
      %dma_wait3A_54 = tpu.memref_slice %arg4[%add3A_48, %dma_wait3A_53] : memref<8192x768xf32, #tpu.memory_space<hbm>> -> memref<64x768xf32, #tpu.memory_space<hbm>>
      %dma_wait3A_55 = arith.constant 0 : i32
      %dma_wait3A_56 = tpu.memref_slice %arg4[%add3A_48, %dma_wait3A_55] : memref<8192x768xf32, #tpu.memory_space<hbm>> -> memref<64x768xf32, #tpu.memory_space<hbm>>
      tpu.wait_dma2 semaphore(%run_scoped3A : memref<!tpu.dma_semaphore, #tpu.memory_space<semaphore_mem>>) src(%arg7 : memref<64x768xf32, #tpu.memory_space<vmem>>) dst(%dma_wait3A_56 : memref<64x768xf32, #tpu.memory_space<hbm>>)
      tpu.yield
    }) : () -> ()
    return
  }
}

#map = affine_map<(d0, d1) -> (0, 0)>
#map1 = affine_map<(d0, d1) -> (0)>
module attributes {stable_mosaic.version = 14 : i64} {
  func.func @combine(%arg0: i32, %arg1: i32, %arg2: memref<8320x768xf32, #tpu.memory_space<hbm>>, %arg3: memref<2048xi32, #tpu.memory_space<hbm>>, %arg4: memref<2048xi32, #tpu.memory_space<hbm>>, %arg5: memref<2048x768xf32, #tpu.memory_space<hbm>>, %arg6: memref<64xi32, #tpu.memory_space<vmem>>, %arg7: memref<64xi32, #tpu.memory_space<vmem>>, %arg8: memref<64x768xf32, #tpu.memory_space<vmem>>, %arg9: memref<64x768xf32, #tpu.memory_space<vmem>>, %arg10: memref<!tpu.dma_semaphore, #tpu.memory_space<semaphore_mem>>, %arg11: memref<!tpu.dma_semaphore, #tpu.memory_space<semaphore_mem>>) attributes {dimension_semantics = [#tpu.dimension_semantics<core_parallel>, #tpu.dimension_semantics<subcore_parallel>], iteration_bounds = array<i64: 2, 16>, scalar_prefetch = 0 : i64, scratch_operands = 6 : i64, tpu.core_type = #tpu.core_type<sc_vector_subcore>, window_params = [{transform_indices = #map}, {transform_indices = #map1}, {transform_indices = #map1}, {transform_indices = #map}]} {
    %mul3A = arith.constant 16 : i32
    %mul3A_0 = arith.muli %arg0, %mul3A : i32
    %add3A = arith.addi %mul3A_0, %arg1 : i32
    %mul3A_1 = arith.constant 64 : i32
    %mul3A_2 = arith.muli %add3A, %mul3A_1 : i32
    "tpu.region"() ({
      %run_scoped3A = tpu.sem_alloc : memref<!tpu.dma_semaphore, #tpu.memory_space<semaphore_mem>>
      %dma_start3A_19 = tpu.memref_slice %arg3[%mul3A_2] : memref<2048xi32, #tpu.memory_space<hbm>> -> memref<64xi32, #tpu.memory_space<hbm>>
      %dma_start3A_20 = tpu.memref_slice %arg3[%mul3A_2] : memref<2048xi32, #tpu.memory_space<hbm>> -> memref<64xi32, #tpu.memory_space<hbm>>
      tpu.enqueue_dma source(%dma_start3A_20 : memref<64xi32, #tpu.memory_space<hbm>>) target(%arg6 : memref<64xi32, #tpu.memory_space<vmem>>) target_semaphore(%run_scoped3A : memref<!tpu.dma_semaphore, #tpu.memory_space<semaphore_mem>>)
      %dma_wait3A_21 = tpu.memref_slice %arg3[%mul3A_2] : memref<2048xi32, #tpu.memory_space<hbm>> -> memref<64xi32, #tpu.memory_space<hbm>>
      %dma_wait3A_22 = tpu.memref_slice %arg3[%mul3A_2] : memref<2048xi32, #tpu.memory_space<hbm>> -> memref<64xi32, #tpu.memory_space<hbm>>
      tpu.wait_dma2 semaphore(%run_scoped3A : memref<!tpu.dma_semaphore, #tpu.memory_space<semaphore_mem>>) src(%dma_wait3A_22 : memref<64xi32, #tpu.memory_space<hbm>>) dst(%arg6 : memref<64xi32, #tpu.memory_space<vmem>>)
      tpu.yield
    }) : () -> ()
    %dma_start3A = arith.constant 0 : i32
    %dma_start3A_3 = arith.constant 0 : i32
    %dma_start3A_4 = tpu.memref_slice %arg2[%dma_start3A, %dma_start3A_3] : memref<8320x768xf32, #tpu.memory_space<hbm>> -> memref<8320x768xf32, #tpu.memory_space<hbm>>
    tpu.enqueue_indirect_dma source(%dma_start3A_4 : memref<8320x768xf32, #tpu.memory_space<hbm>>) target(%arg8 : memref<64x768xf32, #tpu.memory_space<vmem>>) offsets(%arg6 : memref<64xi32, #tpu.memory_space<vmem>>) semaphore(%arg10 : memref<!tpu.dma_semaphore, #tpu.memory_space<semaphore_mem>>)
    "tpu.region"() ({
      %run_scoped3A = tpu.sem_alloc : memref<!tpu.dma_semaphore, #tpu.memory_space<semaphore_mem>>
      %dma_start3A_19 = tpu.memref_slice %arg4[%mul3A_2] : memref<2048xi32, #tpu.memory_space<hbm>> -> memref<64xi32, #tpu.memory_space<hbm>>
      %dma_start3A_20 = tpu.memref_slice %arg4[%mul3A_2] : memref<2048xi32, #tpu.memory_space<hbm>> -> memref<64xi32, #tpu.memory_space<hbm>>
      tpu.enqueue_dma source(%dma_start3A_20 : memref<64xi32, #tpu.memory_space<hbm>>) target(%arg7 : memref<64xi32, #tpu.memory_space<vmem>>) target_semaphore(%run_scoped3A : memref<!tpu.dma_semaphore, #tpu.memory_space<semaphore_mem>>)
      %dma_wait3A_21 = tpu.memref_slice %arg4[%mul3A_2] : memref<2048xi32, #tpu.memory_space<hbm>> -> memref<64xi32, #tpu.memory_space<hbm>>
      %dma_wait3A_22 = tpu.memref_slice %arg4[%mul3A_2] : memref<2048xi32, #tpu.memory_space<hbm>> -> memref<64xi32, #tpu.memory_space<hbm>>
      tpu.wait_dma2 semaphore(%run_scoped3A : memref<!tpu.dma_semaphore, #tpu.memory_space<semaphore_mem>>) src(%dma_wait3A_22 : memref<64xi32, #tpu.memory_space<hbm>>) dst(%arg7 : memref<64xi32, #tpu.memory_space<vmem>>)
      tpu.yield
    }) : () -> ()
    %dma_start3A_5 = arith.constant 0 : i32
    %dma_start3A_6 = arith.constant 0 : i32
    %dma_start3A_7 = tpu.memref_slice %arg2[%dma_start3A_5, %dma_start3A_6] : memref<8320x768xf32, #tpu.memory_space<hbm>> -> memref<8320x768xf32, #tpu.memory_space<hbm>>
    tpu.enqueue_indirect_dma source(%dma_start3A_7 : memref<8320x768xf32, #tpu.memory_space<hbm>>) target(%arg9 : memref<64x768xf32, #tpu.memory_space<vmem>>) offsets(%arg7 : memref<64xi32, #tpu.memory_space<vmem>>) semaphore(%arg11 : memref<!tpu.dma_semaphore, #tpu.memory_space<semaphore_mem>>)
    %dma_wait3A = arith.constant 0 : i32
    %dma_wait3A_8 = arith.constant 0 : i32
    %dma_wait3A_9 = tpu.memref_slice %arg2[%dma_wait3A, %dma_wait3A_8] : memref<8320x768xf32, #tpu.memory_space<hbm>> -> memref<8320x768xf32, #tpu.memory_space<hbm>>
    tpu.wait_indirect_dma semaphore(%arg10 : memref<!tpu.dma_semaphore, #tpu.memory_space<semaphore_mem>>) src(%dma_wait3A_9 : memref<8320x768xf32, #tpu.memory_space<hbm>>) dst(%arg8 : memref<64x768xf32, #tpu.memory_space<vmem>>)
    %dma_wait3A_10 = arith.constant 0 : i32
    %dma_wait3A_11 = arith.constant 0 : i32
    %dma_wait3A_12 = tpu.memref_slice %arg2[%dma_wait3A_10, %dma_wait3A_11] : memref<8320x768xf32, #tpu.memory_space<hbm>> -> memref<8320x768xf32, #tpu.memory_space<hbm>>
    tpu.wait_indirect_dma semaphore(%arg11 : memref<!tpu.dma_semaphore, #tpu.memory_space<semaphore_mem>>) src(%dma_wait3A_12 : memref<8320x768xf32, #tpu.memory_space<hbm>>) dst(%arg9 : memref<64x768xf32, #tpu.memory_space<vmem>>)
    %scan3A = arith.constant 0 : i32
    %scan3A_13 = arith.constant 0 : i32
    %scan3A_14 = arith.constant 64 : i32
    %scan3A_15 = arith.addi %scan3A_13, %scan3A_14 : i32
    %scan3A_16 = arith.constant 1 : i32
    %scan3A_17 = scf.for %scan3A_19 = %scan3A_13 to %scan3A_15 step %scan3A_16 iter_args(%scan3A_20 = %scan3A) -> (i32)  : i32 {
      %get3A = arith.index_cast %scan3A_19 : i32 to index
      %get3A_21 = arith.constant 0 : index
      %get3A_22 = tpu.vector_load %arg8[%get3A, %get3A_21] {strides = array<i32>} : memref<64x768xf32, #tpu.memory_space<vmem>>, vector<1x16xf32>,
      %get3A_23 = vector.shape_cast %get3A_22 : vector<1x16xf32> to vector<16xf32>
      %get3A_24 = arith.index_cast %scan3A_19 : i32 to index
      %get3A_25 = arith.constant 0 : index
      %get3A_26 = tpu.vector_load %arg9[%get3A_24, %get3A_25] {strides = array<i32>} : memref<64x768xf32, #tpu.memory_space<vmem>>, vector<1x16xf32>,
      %get3A_27 = vector.shape_cast %get3A_26 : vector<1x16xf32> to vector<16xf32>
      %add3A_28 = arith.addf %get3A_23, %get3A_27 : vector<16xf32>
      %swap3A = arith.index_cast %scan3A_19 : i32 to index
      %swap3A_29 = arith.constant 0 : index
      %swap3A_30 = tpu.vector_load %arg8[%swap3A, %swap3A_29] {strides = array<i32>} : memref<64x768xf32, #tpu.memory_space<vmem>>, vector<1x16xf32>,
      %swap3A_31 = vector.shape_cast %swap3A_30 : vector<1x16xf32> to vector<16xf32>
      %swap3A_32 = vector.shape_cast %add3A_28 : vector<16xf32> to vector<1x16xf32>
      tpu.vector_store %arg8[%swap3A, %swap3A_29], %swap3A_32 {strides = array<i32>} : memref<64x768xf32, #tpu.memory_space<vmem>>, vector<1x16xf32>,
      %get3A_33 = arith.index_cast %scan3A_19 : i32 to index
      %get3A_34 = arith.constant 16 : index
      %get3A_35 = tpu.vector_load %arg8[%get3A_33, %get3A_34] {strides = array<i32>} : memref<64x768xf32, #tpu.memory_space<vmem>>, vector<1x16xf32>,
      %get3A_36 = vector.shape_cast %get3A_35 : vector<1x16xf32> to vector<16xf32>
      %get3A_37 = arith.index_cast %scan3A_19 : i32 to index
      %get3A_38 = arith.constant 16 : index
      %get3A_39 = tpu.vector_load %arg9[%get3A_37, %get3A_38] {strides = array<i32>} : memref<64x768xf32, #tpu.memory_space<vmem>>, vector<1x16xf32>,
      %get3A_40 = vector.shape_cast %get3A_39 : vector<1x16xf32> to vector<16xf32>
      %add3A_41 = arith.addf %get3A_36, %get3A_40 : vector<16xf32>
      %swap3A_42 = arith.index_cast %scan3A_19 : i32 to index
      %swap3A_43 = arith.constant 16 : index
      %swap3A_44 = tpu.vector_load %arg8[%swap3A_42, %swap3A_43] {strides = array<i32>} : memref<64x768xf32, #tpu.memory_space<vmem>>, vector<1x16xf32>,
      %swap3A_45 = vector.shape_cast %swap3A_44 : vector<1x16xf32> to vector<16xf32>
      %swap3A_46 = vector.shape_cast %add3A_41 : vector<16xf32> to vector<1x16xf32>
      tpu.vector_store %arg8[%swap3A_42, %swap3A_43], %swap3A_46 {strides = array<i32>} : memref<64x768xf32, #tpu.memory_space<vmem>>, vector<1x16xf32>,
      %get3A_47 = arith.index_cast %scan3A_19 : i32 to index
      %get3A_48 = arith.constant 32 : index
      %get3A_49 = tpu.vector_load %arg8[%get3A_47, %get3A_48] {strides = array<i32>} : memref<64x768xf32, #tpu.memory_space<vmem>>, vector<1x16xf32>,
      %get3A_50 = vector.shape_cast %get3A_49 : vector<1x16xf32> to vector<16xf32>
      %get3A_51 = arith.index_cast %scan3A_19 : i32 to index
      %get3A_52 = arith.constant 32 : index
      %get3A_53 = tpu.vector_load %arg9[%get3A_51, %get3A_52] {strides = array<i32>} : memref<64x768xf32, #tpu.memory_space<vmem>>, vector<1x16xf32>,
      %get3A_54 = vector.shape_cast %get3A_53 : vector<1x16xf32> to vector<16xf32>
      %add3A_55 = arith.addf %get3A_50, %get3A_54 : vector<16xf32>
      %swap3A_56 = arith.index_cast %scan3A_19 : i32 to index
      %swap3A_57 = arith.constant 32 : index
      %swap3A_58 = tpu.vector_load %arg8[%swap3A_56, %swap3A_57] {strides = array<i32>} : memref<64x768xf32, #tpu.memory_space<vmem>>, vector<1x16xf32>,
      %swap3A_59 = vector.shape_cast %swap3A_58 : vector<1x16xf32> to vector<16xf32>
      %swap3A_60 = vector.shape_cast %add3A_55 : vector<16xf32> to vector<1x16xf32>
      tpu.vector_store %arg8[%swap3A_56, %swap3A_57], %swap3A_60 {strides = array<i32>} : memref<64x768xf32, #tpu.memory_space<vmem>>, vector<1x16xf32>,
      %get3A_61 = arith.index_cast %scan3A_19 : i32 to index
      %get3A_62 = arith.constant 48 : index
      %get3A_63 = tpu.vector_load %arg8[%get3A_61, %get3A_62] {strides = array<i32>} : memref<64x768xf32, #tpu.memory_space<vmem>>, vector<1x16xf32>,
      %get3A_64 = vector.shape_cast %get3A_63 : vector<1x16xf32> to vector<16xf32>
      %get3A_65 = arith.index_cast %scan3A_19 : i32 to index
      %get3A_66 = arith.constant 48 : index
      %get3A_67 = tpu.vector_load %arg9[%get3A_65, %get3A_66] {strides = array<i32>} : memref<64x768xf32, #tpu.memory_space<vmem>>, vector<1x16xf32>,
      %get3A_68 = vector.shape_cast %get3A_67 : vector<1x16xf32> to vector<16xf32>
      %add3A_69 = arith.addf %get3A_64, %get3A_68 : vector<16xf32>
      %swap3A_70 = arith.index_cast %scan3A_19 : i32 to index
      %swap3A_71 = arith.constant 48 : index
      %swap3A_72 = tpu.vector_load %arg8[%swap3A_70, %swap3A_71] {strides = array<i32>} : memref<64x768xf32, #tpu.memory_space<vmem>>, vector<1x16xf32>,
      %swap3A_73 = vector.shape_cast %swap3A_72 : vector<1x16xf32> to vector<16xf32>
      %swap3A_74 = vector.shape_cast %add3A_69 : vector<16xf32> to vector<1x16xf32>
      tpu.vector_store %arg8[%swap3A_70, %swap3A_71], %swap3A_74 {strides = array<i32>} : memref<64x768xf32, #tpu.memory_space<vmem>>, vector<1x16xf32>,
      %get3A_75 = arith.index_cast %scan3A_19 : i32 to index
      %get3A_76 = arith.constant 64 : index
      %get3A_77 = tpu.vector_load %arg8[%get3A_75, %get3A_76] {strides = array<i32>} : memref<64x768xf32, #tpu.memory_space<vmem>>, vector<1x16xf32>,
      %get3A_78 = vector.shape_cast %get3A_77 : vector<1x16xf32> to vector<16xf32>
      %get3A_79 = arith.index_cast %scan3A_19 : i32 to index
      %get3A_80 = arith.constant 64 : index
      %get3A_81 = tpu.vector_load %arg9[%get3A_79, %get3A_80] {strides = array<i32>} : memref<64x768xf32, #tpu.memory_space<vmem>>, vector<1x16xf32>,
      %get3A_82 = vector.shape_cast %get3A_81 : vector<1x16xf32> to vector<16xf32>
      %add3A_83 = arith.addf %get3A_78, %get3A_82 : vector<16xf32>
      %swap3A_84 = arith.index_cast %scan3A_19 : i32 to index
      %swap3A_85 = arith.constant 64 : index
      %swap3A_86 = tpu.vector_load %arg8[%swap3A_84, %swap3A_85] {strides = array<i32>} : memref<64x768xf32, #tpu.memory_space<vmem>>, vector<1x16xf32>,
      %swap3A_87 = vector.shape_cast %swap3A_86 : vector<1x16xf32> to vector<16xf32>
      %swap3A_88 = vector.shape_cast %add3A_83 : vector<16xf32> to vector<1x16xf32>
      tpu.vector_store %arg8[%swap3A_84, %swap3A_85], %swap3A_88 {strides = array<i32>} : memref<64x768xf32, #tpu.memory_space<vmem>>, vector<1x16xf32>,
      %get3A_89 = arith.index_cast %scan3A_19 : i32 to index
      %get3A_90 = arith.constant 80 : index
      %get3A_91 = tpu.vector_load %arg8[%get3A_89, %get3A_90] {strides = array<i32>} : memref<64x768xf32, #tpu.memory_space<vmem>>, vector<1x16xf32>,
      %get3A_92 = vector.shape_cast %get3A_91 : vector<1x16xf32> to vector<16xf32>
      %get3A_93 = arith.index_cast %scan3A_19 : i32 to index
      %get3A_94 = arith.constant 80 : index
      %get3A_95 = tpu.vector_load %arg9[%get3A_93, %get3A_94] {strides = array<i32>} : memref<64x768xf32, #tpu.memory_space<vmem>>, vector<1x16xf32>,
      %get3A_96 = vector.shape_cast %get3A_95 : vector<1x16xf32> to vector<16xf32>
      %add3A_97 = arith.addf %get3A_92, %get3A_96 : vector<16xf32>
      %swap3A_98 = arith.index_cast %scan3A_19 : i32 to index
      %swap3A_99 = arith.constant 80 : index
      %swap3A_100 = tpu.vector_load %arg8[%swap3A_98, %swap3A_99] {strides = array<i32>} : memref<64x768xf32, #tpu.memory_space<vmem>>, vector<1x16xf32>,
      %swap3A_101 = vector.shape_cast %swap3A_100 : vector<1x16xf32> to vector<16xf32>
      %swap3A_102 = vector.shape_cast %add3A_97 : vector<16xf32> to vector<1x16xf32>
      tpu.vector_store %arg8[%swap3A_98, %swap3A_99], %swap3A_102 {strides = array<i32>} : memref<64x768xf32, #tpu.memory_space<vmem>>, vector<1x16xf32>,
      %get3A_103 = arith.index_cast %scan3A_19 : i32 to index
      %get3A_104 = arith.constant 96 : index
      %get3A_105 = tpu.vector_load %arg8[%get3A_103, %get3A_104] {strides = array<i32>} : memref<64x768xf32, #tpu.memory_space<vmem>>, vector<1x16xf32>,
      %get3A_106 = vector.shape_cast %get3A_105 : vector<1x16xf32> to vector<16xf32>
      %get3A_107 = arith.index_cast %scan3A_19 : i32 to index
      %get3A_108 = arith.constant 96 : index
      %get3A_109 = tpu.vector_load %arg9[%get3A_107, %get3A_108] {strides = array<i32>} : memref<64x768xf32, #tpu.memory_space<vmem>>, vector<1x16xf32>,
      %get3A_110 = vector.shape_cast %get3A_109 : vector<1x16xf32> to vector<16xf32>
      %add3A_111 = arith.addf %get3A_106, %get3A_110 : vector<16xf32>
      %swap3A_112 = arith.index_cast %scan3A_19 : i32 to index
      %swap3A_113 = arith.constant 96 : index
      %swap3A_114 = tpu.vector_load %arg8[%swap3A_112, %swap3A_113] {strides = array<i32>} : memref<64x768xf32, #tpu.memory_space<vmem>>, vector<1x16xf32>,
      %swap3A_115 = vector.shape_cast %swap3A_114 : vector<1x16xf32> to vector<16xf32>
      %swap3A_116 = vector.shape_cast %add3A_111 : vector<16xf32> to vector<1x16xf32>
      tpu.vector_store %arg8[%swap3A_112, %swap3A_113], %swap3A_116 {strides = array<i32>} : memref<64x768xf32, #tpu.memory_space<vmem>>, vector<1x16xf32>,
      %get3A_117 = arith.index_cast %scan3A_19 : i32 to index
      %get3A_118 = arith.constant 112 : index
      %get3A_119 = tpu.vector_load %arg8[%get3A_117, %get3A_118] {strides = array<i32>} : memref<64x768xf32, #tpu.memory_space<vmem>>, vector<1x16xf32>,
      %get3A_120 = vector.shape_cast %get3A_119 : vector<1x16xf32> to vector<16xf32>
      %get3A_121 = arith.index_cast %scan3A_19 : i32 to index
      %get3A_122 = arith.constant 112 : index
      %get3A_123 = tpu.vector_load %arg9[%get3A_121, %get3A_122] {strides = array<i32>} : memref<64x768xf32, #tpu.memory_space<vmem>>, vector<1x16xf32>,
      %get3A_124 = vector.shape_cast %get3A_123 : vector<1x16xf32> to vector<16xf32>
      %add3A_125 = arith.addf %get3A_120, %get3A_124 : vector<16xf32>
      %swap3A_126 = arith.index_cast %scan3A_19 : i32 to index
      %swap3A_127 = arith.constant 112 : index
      %swap3A_128 = tpu.vector_load %arg8[%swap3A_126, %swap3A_127] {strides = array<i32>} : memref<64x768xf32, #tpu.memory_space<vmem>>, vector<1x16xf32>,
      %swap3A_129 = vector.shape_cast %swap3A_128 : vector<1x16xf32> to vector<16xf32>
      %swap3A_130 = vector.shape_cast %add3A_125 : vector<16xf32> to vector<1x16xf32>
      tpu.vector_store %arg8[%swap3A_126, %swap3A_127], %swap3A_130 {strides = array<i32>} : memref<64x768xf32, #tpu.memory_space<vmem>>, vector<1x16xf32>,
      %get3A_131 = arith.index_cast %scan3A_19 : i32 to index
      %get3A_132 = arith.constant 128 : index
      %get3A_133 = tpu.vector_load %arg8[%get3A_131, %get3A_132] {strides = array<i32>} : memref<64x768xf32, #tpu.memory_space<vmem>>, vector<1x16xf32>,
      %get3A_134 = vector.shape_cast %get3A_133 : vector<1x16xf32> to vector<16xf32>
      %get3A_135 = arith.index_cast %scan3A_19 : i32 to index
      %get3A_136 = arith.constant 128 : index
      %get3A_137 = tpu.vector_load %arg9[%get3A_135, %get3A_136] {strides = array<i32>} : memref<64x768xf32, #tpu.memory_space<vmem>>, vector<1x16xf32>,
      %get3A_138 = vector.shape_cast %get3A_137 : vector<1x16xf32> to vector<16xf32>
      %add3A_139 = arith.addf %get3A_134, %get3A_138 : vector<16xf32>
      %swap3A_140 = arith.index_cast %scan3A_19 : i32 to index
      %swap3A_141 = arith.constant 128 : index
      %swap3A_142 = tpu.vector_load %arg8[%swap3A_140, %swap3A_141] {strides = array<i32>} : memref<64x768xf32, #tpu.memory_space<vmem>>, vector<1x16xf32>,
      %swap3A_143 = vector.shape_cast %swap3A_142 : vector<1x16xf32> to vector<16xf32>
      %swap3A_144 = vector.shape_cast %add3A_139 : vector<16xf32> to vector<1x16xf32>
      tpu.vector_store %arg8[%swap3A_140, %swap3A_141], %swap3A_144 {strides = array<i32>} : memref<64x768xf32, #tpu.memory_space<vmem>>, vector<1x16xf32>,
      %get3A_145 = arith.index_cast %scan3A_19 : i32 to index
      %get3A_146 = arith.constant 144 : index
      %get3A_147 = tpu.vector_load %arg8[%get3A_145, %get3A_146] {strides = array<i32>} : memref<64x768xf32, #tpu.memory_space<vmem>>, vector<1x16xf32>,
      %get3A_148 = vector.shape_cast %get3A_147 : vector<1x16xf32> to vector<16xf32>
      %get3A_149 = arith.index_cast %scan3A_19 : i32 to index
      %get3A_150 = arith.constant 144 : index
      %get3A_151 = tpu.vector_load %arg9[%get3A_149, %get3A_150] {strides = array<i32>} : memref<64x768xf32, #tpu.memory_space<vmem>>, vector<1x16xf32>,
      %get3A_152 = vector.shape_cast %get3A_151 : vector<1x16xf32> to vector<16xf32>
      %add3A_153 = arith.addf %get3A_148, %get3A_152 : vector<16xf32>
      %swap3A_154 = arith.index_cast %scan3A_19 : i32 to index
      %swap3A_155 = arith.constant 144 : index
      %swap3A_156 = tpu.vector_load %arg8[%swap3A_154, %swap3A_155] {strides = array<i32>} : memref<64x768xf32, #tpu.memory_space<vmem>>, vector<1x16xf32>,
      %swap3A_157 = vector.shape_cast %swap3A_156 : vector<1x16xf32> to vector<16xf32>
      %swap3A_158 = vector.shape_cast %add3A_153 : vector<16xf32> to vector<1x16xf32>
      tpu.vector_store %arg8[%swap3A_154, %swap3A_155], %swap3A_158 {strides = array<i32>} : memref<64x768xf32, #tpu.memory_space<vmem>>, vector<1x16xf32>,
      %get3A_159 = arith.index_cast %scan3A_19 : i32 to index
      %get3A_160 = arith.constant 160 : index
      %get3A_161 = tpu.vector_load %arg8[%get3A_159, %get3A_160] {strides = array<i32>} : memref<64x768xf32, #tpu.memory_space<vmem>>, vector<1x16xf32>,
      %get3A_162 = vector.shape_cast %get3A_161 : vector<1x16xf32> to vector<16xf32>
      %get3A_163 = arith.index_cast %scan3A_19 : i32 to index
      %get3A_164 = arith.constant 160 : index
      %get3A_165 = tpu.vector_load %arg9[%get3A_163, %get3A_164] {strides = array<i32>} : memref<64x768xf32, #tpu.memory_space<vmem>>, vector<1x16xf32>,
      %get3A_166 = vector.shape_cast %get3A_165 : vector<1x16xf32> to vector<16xf32>
      %add3A_167 = arith.addf %get3A_162, %get3A_166 : vector<16xf32>
      %swap3A_168 = arith.index_cast %scan3A_19 : i32 to index
      %swap3A_169 = arith.constant 160 : index
      %swap3A_170 = tpu.vector_load %arg8[%swap3A_168, %swap3A_169] {strides = array<i32>} : memref<64x768xf32, #tpu.memory_space<vmem>>, vector<1x16xf32>,
      %swap3A_171 = vector.shape_cast %swap3A_170 : vector<1x16xf32> to vector<16xf32>
      %swap3A_172 = vector.shape_cast %add3A_167 : vector<16xf32> to vector<1x16xf32>
      tpu.vector_store %arg8[%swap3A_168, %swap3A_169], %swap3A_172 {strides = array<i32>} : memref<64x768xf32, #tpu.memory_space<vmem>>, vector<1x16xf32>,
      %get3A_173 = arith.index_cast %scan3A_19 : i32 to index
      %get3A_174 = arith.constant 176 : index
      %get3A_175 = tpu.vector_load %arg8[%get3A_173, %get3A_174] {strides = array<i32>} : memref<64x768xf32, #tpu.memory_space<vmem>>, vector<1x16xf32>,
      %get3A_176 = vector.shape_cast %get3A_175 : vector<1x16xf32> to vector<16xf32>
      %get3A_177 = arith.index_cast %scan3A_19 : i32 to index
      %get3A_178 = arith.constant 176 : index
      %get3A_179 = tpu.vector_load %arg9[%get3A_177, %get3A_178] {strides = array<i32>} : memref<64x768xf32, #tpu.memory_space<vmem>>, vector<1x16xf32>,
      %get3A_180 = vector.shape_cast %get3A_179 : vector<1x16xf32> to vector<16xf32>
      %add3A_181 = arith.addf %get3A_176, %get3A_180 : vector<16xf32>
      %swap3A_182 = arith.index_cast %scan3A_19 : i32 to index
      %swap3A_183 = arith.constant 176 : index
      %swap3A_184 = tpu.vector_load %arg8[%swap3A_182, %swap3A_183] {strides = array<i32>} : memref<64x768xf32, #tpu.memory_space<vmem>>, vector<1x16xf32>,
      %swap3A_185 = vector.shape_cast %swap3A_184 : vector<1x16xf32> to vector<16xf32>
      %swap3A_186 = vector.shape_cast %add3A_181 : vector<16xf32> to vector<1x16xf32>
      tpu.vector_store %arg8[%swap3A_182, %swap3A_183], %swap3A_186 {strides = array<i32>} : memref<64x768xf32, #tpu.memory_space<vmem>>, vector<1x16xf32>,
      %get3A_187 = arith.index_cast %scan3A_19 : i32 to index
      %get3A_188 = arith.constant 192 : index
      %get3A_189 = tpu.vector_load %arg8[%get3A_187, %get3A_188] {strides = array<i32>} : memref<64x768xf32, #tpu.memory_space<vmem>>, vector<1x16xf32>,
      %get3A_190 = vector.shape_cast %get3A_189 : vector<1x16xf32> to vector<16xf32>
      %get3A_191 = arith.index_cast %scan3A_19 : i32 to index
      %get3A_192 = arith.constant 192 : index
      %get3A_193 = tpu.vector_load %arg9[%get3A_191, %get3A_192] {strides = array<i32>} : memref<64x768xf32, #tpu.memory_space<vmem>>, vector<1x16xf32>,
      %get3A_194 = vector.shape_cast %get3A_193 : vector<1x16xf32> to vector<16xf32>
      %add3A_195 = arith.addf %get3A_190, %get3A_194 : vector<16xf32>
      %swap3A_196 = arith.index_cast %scan3A_19 : i32 to index
      %swap3A_197 = arith.constant 192 : index
      %swap3A_198 = tpu.vector_load %arg8[%swap3A_196, %swap3A_197] {strides = array<i32>} : memref<64x768xf32, #tpu.memory_space<vmem>>, vector<1x16xf32>,
      %swap3A_199 = vector.shape_cast %swap3A_198 : vector<1x16xf32> to vector<16xf32>
      %swap3A_200 = vector.shape_cast %add3A_195 : vector<16xf32> to vector<1x16xf32>
      tpu.vector_store %arg8[%swap3A_196, %swap3A_197], %swap3A_200 {strides = array<i32>} : memref<64x768xf32, #tpu.memory_space<vmem>>, vector<1x16xf32>,
      %get3A_201 = arith.index_cast %scan3A_19 : i32 to index
      %get3A_202 = arith.constant 208 : index
      %get3A_203 = tpu.vector_load %arg8[%get3A_201, %get3A_202] {strides = array<i32>} : memref<64x768xf32, #tpu.memory_space<vmem>>, vector<1x16xf32>,
      %get3A_204 = vector.shape_cast %get3A_203 : vector<1x16xf32> to vector<16xf32>
      %get3A_205 = arith.index_cast %scan3A_19 : i32 to index
      %get3A_206 = arith.constant 208 : index
      %get3A_207 = tpu.vector_load %arg9[%get3A_205, %get3A_206] {strides = array<i32>} : memref<64x768xf32, #tpu.memory_space<vmem>>, vector<1x16xf32>,
      %get3A_208 = vector.shape_cast %get3A_207 : vector<1x16xf32> to vector<16xf32>
      %add3A_209 = arith.addf %get3A_204, %get3A_208 : vector<16xf32>
      %swap3A_210 = arith.index_cast %scan3A_19 : i32 to index
      %swap3A_211 = arith.constant 208 : index
      %swap3A_212 = tpu.vector_load %arg8[%swap3A_210, %swap3A_211] {strides = array<i32>} : memref<64x768xf32, #tpu.memory_space<vmem>>, vector<1x16xf32>,
      %swap3A_213 = vector.shape_cast %swap3A_212 : vector<1x16xf32> to vector<16xf32>
      %swap3A_214 = vector.shape_cast %add3A_209 : vector<16xf32> to vector<1x16xf32>
      tpu.vector_store %arg8[%swap3A_210, %swap3A_211], %swap3A_214 {strides = array<i32>} : memref<64x768xf32, #tpu.memory_space<vmem>>, vector<1x16xf32>,
      %get3A_215 = arith.index_cast %scan3A_19 : i32 to index
      %get3A_216 = arith.constant 224 : index
      %get3A_217 = tpu.vector_load %arg8[%get3A_215, %get3A_216] {strides = array<i32>} : memref<64x768xf32, #tpu.memory_space<vmem>>, vector<1x16xf32>,
      %get3A_218 = vector.shape_cast %get3A_217 : vector<1x16xf32> to vector<16xf32>
      %get3A_219 = arith.index_cast %scan3A_19 : i32 to index
      %get3A_220 = arith.constant 224 : index
      %get3A_221 = tpu.vector_load %arg9[%get3A_219, %get3A_220] {strides = array<i32>} : memref<64x768xf32, #tpu.memory_space<vmem>>, vector<1x16xf32>,
      %get3A_222 = vector.shape_cast %get3A_221 : vector<1x16xf32> to vector<16xf32>
      %add3A_223 = arith.addf %get3A_218, %get3A_222 : vector<16xf32>
      %swap3A_224 = arith.index_cast %scan3A_19 : i32 to index
      %swap3A_225 = arith.constant 224 : index
      %swap3A_226 = tpu.vector_load %arg8[%swap3A_224, %swap3A_225] {strides = array<i32>} : memref<64x768xf32, #tpu.memory_space<vmem>>, vector<1x16xf32>,
      %swap3A_227 = vector.shape_cast %swap3A_226 : vector<1x16xf32> to vector<16xf32>
      %swap3A_228 = vector.shape_cast %add3A_223 : vector<16xf32> to vector<1x16xf32>
      tpu.vector_store %arg8[%swap3A_224, %swap3A_225], %swap3A_228 {strides = array<i32>} : memref<64x768xf32, #tpu.memory_space<vmem>>, vector<1x16xf32>,
      %get3A_229 = arith.index_cast %scan3A_19 : i32 to index
      %get3A_230 = arith.constant 240 : index
      %get3A_231 = tpu.vector_load %arg8[%get3A_229, %get3A_230] {strides = array<i32>} : memref<64x768xf32, #tpu.memory_space<vmem>>, vector<1x16xf32>,
      %get3A_232 = vector.shape_cast %get3A_231 : vector<1x16xf32> to vector<16xf32>
      %get3A_233 = arith.index_cast %scan3A_19 : i32 to index
      %get3A_234 = arith.constant 240 : index
      %get3A_235 = tpu.vector_load %arg9[%get3A_233, %get3A_234] {strides = array<i32>} : memref<64x768xf32, #tpu.memory_space<vmem>>, vector<1x16xf32>,
      %get3A_236 = vector.shape_cast %get3A_235 : vector<1x16xf32> to vector<16xf32>
      %add3A_237 = arith.addf %get3A_232, %get3A_236 : vector<16xf32>
      %swap3A_238 = arith.index_cast %scan3A_19 : i32 to index
      %swap3A_239 = arith.constant 240 : index
      %swap3A_240 = tpu.vector_load %arg8[%swap3A_238, %swap3A_239] {strides = array<i32>} : memref<64x768xf32, #tpu.memory_space<vmem>>, vector<1x16xf32>,
      %swap3A_241 = vector.shape_cast %swap3A_240 : vector<1x16xf32> to vector<16xf32>
      %swap3A_242 = vector.shape_cast %add3A_237 : vector<16xf32> to vector<1x16xf32>
      tpu.vector_store %arg8[%swap3A_238, %swap3A_239], %swap3A_242 {strides = array<i32>} : memref<64x768xf32, #tpu.memory_space<vmem>>, vector<1x16xf32>,
      %get3A_243 = arith.index_cast %scan3A_19 : i32 to index
      %get3A_244 = arith.constant 256 : index
      %get3A_245 = tpu.vector_load %arg8[%get3A_243, %get3A_244] {strides = array<i32>} : memref<64x768xf32, #tpu.memory_space<vmem>>, vector<1x16xf32>,
      %get3A_246 = vector.shape_cast %get3A_245 : vector<1x16xf32> to vector<16xf32>
      %get3A_247 = arith.index_cast %scan3A_19 : i32 to index
      %get3A_248 = arith.constant 256 : index
      %get3A_249 = tpu.vector_load %arg9[%get3A_247, %get3A_248] {strides = array<i32>} : memref<64x768xf32, #tpu.memory_space<vmem>>, vector<1x16xf32>,
      %get3A_250 = vector.shape_cast %get3A_249 : vector<1x16xf32> to vector<16xf32>
      %add3A_251 = arith.addf %get3A_246, %get3A_250 : vector<16xf32>
      %swap3A_252 = arith.index_cast %scan3A_19 : i32 to index
      %swap3A_253 = arith.constant 256 : index
      %swap3A_254 = tpu.vector_load %arg8[%swap3A_252, %swap3A_253] {strides = array<i32>} : memref<64x768xf32, #tpu.memory_space<vmem>>, vector<1x16xf32>,
      %swap3A_255 = vector.shape_cast %swap3A_254 : vector<1x16xf32> to vector<16xf32>
      %swap3A_256 = vector.shape_cast %add3A_251 : vector<16xf32> to vector<1x16xf32>
      tpu.vector_store %arg8[%swap3A_252, %swap3A_253], %swap3A_256 {strides = array<i32>} : memref<64x768xf32, #tpu.memory_space<vmem>>, vector<1x16xf32>,
      %get3A_257 = arith.index_cast %scan3A_19 : i32 to index
      %get3A_258 = arith.constant 272 : index
      %get3A_259 = tpu.vector_load %arg8[%get3A_257, %get3A_258] {strides = array<i32>} : memref<64x768xf32, #tpu.memory_space<vmem>>, vector<1x16xf32>,
      %get3A_260 = vector.shape_cast %get3A_259 : vector<1x16xf32> to vector<16xf32>
      %get3A_261 = arith.index_cast %scan3A_19 : i32 to index
      %get3A_262 = arith.constant 272 : index
      %get3A_263 = tpu.vector_load %arg9[%get3A_261, %get3A_262] {strides = array<i32>} : memref<64x768xf32, #tpu.memory_space<vmem>>, vector<1x16xf32>,
      %get3A_264 = vector.shape_cast %get3A_263 : vector<1x16xf32> to vector<16xf32>
      %add3A_265 = arith.addf %get3A_260, %get3A_264 : vector<16xf32>
      %swap3A_266 = arith.index_cast %scan3A_19 : i32 to index
      %swap3A_267 = arith.constant 272 : index
      %swap3A_268 = tpu.vector_load %arg8[%swap3A_266, %swap3A_267] {strides = array<i32>} : memref<64x768xf32, #tpu.memory_space<vmem>>, vector<1x16xf32>,
      %swap3A_269 = vector.shape_cast %swap3A_268 : vector<1x16xf32> to vector<16xf32>
      %swap3A_270 = vector.shape_cast %add3A_265 : vector<16xf32> to vector<1x16xf32>
      tpu.vector_store %arg8[%swap3A_266, %swap3A_267], %swap3A_270 {strides = array<i32>} : memref<64x768xf32, #tpu.memory_space<vmem>>, vector<1x16xf32>,
      %get3A_271 = arith.index_cast %scan3A_19 : i32 to index
      %get3A_272 = arith.constant 288 : index
      %get3A_273 = tpu.vector_load %arg8[%get3A_271, %get3A_272] {strides = array<i32>} : memref<64x768xf32, #tpu.memory_space<vmem>>, vector<1x16xf32>,
      %get3A_274 = vector.shape_cast %get3A_273 : vector<1x16xf32> to vector<16xf32>
      %get3A_275 = arith.index_cast %scan3A_19 : i32 to index
      %get3A_276 = arith.constant 288 : index
      %get3A_277 = tpu.vector_load %arg9[%get3A_275, %get3A_276] {strides = array<i32>} : memref<64x768xf32, #tpu.memory_space<vmem>>, vector<1x16xf32>,
      %get3A_278 = vector.shape_cast %get3A_277 : vector<1x16xf32> to vector<16xf32>
      %add3A_279 = arith.addf %get3A_274, %get3A_278 : vector<16xf32>
      %swap3A_280 = arith.index_cast %scan3A_19 : i32 to index
      %swap3A_281 = arith.constant 288 : index
      %swap3A_282 = tpu.vector_load %arg8[%swap3A_280, %swap3A_281] {strides = array<i32>} : memref<64x768xf32, #tpu.memory_space<vmem>>, vector<1x16xf32>,
      %swap3A_283 = vector.shape_cast %swap3A_282 : vector<1x16xf32> to vector<16xf32>
      %swap3A_284 = vector.shape_cast %add3A_279 : vector<16xf32> to vector<1x16xf32>
      tpu.vector_store %arg8[%swap3A_280, %swap3A_281], %swap3A_284 {strides = array<i32>} : memref<64x768xf32, #tpu.memory_space<vmem>>, vector<1x16xf32>,
      %get3A_285 = arith.index_cast %scan3A_19 : i32 to index
      %get3A_286 = arith.constant 304 : index
      %get3A_287 = tpu.vector_load %arg8[%get3A_285, %get3A_286] {strides = array<i32>} : memref<64x768xf32, #tpu.memory_space<vmem>>, vector<1x16xf32>,
      %get3A_288 = vector.shape_cast %get3A_287 : vector<1x16xf32> to vector<16xf32>
      %get3A_289 = arith.index_cast %scan3A_19 : i32 to index
      %get3A_290 = arith.constant 304 : index
      %get3A_291 = tpu.vector_load %arg9[%get3A_289, %get3A_290] {strides = array<i32>} : memref<64x768xf32, #tpu.memory_space<vmem>>, vector<1x16xf32>,
      %get3A_292 = vector.shape_cast %get3A_291 : vector<1x16xf32> to vector<16xf32>
      %add3A_293 = arith.addf %get3A_288, %get3A_292 : vector<16xf32>
      %swap3A_294 = arith.index_cast %scan3A_19 : i32 to index
      %swap3A_295 = arith.constant 304 : index
      %swap3A_296 = tpu.vector_load %arg8[%swap3A_294, %swap3A_295] {strides = array<i32>} : memref<64x768xf32, #tpu.memory_space<vmem>>, vector<1x16xf32>,
      %swap3A_297 = vector.shape_cast %swap3A_296 : vector<1x16xf32> to vector<16xf32>
      %swap3A_298 = vector.shape_cast %add3A_293 : vector<16xf32> to vector<1x16xf32>
      tpu.vector_store %arg8[%swap3A_294, %swap3A_295], %swap3A_298 {strides = array<i32>} : memref<64x768xf32, #tpu.memory_space<vmem>>, vector<1x16xf32>,
      %get3A_299 = arith.index_cast %scan3A_19 : i32 to index
      %get3A_300 = arith.constant 320 : index
      %get3A_301 = tpu.vector_load %arg8[%get3A_299, %get3A_300] {strides = array<i32>} : memref<64x768xf32, #tpu.memory_space<vmem>>, vector<1x16xf32>,
      %get3A_302 = vector.shape_cast %get3A_301 : vector<1x16xf32> to vector<16xf32>
      %get3A_303 = arith.index_cast %scan3A_19 : i32 to index
      %get3A_304 = arith.constant 320 : index
      %get3A_305 = tpu.vector_load %arg9[%get3A_303, %get3A_304] {strides = array<i32>} : memref<64x768xf32, #tpu.memory_space<vmem>>, vector<1x16xf32>,
      %get3A_306 = vector.shape_cast %get3A_305 : vector<1x16xf32> to vector<16xf32>
      %add3A_307 = arith.addf %get3A_302, %get3A_306 : vector<16xf32>
      %swap3A_308 = arith.index_cast %scan3A_19 : i32 to index
      %swap3A_309 = arith.constant 320 : index
      %swap3A_310 = tpu.vector_load %arg8[%swap3A_308, %swap3A_309] {strides = array<i32>} : memref<64x768xf32, #tpu.memory_space<vmem>>, vector<1x16xf32>,
      %swap3A_311 = vector.shape_cast %swap3A_310 : vector<1x16xf32> to vector<16xf32>
      %swap3A_312 = vector.shape_cast %add3A_307 : vector<16xf32> to vector<1x16xf32>
      tpu.vector_store %arg8[%swap3A_308, %swap3A_309], %swap3A_312 {strides = array<i32>} : memref<64x768xf32, #tpu.memory_space<vmem>>, vector<1x16xf32>,
      %get3A_313 = arith.index_cast %scan3A_19 : i32 to index
      %get3A_314 = arith.constant 336 : index
      %get3A_315 = tpu.vector_load %arg8[%get3A_313, %get3A_314] {strides = array<i32>} : memref<64x768xf32, #tpu.memory_space<vmem>>, vector<1x16xf32>,
      %get3A_316 = vector.shape_cast %get3A_315 : vector<1x16xf32> to vector<16xf32>
      %get3A_317 = arith.index_cast %scan3A_19 : i32 to index
      %get3A_318 = arith.constant 336 : index
      %get3A_319 = tpu.vector_load %arg9[%get3A_317, %get3A_318] {strides = array<i32>} : memref<64x768xf32, #tpu.memory_space<vmem>>, vector<1x16xf32>,
      %get3A_320 = vector.shape_cast %get3A_319 : vector<1x16xf32> to vector<16xf32>
      %add3A_321 = arith.addf %get3A_316, %get3A_320 : vector<16xf32>
      %swap3A_322 = arith.index_cast %scan3A_19 : i32 to index
      %swap3A_323 = arith.constant 336 : index
      %swap3A_324 = tpu.vector_load %arg8[%swap3A_322, %swap3A_323] {strides = array<i32>} : memref<64x768xf32, #tpu.memory_space<vmem>>, vector<1x16xf32>,
      %swap3A_325 = vector.shape_cast %swap3A_324 : vector<1x16xf32> to vector<16xf32>
      %swap3A_326 = vector.shape_cast %add3A_321 : vector<16xf32> to vector<1x16xf32>
      tpu.vector_store %arg8[%swap3A_322, %swap3A_323], %swap3A_326 {strides = array<i32>} : memref<64x768xf32, #tpu.memory_space<vmem>>, vector<1x16xf32>,
      %get3A_327 = arith.index_cast %scan3A_19 : i32 to index
      %get3A_328 = arith.constant 352 : index
      %get3A_329 = tpu.vector_load %arg8[%get3A_327, %get3A_328] {strides = array<i32>} : memref<64x768xf32, #tpu.memory_space<vmem>>, vector<1x16xf32>,
      %get3A_330 = vector.shape_cast %get3A_329 : vector<1x16xf32> to vector<16xf32>
      %get3A_331 = arith.index_cast %scan3A_19 : i32 to index
      %get3A_332 = arith.constant 352 : index
      %get3A_333 = tpu.vector_load %arg9[%get3A_331, %get3A_332] {strides = array<i32>} : memref<64x768xf32, #tpu.memory_space<vmem>>, vector<1x16xf32>,
      %get3A_334 = vector.shape_cast %get3A_333 : vector<1x16xf32> to vector<16xf32>
      %add3A_335 = arith.addf %get3A_330, %get3A_334 : vector<16xf32>
      %swap3A_336 = arith.index_cast %scan3A_19 : i32 to index
      %swap3A_337 = arith.constant 352 : index
      %swap3A_338 = tpu.vector_load %arg8[%swap3A_336, %swap3A_337] {strides = array<i32>} : memref<64x768xf32, #tpu.memory_space<vmem>>, vector<1x16xf32>,
      %swap3A_339 = vector.shape_cast %swap3A_338 : vector<1x16xf32> to vector<16xf32>
      %swap3A_340 = vector.shape_cast %add3A_335 : vector<16xf32> to vector<1x16xf32>
      tpu.vector_store %arg8[%swap3A_336, %swap3A_337], %swap3A_340 {strides = array<i32>} : memref<64x768xf32, #tpu.memory_space<vmem>>, vector<1x16xf32>,
      %get3A_341 = arith.index_cast %scan3A_19 : i32 to index
      %get3A_342 = arith.constant 368 : index
      %get3A_343 = tpu.vector_load %arg8[%get3A_341, %get3A_342] {strides = array<i32>} : memref<64x768xf32, #tpu.memory_space<vmem>>, vector<1x16xf32>,
      %get3A_344 = vector.shape_cast %get3A_343 : vector<1x16xf32> to vector<16xf32>
      %get3A_345 = arith.index_cast %scan3A_19 : i32 to index
      %get3A_346 = arith.constant 368 : index
      %get3A_347 = tpu.vector_load %arg9[%get3A_345, %get3A_346] {strides = array<i32>} : memref<64x768xf32, #tpu.memory_space<vmem>>, vector<1x16xf32>,
      %get3A_348 = vector.shape_cast %get3A_347 : vector<1x16xf32> to vector<16xf32>
      %add3A_349 = arith.addf %get3A_344, %get3A_348 : vector<16xf32>
      %swap3A_350 = arith.index_cast %scan3A_19 : i32 to index
      %swap3A_351 = arith.constant 368 : index
      %swap3A_352 = tpu.vector_load %arg8[%swap3A_350, %swap3A_351] {strides = array<i32>} : memref<64x768xf32, #tpu.memory_space<vmem>>, vector<1x16xf32>,
      %swap3A_353 = vector.shape_cast %swap3A_352 : vector<1x16xf32> to vector<16xf32>
      %swap3A_354 = vector.shape_cast %add3A_349 : vector<16xf32> to vector<1x16xf32>
      tpu.vector_store %arg8[%swap3A_350, %swap3A_351], %swap3A_354 {strides = array<i32>} : memref<64x768xf32, #tpu.memory_space<vmem>>, vector<1x16xf32>,
      %get3A_355 = arith.index_cast %scan3A_19 : i32 to index
      %get3A_356 = arith.constant 384 : index
      %get3A_357 = tpu.vector_load %arg8[%get3A_355, %get3A_356] {strides = array<i32>} : memref<64x768xf32, #tpu.memory_space<vmem>>, vector<1x16xf32>,
      %get3A_358 = vector.shape_cast %get3A_357 : vector<1x16xf32> to vector<16xf32>
      %get3A_359 = arith.index_cast %scan3A_19 : i32 to index
      %get3A_360 = arith.constant 384 : index
      %get3A_361 = tpu.vector_load %arg9[%get3A_359, %get3A_360] {strides = array<i32>} : memref<64x768xf32, #tpu.memory_space<vmem>>, vector<1x16xf32>,
      %get3A_362 = vector.shape_cast %get3A_361 : vector<1x16xf32> to vector<16xf32>
      %add3A_363 = arith.addf %get3A_358, %get3A_362 : vector<16xf32>
      %swap3A_364 = arith.index_cast %scan3A_19 : i32 to index
      %swap3A_365 = arith.constant 384 : index
      %swap3A_366 = tpu.vector_load %arg8[%swap3A_364, %swap3A_365] {strides = array<i32>} : memref<64x768xf32, #tpu.memory_space<vmem>>, vector<1x16xf32>,
      %swap3A_367 = vector.shape_cast %swap3A_366 : vector<1x16xf32> to vector<16xf32>
      %swap3A_368 = vector.shape_cast %add3A_363 : vector<16xf32> to vector<1x16xf32>
      tpu.vector_store %arg8[%swap3A_364, %swap3A_365], %swap3A_368 {strides = array<i32>} : memref<64x768xf32, #tpu.memory_space<vmem>>, vector<1x16xf32>,
      %get3A_369 = arith.index_cast %scan3A_19 : i32 to index
      %get3A_370 = arith.constant 400 : index
      %get3A_371 = tpu.vector_load %arg8[%get3A_369, %get3A_370] {strides = array<i32>} : memref<64x768xf32, #tpu.memory_space<vmem>>, vector<1x16xf32>,
      %get3A_372 = vector.shape_cast %get3A_371 : vector<1x16xf32> to vector<16xf32>
      %get3A_373 = arith.index_cast %scan3A_19 : i32 to index
      %get3A_374 = arith.constant 400 : index
      %get3A_375 = tpu.vector_load %arg9[%get3A_373, %get3A_374] {strides = array<i32>} : memref<64x768xf32, #tpu.memory_space<vmem>>, vector<1x16xf32>,
      %get3A_376 = vector.shape_cast %get3A_375 : vector<1x16xf32> to vector<16xf32>
      %add3A_377 = arith.addf %get3A_372, %get3A_376 : vector<16xf32>
      %swap3A_378 = arith.index_cast %scan3A_19 : i32 to index
      %swap3A_379 = arith.constant 400 : index
      %swap3A_380 = tpu.vector_load %arg8[%swap3A_378, %swap3A_379] {strides = array<i32>} : memref<64x768xf32, #tpu.memory_space<vmem>>, vector<1x16xf32>,
      %swap3A_381 = vector.shape_cast %swap3A_380 : vector<1x16xf32> to vector<16xf32>
      %swap3A_382 = vector.shape_cast %add3A_377 : vector<16xf32> to vector<1x16xf32>
      tpu.vector_store %arg8[%swap3A_378, %swap3A_379], %swap3A_382 {strides = array<i32>} : memref<64x768xf32, #tpu.memory_space<vmem>>, vector<1x16xf32>,
      %get3A_383 = arith.index_cast %scan3A_19 : i32 to index
      %get3A_384 = arith.constant 416 : index
      %get3A_385 = tpu.vector_load %arg8[%get3A_383, %get3A_384] {strides = array<i32>} : memref<64x768xf32, #tpu.memory_space<vmem>>, vector<1x16xf32>,
      %get3A_386 = vector.shape_cast %get3A_385 : vector<1x16xf32> to vector<16xf32>
      %get3A_387 = arith.index_cast %scan3A_19 : i32 to index
      %get3A_388 = arith.constant 416 : index
      %get3A_389 = tpu.vector_load %arg9[%get3A_387, %get3A_388] {strides = array<i32>} : memref<64x768xf32, #tpu.memory_space<vmem>>, vector<1x16xf32>,
      %get3A_390 = vector.shape_cast %get3A_389 : vector<1x16xf32> to vector<16xf32>
      %add3A_391 = arith.addf %get3A_386, %get3A_390 : vector<16xf32>
      %swap3A_392 = arith.index_cast %scan3A_19 : i32 to index
      %swap3A_393 = arith.constant 416 : index
      %swap3A_394 = tpu.vector_load %arg8[%swap3A_392, %swap3A_393] {strides = array<i32>} : memref<64x768xf32, #tpu.memory_space<vmem>>, vector<1x16xf32>,
      %swap3A_395 = vector.shape_cast %swap3A_394 : vector<1x16xf32> to vector<16xf32>
      %swap3A_396 = vector.shape_cast %add3A_391 : vector<16xf32> to vector<1x16xf32>
      tpu.vector_store %arg8[%swap3A_392, %swap3A_393], %swap3A_396 {strides = array<i32>} : memref<64x768xf32, #tpu.memory_space<vmem>>, vector<1x16xf32>,
      %get3A_397 = arith.index_cast %scan3A_19 : i32 to index
      %get3A_398 = arith.constant 432 : index
      %get3A_399 = tpu.vector_load %arg8[%get3A_397, %get3A_398] {strides = array<i32>} : memref<64x768xf32, #tpu.memory_space<vmem>>, vector<1x16xf32>,
      %get3A_400 = vector.shape_cast %get3A_399 : vector<1x16xf32> to vector<16xf32>
      %get3A_401 = arith.index_cast %scan3A_19 : i32 to index
      %get3A_402 = arith.constant 432 : index
      %get3A_403 = tpu.vector_load %arg9[%get3A_401, %get3A_402] {strides = array<i32>} : memref<64x768xf32, #tpu.memory_space<vmem>>, vector<1x16xf32>,
      %get3A_404 = vector.shape_cast %get3A_403 : vector<1x16xf32> to vector<16xf32>
      %add3A_405 = arith.addf %get3A_400, %get3A_404 : vector<16xf32>
      %swap3A_406 = arith.index_cast %scan3A_19 : i32 to index
      %swap3A_407 = arith.constant 432 : index
      %swap3A_408 = tpu.vector_load %arg8[%swap3A_406, %swap3A_407] {strides = array<i32>} : memref<64x768xf32, #tpu.memory_space<vmem>>, vector<1x16xf32>,
      %swap3A_409 = vector.shape_cast %swap3A_408 : vector<1x16xf32> to vector<16xf32>
      %swap3A_410 = vector.shape_cast %add3A_405 : vector<16xf32> to vector<1x16xf32>
      tpu.vector_store %arg8[%swap3A_406, %swap3A_407], %swap3A_410 {strides = array<i32>} : memref<64x768xf32, #tpu.memory_space<vmem>>, vector<1x16xf32>,
      %get3A_411 = arith.index_cast %scan3A_19 : i32 to index
      %get3A_412 = arith.constant 448 : index
      %get3A_413 = tpu.vector_load %arg8[%get3A_411, %get3A_412] {strides = array<i32>} : memref<64x768xf32, #tpu.memory_space<vmem>>, vector<1x16xf32>,
      %get3A_414 = vector.shape_cast %get3A_413 : vector<1x16xf32> to vector<16xf32>
      %get3A_415 = arith.index_cast %scan3A_19 : i32 to index
      %get3A_416 = arith.constant 448 : index
      %get3A_417 = tpu.vector_load %arg9[%get3A_415, %get3A_416] {strides = array<i32>} : memref<64x768xf32, #tpu.memory_space<vmem>>, vector<1x16xf32>,
      %get3A_418 = vector.shape_cast %get3A_417 : vector<1x16xf32> to vector<16xf32>
      %add3A_419 = arith.addf %get3A_414, %get3A_418 : vector<16xf32>
      %swap3A_420 = arith.index_cast %scan3A_19 : i32 to index
      %swap3A_421 = arith.constant 448 : index
      %swap3A_422 = tpu.vector_load %arg8[%swap3A_420, %swap3A_421] {strides = array<i32>} : memref<64x768xf32, #tpu.memory_space<vmem>>, vector<1x16xf32>,
      %swap3A_423 = vector.shape_cast %swap3A_422 : vector<1x16xf32> to vector<16xf32>
      %swap3A_424 = vector.shape_cast %add3A_419 : vector<16xf32> to vector<1x16xf32>
      tpu.vector_store %arg8[%swap3A_420, %swap3A_421], %swap3A_424 {strides = array<i32>} : memref<64x768xf32, #tpu.memory_space<vmem>>, vector<1x16xf32>,
      %get3A_425 = arith.index_cast %scan3A_19 : i32 to index
      %get3A_426 = arith.constant 464 : index
      %get3A_427 = tpu.vector_load %arg8[%get3A_425, %get3A_426] {strides = array<i32>} : memref<64x768xf32, #tpu.memory_space<vmem>>, vector<1x16xf32>,
      %get3A_428 = vector.shape_cast %get3A_427 : vector<1x16xf32> to vector<16xf32>
      %get3A_429 = arith.index_cast %scan3A_19 : i32 to index
      %get3A_430 = arith.constant 464 : index
      %get3A_431 = tpu.vector_load %arg9[%get3A_429, %get3A_430] {strides = array<i32>} : memref<64x768xf32, #tpu.memory_space<vmem>>, vector<1x16xf32>,
      %get3A_432 = vector.shape_cast %get3A_431 : vector<1x16xf32> to vector<16xf32>
      %add3A_433 = arith.addf %get3A_428, %get3A_432 : vector<16xf32>
      %swap3A_434 = arith.index_cast %scan3A_19 : i32 to index
      %swap3A_435 = arith.constant 464 : index
      %swap3A_436 = tpu.vector_load %arg8[%swap3A_434, %swap3A_435] {strides = array<i32>} : memref<64x768xf32, #tpu.memory_space<vmem>>, vector<1x16xf32>,
      %swap3A_437 = vector.shape_cast %swap3A_436 : vector<1x16xf32> to vector<16xf32>
      %swap3A_438 = vector.shape_cast %add3A_433 : vector<16xf32> to vector<1x16xf32>
      tpu.vector_store %arg8[%swap3A_434, %swap3A_435], %swap3A_438 {strides = array<i32>} : memref<64x768xf32, #tpu.memory_space<vmem>>, vector<1x16xf32>,
      %get3A_439 = arith.index_cast %scan3A_19 : i32 to index
      %get3A_440 = arith.constant 480 : index
      %get3A_441 = tpu.vector_load %arg8[%get3A_439, %get3A_440] {strides = array<i32>} : memref<64x768xf32, #tpu.memory_space<vmem>>, vector<1x16xf32>,
      %get3A_442 = vector.shape_cast %get3A_441 : vector<1x16xf32> to vector<16xf32>
      %get3A_443 = arith.index_cast %scan3A_19 : i32 to index
      %get3A_444 = arith.constant 480 : index
      %get3A_445 = tpu.vector_load %arg9[%get3A_443, %get3A_444] {strides = array<i32>} : memref<64x768xf32, #tpu.memory_space<vmem>>, vector<1x16xf32>,
      %get3A_446 = vector.shape_cast %get3A_445 : vector<1x16xf32> to vector<16xf32>
      %add3A_447 = arith.addf %get3A_442, %get3A_446 : vector<16xf32>
      %swap3A_448 = arith.index_cast %scan3A_19 : i32 to index
      %swap3A_449 = arith.constant 480 : index
      %swap3A_450 = tpu.vector_load %arg8[%swap3A_448, %swap3A_449] {strides = array<i32>} : memref<64x768xf32, #tpu.memory_space<vmem>>, vector<1x16xf32>,
      %swap3A_451 = vector.shape_cast %swap3A_450 : vector<1x16xf32> to vector<16xf32>
      %swap3A_452 = vector.shape_cast %add3A_447 : vector<16xf32> to vector<1x16xf32>
      tpu.vector_store %arg8[%swap3A_448, %swap3A_449], %swap3A_452 {strides = array<i32>} : memref<64x768xf32, #tpu.memory_space<vmem>>, vector<1x16xf32>,
      %get3A_453 = arith.index_cast %scan3A_19 : i32 to index
      %get3A_454 = arith.constant 496 : index
      %get3A_455 = tpu.vector_load %arg8[%get3A_453, %get3A_454] {strides = array<i32>} : memref<64x768xf32, #tpu.memory_space<vmem>>, vector<1x16xf32>,
      %get3A_456 = vector.shape_cast %get3A_455 : vector<1x16xf32> to vector<16xf32>
      %get3A_457 = arith.index_cast %scan3A_19 : i32 to index
      %get3A_458 = arith.constant 496 : index
      %get3A_459 = tpu.vector_load %arg9[%get3A_457, %get3A_458] {strides = array<i32>} : memref<64x768xf32, #tpu.memory_space<vmem>>, vector<1x16xf32>,
      %get3A_460 = vector.shape_cast %get3A_459 : vector<1x16xf32> to vector<16xf32>
      %add3A_461 = arith.addf %get3A_456, %get3A_460 : vector<16xf32>
      %swap3A_462 = arith.index_cast %scan3A_19 : i32 to index
      %swap3A_463 = arith.constant 496 : index
      %swap3A_464 = tpu.vector_load %arg8[%swap3A_462, %swap3A_463] {strides = array<i32>} : memref<64x768xf32, #tpu.memory_space<vmem>>, vector<1x16xf32>,
      %swap3A_465 = vector.shape_cast %swap3A_464 : vector<1x16xf32> to vector<16xf32>
      %swap3A_466 = vector.shape_cast %add3A_461 : vector<16xf32> to vector<1x16xf32>
      tpu.vector_store %arg8[%swap3A_462, %swap3A_463], %swap3A_466 {strides = array<i32>} : memref<64x768xf32, #tpu.memory_space<vmem>>, vector<1x16xf32>,
      %get3A_467 = arith.index_cast %scan3A_19 : i32 to index
      %get3A_468 = arith.constant 512 : index
      %get3A_469 = tpu.vector_load %arg8[%get3A_467, %get3A_468] {strides = array<i32>} : memref<64x768xf32, #tpu.memory_space<vmem>>, vector<1x16xf32>,
      %get3A_470 = vector.shape_cast %get3A_469 : vector<1x16xf32> to vector<16xf32>
      %get3A_471 = arith.index_cast %scan3A_19 : i32 to index
      %get3A_472 = arith.constant 512 : index
      %get3A_473 = tpu.vector_load %arg9[%get3A_471, %get3A_472] {strides = array<i32>} : memref<64x768xf32, #tpu.memory_space<vmem>>, vector<1x16xf32>,
      %get3A_474 = vector.shape_cast %get3A_473 : vector<1x16xf32> to vector<16xf32>
      %add3A_475 = arith.addf %get3A_470, %get3A_474 : vector<16xf32>
      %swap3A_476 = arith.index_cast %scan3A_19 : i32 to index
      %swap3A_477 = arith.constant 512 : index
      %swap3A_478 = tpu.vector_load %arg8[%swap3A_476, %swap3A_477] {strides = array<i32>} : memref<64x768xf32, #tpu.memory_space<vmem>>, vector<1x16xf32>,
      %swap3A_479 = vector.shape_cast %swap3A_478 : vector<1x16xf32> to vector<16xf32>
      %swap3A_480 = vector.shape_cast %add3A_475 : vector<16xf32> to vector<1x16xf32>
      tpu.vector_store %arg8[%swap3A_476, %swap3A_477], %swap3A_480 {strides = array<i32>} : memref<64x768xf32, #tpu.memory_space<vmem>>, vector<1x16xf32>,
      %get3A_481 = arith.index_cast %scan3A_19 : i32 to index
      %get3A_482 = arith.constant 528 : index
      %get3A_483 = tpu.vector_load %arg8[%get3A_481, %get3A_482] {strides = array<i32>} : memref<64x768xf32, #tpu.memory_space<vmem>>, vector<1x16xf32>,
      %get3A_484 = vector.shape_cast %get3A_483 : vector<1x16xf32> to vector<16xf32>
      %get3A_485 = arith.index_cast %scan3A_19 : i32 to index
      %get3A_486 = arith.constant 528 : index
      %get3A_487 = tpu.vector_load %arg9[%get3A_485, %get3A_486] {strides = array<i32>} : memref<64x768xf32, #tpu.memory_space<vmem>>, vector<1x16xf32>,
      %get3A_488 = vector.shape_cast %get3A_487 : vector<1x16xf32> to vector<16xf32>
      %add3A_489 = arith.addf %get3A_484, %get3A_488 : vector<16xf32>
      %swap3A_490 = arith.index_cast %scan3A_19 : i32 to index
      %swap3A_491 = arith.constant 528 : index
      %swap3A_492 = tpu.vector_load %arg8[%swap3A_490, %swap3A_491] {strides = array<i32>} : memref<64x768xf32, #tpu.memory_space<vmem>>, vector<1x16xf32>,
      %swap3A_493 = vector.shape_cast %swap3A_492 : vector<1x16xf32> to vector<16xf32>
      %swap3A_494 = vector.shape_cast %add3A_489 : vector<16xf32> to vector<1x16xf32>
      tpu.vector_store %arg8[%swap3A_490, %swap3A_491], %swap3A_494 {strides = array<i32>} : memref<64x768xf32, #tpu.memory_space<vmem>>, vector<1x16xf32>,
      %get3A_495 = arith.index_cast %scan3A_19 : i32 to index
      %get3A_496 = arith.constant 544 : index
      %get3A_497 = tpu.vector_load %arg8[%get3A_495, %get3A_496] {strides = array<i32>} : memref<64x768xf32, #tpu.memory_space<vmem>>, vector<1x16xf32>,
      %get3A_498 = vector.shape_cast %get3A_497 : vector<1x16xf32> to vector<16xf32>
      %get3A_499 = arith.index_cast %scan3A_19 : i32 to index
      %get3A_500 = arith.constant 544 : index
      %get3A_501 = tpu.vector_load %arg9[%get3A_499, %get3A_500] {strides = array<i32>} : memref<64x768xf32, #tpu.memory_space<vmem>>, vector<1x16xf32>,
      %get3A_502 = vector.shape_cast %get3A_501 : vector<1x16xf32> to vector<16xf32>
      %add3A_503 = arith.addf %get3A_498, %get3A_502 : vector<16xf32>
      %swap3A_504 = arith.index_cast %scan3A_19 : i32 to index
      %swap3A_505 = arith.constant 544 : index
      %swap3A_506 = tpu.vector_load %arg8[%swap3A_504, %swap3A_505] {strides = array<i32>} : memref<64x768xf32, #tpu.memory_space<vmem>>, vector<1x16xf32>,
      %swap3A_507 = vector.shape_cast %swap3A_506 : vector<1x16xf32> to vector<16xf32>
      %swap3A_508 = vector.shape_cast %add3A_503 : vector<16xf32> to vector<1x16xf32>
      tpu.vector_store %arg8[%swap3A_504, %swap3A_505], %swap3A_508 {strides = array<i32>} : memref<64x768xf32, #tpu.memory_space<vmem>>, vector<1x16xf32>,
      %get3A_509 = arith.index_cast %scan3A_19 : i32 to index
      %get3A_510 = arith.constant 560 : index
      %get3A_511 = tpu.vector_load %arg8[%get3A_509, %get3A_510] {strides = array<i32>} : memref<64x768xf32, #tpu.memory_space<vmem>>, vector<1x16xf32>,
      %get3A_512 = vector.shape_cast %get3A_511 : vector<1x16xf32> to vector<16xf32>
      %get3A_513 = arith.index_cast %scan3A_19 : i32 to index
      %get3A_514 = arith.constant 560 : index
      %get3A_515 = tpu.vector_load %arg9[%get3A_513, %get3A_514] {strides = array<i32>} : memref<64x768xf32, #tpu.memory_space<vmem>>, vector<1x16xf32>,
      %get3A_516 = vector.shape_cast %get3A_515 : vector<1x16xf32> to vector<16xf32>
      %add3A_517 = arith.addf %get3A_512, %get3A_516 : vector<16xf32>
      %swap3A_518 = arith.index_cast %scan3A_19 : i32 to index
      %swap3A_519 = arith.constant 560 : index
      %swap3A_520 = tpu.vector_load %arg8[%swap3A_518, %swap3A_519] {strides = array<i32>} : memref<64x768xf32, #tpu.memory_space<vmem>>, vector<1x16xf32>,
      %swap3A_521 = vector.shape_cast %swap3A_520 : vector<1x16xf32> to vector<16xf32>
      %swap3A_522 = vector.shape_cast %add3A_517 : vector<16xf32> to vector<1x16xf32>
      tpu.vector_store %arg8[%swap3A_518, %swap3A_519], %swap3A_522 {strides = array<i32>} : memref<64x768xf32, #tpu.memory_space<vmem>>, vector<1x16xf32>,
      %get3A_523 = arith.index_cast %scan3A_19 : i32 to index
      %get3A_524 = arith.constant 576 : index
      %get3A_525 = tpu.vector_load %arg8[%get3A_523, %get3A_524] {strides = array<i32>} : memref<64x768xf32, #tpu.memory_space<vmem>>, vector<1x16xf32>,
      %get3A_526 = vector.shape_cast %get3A_525 : vector<1x16xf32> to vector<16xf32>
      %get3A_527 = arith.index_cast %scan3A_19 : i32 to index
      %get3A_528 = arith.constant 576 : index
      %get3A_529 = tpu.vector_load %arg9[%get3A_527, %get3A_528] {strides = array<i32>} : memref<64x768xf32, #tpu.memory_space<vmem>>, vector<1x16xf32>,
      %get3A_530 = vector.shape_cast %get3A_529 : vector<1x16xf32> to vector<16xf32>
      %add3A_531 = arith.addf %get3A_526, %get3A_530 : vector<16xf32>
      %swap3A_532 = arith.index_cast %scan3A_19 : i32 to index
      %swap3A_533 = arith.constant 576 : index
      %swap3A_534 = tpu.vector_load %arg8[%swap3A_532, %swap3A_533] {strides = array<i32>} : memref<64x768xf32, #tpu.memory_space<vmem>>, vector<1x16xf32>,
      %swap3A_535 = vector.shape_cast %swap3A_534 : vector<1x16xf32> to vector<16xf32>
      %swap3A_536 = vector.shape_cast %add3A_531 : vector<16xf32> to vector<1x16xf32>
      tpu.vector_store %arg8[%swap3A_532, %swap3A_533], %swap3A_536 {strides = array<i32>} : memref<64x768xf32, #tpu.memory_space<vmem>>, vector<1x16xf32>,
      %get3A_537 = arith.index_cast %scan3A_19 : i32 to index
      %get3A_538 = arith.constant 592 : index
      %get3A_539 = tpu.vector_load %arg8[%get3A_537, %get3A_538] {strides = array<i32>} : memref<64x768xf32, #tpu.memory_space<vmem>>, vector<1x16xf32>,
      %get3A_540 = vector.shape_cast %get3A_539 : vector<1x16xf32> to vector<16xf32>
      %get3A_541 = arith.index_cast %scan3A_19 : i32 to index
      %get3A_542 = arith.constant 592 : index
      %get3A_543 = tpu.vector_load %arg9[%get3A_541, %get3A_542] {strides = array<i32>} : memref<64x768xf32, #tpu.memory_space<vmem>>, vector<1x16xf32>,
      %get3A_544 = vector.shape_cast %get3A_543 : vector<1x16xf32> to vector<16xf32>
      %add3A_545 = arith.addf %get3A_540, %get3A_544 : vector<16xf32>
      %swap3A_546 = arith.index_cast %scan3A_19 : i32 to index
      %swap3A_547 = arith.constant 592 : index
      %swap3A_548 = tpu.vector_load %arg8[%swap3A_546, %swap3A_547] {strides = array<i32>} : memref<64x768xf32, #tpu.memory_space<vmem>>, vector<1x16xf32>,
      %swap3A_549 = vector.shape_cast %swap3A_548 : vector<1x16xf32> to vector<16xf32>
      %swap3A_550 = vector.shape_cast %add3A_545 : vector<16xf32> to vector<1x16xf32>
      tpu.vector_store %arg8[%swap3A_546, %swap3A_547], %swap3A_550 {strides = array<i32>} : memref<64x768xf32, #tpu.memory_space<vmem>>, vector<1x16xf32>,
      %get3A_551 = arith.index_cast %scan3A_19 : i32 to index
      %get3A_552 = arith.constant 608 : index
      %get3A_553 = tpu.vector_load %arg8[%get3A_551, %get3A_552] {strides = array<i32>} : memref<64x768xf32, #tpu.memory_space<vmem>>, vector<1x16xf32>,
      %get3A_554 = vector.shape_cast %get3A_553 : vector<1x16xf32> to vector<16xf32>
      %get3A_555 = arith.index_cast %scan3A_19 : i32 to index
      %get3A_556 = arith.constant 608 : index
      %get3A_557 = tpu.vector_load %arg9[%get3A_555, %get3A_556] {strides = array<i32>} : memref<64x768xf32, #tpu.memory_space<vmem>>, vector<1x16xf32>,
      %get3A_558 = vector.shape_cast %get3A_557 : vector<1x16xf32> to vector<16xf32>
      %add3A_559 = arith.addf %get3A_554, %get3A_558 : vector<16xf32>
      %swap3A_560 = arith.index_cast %scan3A_19 : i32 to index
      %swap3A_561 = arith.constant 608 : index
      %swap3A_562 = tpu.vector_load %arg8[%swap3A_560, %swap3A_561] {strides = array<i32>} : memref<64x768xf32, #tpu.memory_space<vmem>>, vector<1x16xf32>,
      %swap3A_563 = vector.shape_cast %swap3A_562 : vector<1x16xf32> to vector<16xf32>
      %swap3A_564 = vector.shape_cast %add3A_559 : vector<16xf32> to vector<1x16xf32>
      tpu.vector_store %arg8[%swap3A_560, %swap3A_561], %swap3A_564 {strides = array<i32>} : memref<64x768xf32, #tpu.memory_space<vmem>>, vector<1x16xf32>,
      %get3A_565 = arith.index_cast %scan3A_19 : i32 to index
      %get3A_566 = arith.constant 624 : index
      %get3A_567 = tpu.vector_load %arg8[%get3A_565, %get3A_566] {strides = array<i32>} : memref<64x768xf32, #tpu.memory_space<vmem>>, vector<1x16xf32>,
      %get3A_568 = vector.shape_cast %get3A_567 : vector<1x16xf32> to vector<16xf32>
      %get3A_569 = arith.index_cast %scan3A_19 : i32 to index
      %get3A_570 = arith.constant 624 : index
      %get3A_571 = tpu.vector_load %arg9[%get3A_569, %get3A_570] {strides = array<i32>} : memref<64x768xf32, #tpu.memory_space<vmem>>, vector<1x16xf32>,
      %get3A_572 = vector.shape_cast %get3A_571 : vector<1x16xf32> to vector<16xf32>
      %add3A_573 = arith.addf %get3A_568, %get3A_572 : vector<16xf32>
      %swap3A_574 = arith.index_cast %scan3A_19 : i32 to index
      %swap3A_575 = arith.constant 624 : index
      %swap3A_576 = tpu.vector_load %arg8[%swap3A_574, %swap3A_575] {strides = array<i32>} : memref<64x768xf32, #tpu.memory_space<vmem>>, vector<1x16xf32>,
      %swap3A_577 = vector.shape_cast %swap3A_576 : vector<1x16xf32> to vector<16xf32>
      %swap3A_578 = vector.shape_cast %add3A_573 : vector<16xf32> to vector<1x16xf32>
      tpu.vector_store %arg8[%swap3A_574, %swap3A_575], %swap3A_578 {strides = array<i32>} : memref<64x768xf32, #tpu.memory_space<vmem>>, vector<1x16xf32>,
      %get3A_579 = arith.index_cast %scan3A_19 : i32 to index
      %get3A_580 = arith.constant 640 : index
      %get3A_581 = tpu.vector_load %arg8[%get3A_579, %get3A_580] {strides = array<i32>} : memref<64x768xf32, #tpu.memory_space<vmem>>, vector<1x16xf32>,
      %get3A_582 = vector.shape_cast %get3A_581 : vector<1x16xf32> to vector<16xf32>
      %get3A_583 = arith.index_cast %scan3A_19 : i32 to index
      %get3A_584 = arith.constant 640 : index
      %get3A_585 = tpu.vector_load %arg9[%get3A_583, %get3A_584] {strides = array<i32>} : memref<64x768xf32, #tpu.memory_space<vmem>>, vector<1x16xf32>,
      %get3A_586 = vector.shape_cast %get3A_585 : vector<1x16xf32> to vector<16xf32>
      %add3A_587 = arith.addf %get3A_582, %get3A_586 : vector<16xf32>
      %swap3A_588 = arith.index_cast %scan3A_19 : i32 to index
      %swap3A_589 = arith.constant 640 : index
      %swap3A_590 = tpu.vector_load %arg8[%swap3A_588, %swap3A_589] {strides = array<i32>} : memref<64x768xf32, #tpu.memory_space<vmem>>, vector<1x16xf32>,
      %swap3A_591 = vector.shape_cast %swap3A_590 : vector<1x16xf32> to vector<16xf32>
      %swap3A_592 = vector.shape_cast %add3A_587 : vector<16xf32> to vector<1x16xf32>
      tpu.vector_store %arg8[%swap3A_588, %swap3A_589], %swap3A_592 {strides = array<i32>} : memref<64x768xf32, #tpu.memory_space<vmem>>, vector<1x16xf32>,
      %get3A_593 = arith.index_cast %scan3A_19 : i32 to index
      %get3A_594 = arith.constant 656 : index
      %get3A_595 = tpu.vector_load %arg8[%get3A_593, %get3A_594] {strides = array<i32>} : memref<64x768xf32, #tpu.memory_space<vmem>>, vector<1x16xf32>,
      %get3A_596 = vector.shape_cast %get3A_595 : vector<1x16xf32> to vector<16xf32>
      %get3A_597 = arith.index_cast %scan3A_19 : i32 to index
      %get3A_598 = arith.constant 656 : index
      %get3A_599 = tpu.vector_load %arg9[%get3A_597, %get3A_598] {strides = array<i32>} : memref<64x768xf32, #tpu.memory_space<vmem>>, vector<1x16xf32>,
      %get3A_600 = vector.shape_cast %get3A_599 : vector<1x16xf32> to vector<16xf32>
      %add3A_601 = arith.addf %get3A_596, %get3A_600 : vector<16xf32>
      %swap3A_602 = arith.index_cast %scan3A_19 : i32 to index
      %swap3A_603 = arith.constant 656 : index
      %swap3A_604 = tpu.vector_load %arg8[%swap3A_602, %swap3A_603] {strides = array<i32>} : memref<64x768xf32, #tpu.memory_space<vmem>>, vector<1x16xf32>,
      %swap3A_605 = vector.shape_cast %swap3A_604 : vector<1x16xf32> to vector<16xf32>
      %swap3A_606 = vector.shape_cast %add3A_601 : vector<16xf32> to vector<1x16xf32>
      tpu.vector_store %arg8[%swap3A_602, %swap3A_603], %swap3A_606 {strides = array<i32>} : memref<64x768xf32, #tpu.memory_space<vmem>>, vector<1x16xf32>,
      %get3A_607 = arith.index_cast %scan3A_19 : i32 to index
      %get3A_608 = arith.constant 672 : index
      %get3A_609 = tpu.vector_load %arg8[%get3A_607, %get3A_608] {strides = array<i32>} : memref<64x768xf32, #tpu.memory_space<vmem>>, vector<1x16xf32>,
      %get3A_610 = vector.shape_cast %get3A_609 : vector<1x16xf32> to vector<16xf32>
      %get3A_611 = arith.index_cast %scan3A_19 : i32 to index
      %get3A_612 = arith.constant 672 : index
      %get3A_613 = tpu.vector_load %arg9[%get3A_611, %get3A_612] {strides = array<i32>} : memref<64x768xf32, #tpu.memory_space<vmem>>, vector<1x16xf32>,
      %get3A_614 = vector.shape_cast %get3A_613 : vector<1x16xf32> to vector<16xf32>
      %add3A_615 = arith.addf %get3A_610, %get3A_614 : vector<16xf32>
      %swap3A_616 = arith.index_cast %scan3A_19 : i32 to index
      %swap3A_617 = arith.constant 672 : index
      %swap3A_618 = tpu.vector_load %arg8[%swap3A_616, %swap3A_617] {strides = array<i32>} : memref<64x768xf32, #tpu.memory_space<vmem>>, vector<1x16xf32>,
      %swap3A_619 = vector.shape_cast %swap3A_618 : vector<1x16xf32> to vector<16xf32>
      %swap3A_620 = vector.shape_cast %add3A_615 : vector<16xf32> to vector<1x16xf32>
      tpu.vector_store %arg8[%swap3A_616, %swap3A_617], %swap3A_620 {strides = array<i32>} : memref<64x768xf32, #tpu.memory_space<vmem>>, vector<1x16xf32>,
      %get3A_621 = arith.index_cast %scan3A_19 : i32 to index
      %get3A_622 = arith.constant 688 : index
      %get3A_623 = tpu.vector_load %arg8[%get3A_621, %get3A_622] {strides = array<i32>} : memref<64x768xf32, #tpu.memory_space<vmem>>, vector<1x16xf32>,
      %get3A_624 = vector.shape_cast %get3A_623 : vector<1x16xf32> to vector<16xf32>
      %get3A_625 = arith.index_cast %scan3A_19 : i32 to index
      %get3A_626 = arith.constant 688 : index
      %get3A_627 = tpu.vector_load %arg9[%get3A_625, %get3A_626] {strides = array<i32>} : memref<64x768xf32, #tpu.memory_space<vmem>>, vector<1x16xf32>,
      %get3A_628 = vector.shape_cast %get3A_627 : vector<1x16xf32> to vector<16xf32>
      %add3A_629 = arith.addf %get3A_624, %get3A_628 : vector<16xf32>
      %swap3A_630 = arith.index_cast %scan3A_19 : i32 to index
      %swap3A_631 = arith.constant 688 : index
      %swap3A_632 = tpu.vector_load %arg8[%swap3A_630, %swap3A_631] {strides = array<i32>} : memref<64x768xf32, #tpu.memory_space<vmem>>, vector<1x16xf32>,
      %swap3A_633 = vector.shape_cast %swap3A_632 : vector<1x16xf32> to vector<16xf32>
      %swap3A_634 = vector.shape_cast %add3A_629 : vector<16xf32> to vector<1x16xf32>
      tpu.vector_store %arg8[%swap3A_630, %swap3A_631], %swap3A_634 {strides = array<i32>} : memref<64x768xf32, #tpu.memory_space<vmem>>, vector<1x16xf32>,
      %get3A_635 = arith.index_cast %scan3A_19 : i32 to index
      %get3A_636 = arith.constant 704 : index
      %get3A_637 = tpu.vector_load %arg8[%get3A_635, %get3A_636] {strides = array<i32>} : memref<64x768xf32, #tpu.memory_space<vmem>>, vector<1x16xf32>,
      %get3A_638 = vector.shape_cast %get3A_637 : vector<1x16xf32> to vector<16xf32>
      %get3A_639 = arith.index_cast %scan3A_19 : i32 to index
      %get3A_640 = arith.constant 704 : index
      %get3A_641 = tpu.vector_load %arg9[%get3A_639, %get3A_640] {strides = array<i32>} : memref<64x768xf32, #tpu.memory_space<vmem>>, vector<1x16xf32>,
      %get3A_642 = vector.shape_cast %get3A_641 : vector<1x16xf32> to vector<16xf32>
      %add3A_643 = arith.addf %get3A_638, %get3A_642 : vector<16xf32>
      %swap3A_644 = arith.index_cast %scan3A_19 : i32 to index
      %swap3A_645 = arith.constant 704 : index
      %swap3A_646 = tpu.vector_load %arg8[%swap3A_644, %swap3A_645] {strides = array<i32>} : memref<64x768xf32, #tpu.memory_space<vmem>>, vector<1x16xf32>,
      %swap3A_647 = vector.shape_cast %swap3A_646 : vector<1x16xf32> to vector<16xf32>
      %swap3A_648 = vector.shape_cast %add3A_643 : vector<16xf32> to vector<1x16xf32>
      tpu.vector_store %arg8[%swap3A_644, %swap3A_645], %swap3A_648 {strides = array<i32>} : memref<64x768xf32, #tpu.memory_space<vmem>>, vector<1x16xf32>,
      %get3A_649 = arith.index_cast %scan3A_19 : i32 to index
      %get3A_650 = arith.constant 720 : index
      %get3A_651 = tpu.vector_load %arg8[%get3A_649, %get3A_650] {strides = array<i32>} : memref<64x768xf32, #tpu.memory_space<vmem>>, vector<1x16xf32>,
      %get3A_652 = vector.shape_cast %get3A_651 : vector<1x16xf32> to vector<16xf32>
      %get3A_653 = arith.index_cast %scan3A_19 : i32 to index
      %get3A_654 = arith.constant 720 : index
      %get3A_655 = tpu.vector_load %arg9[%get3A_653, %get3A_654] {strides = array<i32>} : memref<64x768xf32, #tpu.memory_space<vmem>>, vector<1x16xf32>,
      %get3A_656 = vector.shape_cast %get3A_655 : vector<1x16xf32> to vector<16xf32>
      %add3A_657 = arith.addf %get3A_652, %get3A_656 : vector<16xf32>
      %swap3A_658 = arith.index_cast %scan3A_19 : i32 to index
      %swap3A_659 = arith.constant 720 : index
      %swap3A_660 = tpu.vector_load %arg8[%swap3A_658, %swap3A_659] {strides = array<i32>} : memref<64x768xf32, #tpu.memory_space<vmem>>, vector<1x16xf32>,
      %swap3A_661 = vector.shape_cast %swap3A_660 : vector<1x16xf32> to vector<16xf32>
      %swap3A_662 = vector.shape_cast %add3A_657 : vector<16xf32> to vector<1x16xf32>
      tpu.vector_store %arg8[%swap3A_658, %swap3A_659], %swap3A_662 {strides = array<i32>} : memref<64x768xf32, #tpu.memory_space<vmem>>, vector<1x16xf32>,
      %get3A_663 = arith.index_cast %scan3A_19 : i32 to index
      %get3A_664 = arith.constant 736 : index
      %get3A_665 = tpu.vector_load %arg8[%get3A_663, %get3A_664] {strides = array<i32>} : memref<64x768xf32, #tpu.memory_space<vmem>>, vector<1x16xf32>,
      %get3A_666 = vector.shape_cast %get3A_665 : vector<1x16xf32> to vector<16xf32>
      %get3A_667 = arith.index_cast %scan3A_19 : i32 to index
      %get3A_668 = arith.constant 736 : index
      %get3A_669 = tpu.vector_load %arg9[%get3A_667, %get3A_668] {strides = array<i32>} : memref<64x768xf32, #tpu.memory_space<vmem>>, vector<1x16xf32>,
      %get3A_670 = vector.shape_cast %get3A_669 : vector<1x16xf32> to vector<16xf32>
      %add3A_671 = arith.addf %get3A_666, %get3A_670 : vector<16xf32>
      %swap3A_672 = arith.index_cast %scan3A_19 : i32 to index
      %swap3A_673 = arith.constant 736 : index
      %swap3A_674 = tpu.vector_load %arg8[%swap3A_672, %swap3A_673] {strides = array<i32>} : memref<64x768xf32, #tpu.memory_space<vmem>>, vector<1x16xf32>,
      %swap3A_675 = vector.shape_cast %swap3A_674 : vector<1x16xf32> to vector<16xf32>
      %swap3A_676 = vector.shape_cast %add3A_671 : vector<16xf32> to vector<1x16xf32>
      tpu.vector_store %arg8[%swap3A_672, %swap3A_673], %swap3A_676 {strides = array<i32>} : memref<64x768xf32, #tpu.memory_space<vmem>>, vector<1x16xf32>,
      %get3A_677 = arith.index_cast %scan3A_19 : i32 to index
      %get3A_678 = arith.constant 752 : index
      %get3A_679 = tpu.vector_load %arg8[%get3A_677, %get3A_678] {strides = array<i32>} : memref<64x768xf32, #tpu.memory_space<vmem>>, vector<1x16xf32>,
      %get3A_680 = vector.shape_cast %get3A_679 : vector<1x16xf32> to vector<16xf32>
      %get3A_681 = arith.index_cast %scan3A_19 : i32 to index
      %get3A_682 = arith.constant 752 : index
      %get3A_683 = tpu.vector_load %arg9[%get3A_681, %get3A_682] {strides = array<i32>} : memref<64x768xf32, #tpu.memory_space<vmem>>, vector<1x16xf32>,
      %get3A_684 = vector.shape_cast %get3A_683 : vector<1x16xf32> to vector<16xf32>
      %add3A_685 = arith.addf %get3A_680, %get3A_684 : vector<16xf32>
      %swap3A_686 = arith.index_cast %scan3A_19 : i32 to index
      %swap3A_687 = arith.constant 752 : index
      %swap3A_688 = tpu.vector_load %arg8[%swap3A_686, %swap3A_687] {strides = array<i32>} : memref<64x768xf32, #tpu.memory_space<vmem>>, vector<1x16xf32>,
      %swap3A_689 = vector.shape_cast %swap3A_688 : vector<1x16xf32> to vector<16xf32>
      %swap3A_690 = vector.shape_cast %add3A_685 : vector<16xf32> to vector<1x16xf32>
      tpu.vector_store %arg8[%swap3A_686, %swap3A_687], %swap3A_690 {strides = array<i32>} : memref<64x768xf32, #tpu.memory_space<vmem>>, vector<1x16xf32>,
      %scan3A_691 = arith.constant 0 : i32
      scf.yield %scan3A_691 : i32
    }
    %scan3A_18 = arith.constant 64 : i32
    "tpu.region"() ({
      %run_scoped3A = tpu.sem_alloc : memref<!tpu.dma_semaphore, #tpu.memory_space<semaphore_mem>>
      %dma_start3A_19 = arith.constant 0 : i32
      %dma_start3A_20 = tpu.memref_slice %arg5[%mul3A_2, %dma_start3A_19] : memref<2048x768xf32, #tpu.memory_space<hbm>> -> memref<64x768xf32, #tpu.memory_space<hbm>>
      %dma_start3A_21 = arith.constant 0 : i32
      %dma_start3A_22 = tpu.memref_slice %arg5[%mul3A_2, %dma_start3A_21] : memref<2048x768xf32, #tpu.memory_space<hbm>> -> memref<64x768xf32, #tpu.memory_space<hbm>>
      tpu.enqueue_dma source(%arg8 : memref<64x768xf32, #tpu.memory_space<vmem>>) target(%dma_start3A_22 : memref<64x768xf32, #tpu.memory_space<hbm>>) target_semaphore(%run_scoped3A : memref<!tpu.dma_semaphore, #tpu.memory_space<semaphore_mem>>)
      %dma_wait3A_23 = arith.constant 0 : i32
      %dma_wait3A_24 = tpu.memref_slice %arg5[%mul3A_2, %dma_wait3A_23] : memref<2048x768xf32, #tpu.memory_space<hbm>> -> memref<64x768xf32, #tpu.memory_space<hbm>>
      %dma_wait3A_25 = arith.constant 0 : i32
      %dma_wait3A_26 = tpu.memref_slice %arg5[%mul3A_2, %dma_wait3A_25] : memref<2048x768xf32, #tpu.memory_space<hbm>> -> memref<64x768xf32, #tpu.memory_space<hbm>>
      tpu.wait_dma2 semaphore(%run_scoped3A : memref<!tpu.dma_semaphore, #tpu.memory_space<semaphore_mem>>) src(%arg8 : memref<64x768xf32, #tpu.memory_space<vmem>>) dst(%dma_wait3A_26 : memref<64x768xf32, #tpu.memory_space<hbm>>)
      tpu.yield
    }) : () -> ()
    return
  }
}

module attributes {stable_mosaic.version = 14 : i64} {
  func.func @_router_body(%arg0: memref<2048x768xf32, #tpu.memory_space<vmem>>, %arg1: memref<768x64xf32, #tpu.memory_space<vmem>>, %arg2: memref<64x128xi32, #tpu.memory_space<vmem>>, %arg3: memref<65x128xf32, #tpu.memory_space<vmem>>, %arg4: memref<2048x1xi32, #tpu.memory_space<vmem>>, %arg5: memref<2048x1xi32, #tpu.memory_space<vmem>>) attributes {dimension_semantics = [], scalar_prefetch = 0 : i64, scratch_operands = 0 : i64, tpu.core_type = #tpu.core_type<tc>} {
    %get3A = arith.constant 0 : index
    %get3A_0 = arith.constant 0 : index
    %get3A_1 = vector.load %arg0[%get3A, %get3A_0] : memref<2048x768xf32, #tpu.memory_space<vmem>>, vector<2048x768xf32>
    %get3A_2 = arith.constant 0 : index
    %get3A_3 = arith.constant 0 : index
    %get3A_4 = vector.load %arg1[%get3A_2, %get3A_3] : memref<768x64xf32, #tpu.memory_space<vmem>>, vector<768x64xf32>
    %dot_general3A = arith.constant dense<0.000000e+00> : vector<2048x64xf32>
    %dot_general3A_5 = tpu.matmul %get3A_1, %get3A_4, %dot_general3A {dimension_numbers = #tpu.dot_dimension_numbers<[1], [0], [0], [1], [0, 0, 1, 1], [], []>, transpose_lhs_hint = false} : vector<2048x768xf32>, vector<768x64xf32>, vector<2048x64xf32> -> vector<2048x64xf32>
    %iota3A = tpu.iota {dimensions = array<i32: 1>} : vector<2048x64xi32>
    %reduce_max3A = arith.constant dense<0xFF800000> : vector<2048xf32>
    %reduce_max3A_6 = vector.multi_reduction <maximumf>, %dot_general3A_5, %reduce_max3A [1] : vector<2048x64xf32> to vector<2048xf32>
    %broadcast_in_dim3A = vector.shape_cast %reduce_max3A_6 : vector<2048xf32> to vector<2048x1xf32>
    %eq3A = vector.broadcast %broadcast_in_dim3A : vector<2048x1xf32> to vector<2048x64xf32>
    %eq3A_7 = arith.cmpf oeq, %dot_general3A_5, %eq3A : vector<2048x64xf32>
    %jit3A = arith.constant 64 : i32
    %broadcast_in_dim3A_8 = vector.broadcast %jit3A : i32 to vector<2048x64xi32>
    %select_n3A = arith.select %eq3A_7, %iota3A, %broadcast_in_dim3A_8 : vector<2048x64xi1>, vector<2048x64xi32>
    %reduce_min3A = arith.constant dense<2147483647> : vector<2048xi32>
    %reduce_min3A_9 = vector.multi_reduction <minsi>, %select_n3A, %reduce_min3A [1] : vector<2048x64xi32> to vector<2048xi32>
    %broadcast_in_dim3A_10 = vector.shape_cast %reduce_min3A_9 : vector<2048xi32> to vector<2048x1xi32>
    %eq3A_11 = vector.broadcast %broadcast_in_dim3A_10 : vector<2048x1xi32> to vector<2048x64xi32>
    %eq3A_12 = arith.cmpi eq, %iota3A, %eq3A_11 : vector<2048x64xi32>
    %jit3A_13 = arith.constant 0xFF800000 : f32
    %broadcast_in_dim3A_14 = vector.broadcast %jit3A_13 : f32 to vector<2048x64xf32>
    %select_n3A_15 = arith.select %eq3A_12, %broadcast_in_dim3A_14, %dot_general3A_5 : vector<2048x64xi1>, vector<2048x64xf32>
    %reduce_max3A_16 = arith.constant dense<0xFF800000> : vector<2048xf32>
    %reduce_max3A_17 = vector.multi_reduction <maximumf>, %select_n3A_15, %reduce_max3A_16 [1] : vector<2048x64xf32> to vector<2048xf32>
    %broadcast_in_dim3A_18 = vector.shape_cast %reduce_max3A_17 : vector<2048xf32> to vector<2048x1xf32>
    %eq3A_19 = vector.broadcast %broadcast_in_dim3A_18 : vector<2048x1xf32> to vector<2048x64xf32>
    %eq3A_20 = arith.cmpf oeq, %select_n3A_15, %eq3A_19 : vector<2048x64xf32>
    %jit3A_21 = arith.constant 64 : i32
    %broadcast_in_dim3A_22 = vector.broadcast %jit3A_21 : i32 to vector<2048x64xi32>
    %select_n3A_23 = arith.select %eq3A_20, %iota3A, %broadcast_in_dim3A_22 : vector<2048x64xi1>, vector<2048x64xi32>
    %reduce_min3A_24 = arith.constant dense<2147483647> : vector<2048xi32>
    %reduce_min3A_25 = vector.multi_reduction <minsi>, %select_n3A_23, %reduce_min3A_24 [1] : vector<2048x64xi32> to vector<2048xi32>
    %broadcast_in_dim3A_26 = vector.shape_cast %reduce_min3A_25 : vector<2048xi32> to vector<2048x1xi32>
    %sub3A = arith.subf %broadcast_in_dim3A_18, %broadcast_in_dim3A : vector<2048x1xf32>
    %exp3A = math.exp %sub3A : vector<2048x1xf32>
    %add3A = arith.constant 1.000000e+00 : f32
    %add3A_27 = vector.broadcast %add3A : f32 to vector<2048x1xf32>
    %add3A_28 = arith.addf %add3A_27, %exp3A : vector<2048x1xf32>
    %div3A = arith.constant 1.000000e+00 : f32
    %div3A_29 = vector.broadcast %div3A : f32 to vector<2048x1xf32>
    %div3A_30 = arith.divf %div3A_29, %add3A_28 : vector<2048x1xf32>
    %sub3A_31 = arith.subf %broadcast_in_dim3A, %broadcast_in_dim3A_18 : vector<2048x1xf32>
    %exp3A_32 = math.exp %sub3A_31 : vector<2048x1xf32>
    %add3A_33 = arith.constant 1.000000e+00 : f32
    %add3A_34 = vector.broadcast %add3A_33 : f32 to vector<2048x1xf32>
    %add3A_35 = arith.addf %add3A_34, %exp3A_32 : vector<2048x1xf32>
    %div3A_36 = arith.constant 1.000000e+00 : f32
    %div3A_37 = vector.broadcast %div3A_36 : f32 to vector<2048x1xf32>
    %div3A_38 = arith.divf %div3A_37, %add3A_35 : vector<2048x1xf32>
    %eq3A_39 = vector.broadcast %broadcast_in_dim3A_10 : vector<2048x1xi32> to vector<2048x64xi32>
    %eq3A_40 = arith.cmpi eq, %iota3A, %eq3A_39 : vector<2048x64xi32>
    %convert_element_type3A = arith.extui %eq3A_40 : vector<2048x64xi1> to vector<2048x64xi32>
    %convert_element_type3A_41 = arith.sitofp %convert_element_type3A : vector<2048x64xi32> to vector<2048x64xf32>
    %eq3A_42 = vector.broadcast %broadcast_in_dim3A_26 : vector<2048x1xi32> to vector<2048x64xi32>
    %eq3A_43 = arith.cmpi eq, %iota3A, %eq3A_42 : vector<2048x64xi32>
    %convert_element_type3A_44 = arith.extui %eq3A_43 : vector<2048x64xi1> to vector<2048x64xi32>
    %convert_element_type3A_45 = arith.sitofp %convert_element_type3A_44 : vector<2048x64xi32> to vector<2048x64xf32>
    %concatenate3A = tpu.concatenate %convert_element_type3A_41, %convert_element_type3A_45 in 1 : vector<2048x64xf32>, vector<2048x64xf32> -> vector<2048x128xf32>
    %broadcast_in_dim3A_46 = arith.constant 0.000000e+00 : f32
    %broadcast_in_dim3A_47 = vector.broadcast %broadcast_in_dim3A_46 : f32 to vector<1x128xf32>
    %slice3A = vector.extract_strided_slice %concatenate3A {offsets = [0, 0], sizes = [2047, 128], strides = [1, 1]} : vector<2048x128xf32> to vector<2047x128xf32>
    %concatenate3A_48 = tpu.concatenate %broadcast_in_dim3A_47, %slice3A in 0 : vector<1x128xf32>, vector<2047x128xf32> -> vector<2048x128xf32>
    %add3A_49 = arith.addf %concatenate3A, %concatenate3A_48 : vector<2048x128xf32>
    %broadcast_in_dim3A_50 = arith.constant 0.000000e+00 : f32
    %broadcast_in_dim3A_51 = vector.broadcast %broadcast_in_dim3A_50 : f32 to vector<2x128xf32>
    %slice3A_52 = vector.extract_strided_slice %add3A_49 {offsets = [0, 0], sizes = [2046, 128], strides = [1, 1]} : vector<2048x128xf32> to vector<2046x128xf32>
    %concatenate3A_53 = tpu.concatenate %broadcast_in_dim3A_51, %slice3A_52 in 0 : vector<2x128xf32>, vector<2046x128xf32> -> vector<2048x128xf32>
    %add3A_54 = arith.addf %add3A_49, %concatenate3A_53 : vector<2048x128xf32>
    %broadcast_in_dim3A_55 = arith.constant 0.000000e+00 : f32
    %broadcast_in_dim3A_56 = vector.broadcast %broadcast_in_dim3A_55 : f32 to vector<4x128xf32>
    %slice3A_57 = vector.extract_strided_slice %add3A_54 {offsets = [0, 0], sizes = [2044, 128], strides = [1, 1]} : vector<2048x128xf32> to vector<2044x128xf32>
    %concatenate3A_58 = tpu.concatenate %broadcast_in_dim3A_56, %slice3A_57 in 0 : vector<4x128xf32>, vector<2044x128xf32> -> vector<2048x128xf32>
    %add3A_59 = arith.addf %add3A_54, %concatenate3A_58 : vector<2048x128xf32>
    %broadcast_in_dim3A_60 = arith.constant 0.000000e+00 : f32
    %broadcast_in_dim3A_61 = vector.broadcast %broadcast_in_dim3A_60 : f32 to vector<8x128xf32>
    %slice3A_62 = vector.extract_strided_slice %add3A_59 {offsets = [0, 0], sizes = [2040, 128], strides = [1, 1]} : vector<2048x128xf32> to vector<2040x128xf32>
    %concatenate3A_63 = tpu.concatenate %broadcast_in_dim3A_61, %slice3A_62 in 0 : vector<8x128xf32>, vector<2040x128xf32> -> vector<2048x128xf32>
    %add3A_64 = arith.addf %add3A_59, %concatenate3A_63 : vector<2048x128xf32>
    %broadcast_in_dim3A_65 = arith.constant 0.000000e+00 : f32
    %broadcast_in_dim3A_66 = vector.broadcast %broadcast_in_dim3A_65 : f32 to vector<16x128xf32>
    %slice3A_67 = vector.extract_strided_slice %add3A_64 {offsets = [0, 0], sizes = [2032, 128], strides = [1, 1]} : vector<2048x128xf32> to vector<2032x128xf32>
    %concatenate3A_68 = tpu.concatenate %broadcast_in_dim3A_66, %slice3A_67 in 0 : vector<16x128xf32>, vector<2032x128xf32> -> vector<2048x128xf32>
    %add3A_69 = arith.addf %add3A_64, %concatenate3A_68 : vector<2048x128xf32>
    %broadcast_in_dim3A_70 = arith.constant 0.000000e+00 : f32
    %broadcast_in_dim3A_71 = vector.broadcast %broadcast_in_dim3A_70 : f32 to vector<32x128xf32>
    %slice3A_72 = vector.extract_strided_slice %add3A_69 {offsets = [0, 0], sizes = [2016, 128], strides = [1, 1]} : vector<2048x128xf32> to vector<2016x128xf32>
    %concatenate3A_73 = tpu.concatenate %broadcast_in_dim3A_71, %slice3A_72 in 0 : vector<32x128xf32>, vector<2016x128xf32> -> vector<2048x128xf32>
    %add3A_74 = arith.addf %add3A_69, %concatenate3A_73 : vector<2048x128xf32>
    %broadcast_in_dim3A_75 = arith.constant 0.000000e+00 : f32
    %broadcast_in_dim3A_76 = vector.broadcast %broadcast_in_dim3A_75 : f32 to vector<64x128xf32>
    %slice3A_77 = vector.extract_strided_slice %add3A_74 {offsets = [0, 0], sizes = [1984, 128], strides = [1, 1]} : vector<2048x128xf32> to vector<1984x128xf32>
    %concatenate3A_78 = tpu.concatenate %broadcast_in_dim3A_76, %slice3A_77 in 0 : vector<64x128xf32>, vector<1984x128xf32> -> vector<2048x128xf32>
    %add3A_79 = arith.addf %add3A_74, %concatenate3A_78 : vector<2048x128xf32>
    %broadcast_in_dim3A_80 = arith.constant 0.000000e+00 : f32
    %broadcast_in_dim3A_81 = vector.broadcast %broadcast_in_dim3A_80 : f32 to vector<128x128xf32>
    %slice3A_82 = vector.extract_strided_slice %add3A_79 {offsets = [0, 0], sizes = [1920, 128], strides = [1, 1]} : vector<2048x128xf32> to vector<1920x128xf32>
    %concatenate3A_83 = tpu.concatenate %broadcast_in_dim3A_81, %slice3A_82 in 0 : vector<128x128xf32>, vector<1920x128xf32> -> vector<2048x128xf32>
    %add3A_84 = arith.addf %add3A_79, %concatenate3A_83 : vector<2048x128xf32>
    %broadcast_in_dim3A_85 = arith.constant 0.000000e+00 : f32
    %broadcast_in_dim3A_86 = vector.broadcast %broadcast_in_dim3A_85 : f32 to vector<256x128xf32>
    %slice3A_87 = vector.extract_strided_slice %add3A_84 {offsets = [0, 0], sizes = [1792, 128], strides = [1, 1]} : vector<2048x128xf32> to vector<1792x128xf32>
    %concatenate3A_88 = tpu.concatenate %broadcast_in_dim3A_86, %slice3A_87 in 0 : vector<256x128xf32>, vector<1792x128xf32> -> vector<2048x128xf32>
    %add3A_89 = arith.addf %add3A_84, %concatenate3A_88 : vector<2048x128xf32>
    %broadcast_in_dim3A_90 = arith.constant 0.000000e+00 : f32
    %broadcast_in_dim3A_91 = vector.broadcast %broadcast_in_dim3A_90 : f32 to vector<512x128xf32>
    %slice3A_92 = vector.extract_strided_slice %add3A_89 {offsets = [0, 0], sizes = [1536, 128], strides = [1, 1]} : vector<2048x128xf32> to vector<1536x128xf32>
    %concatenate3A_93 = tpu.concatenate %broadcast_in_dim3A_91, %slice3A_92 in 0 : vector<512x128xf32>, vector<1536x128xf32> -> vector<2048x128xf32>
    %add3A_94 = arith.addf %add3A_89, %concatenate3A_93 : vector<2048x128xf32>
    %broadcast_in_dim3A_95 = arith.constant 0.000000e+00 : f32
    %broadcast_in_dim3A_96 = vector.broadcast %broadcast_in_dim3A_95 : f32 to vector<1024x128xf32>
    %slice3A_97 = vector.extract_strided_slice %add3A_94 {offsets = [0, 0], sizes = [1024, 128], strides = [1, 1]} : vector<2048x128xf32> to vector<1024x128xf32>
    %concatenate3A_98 = tpu.concatenate %broadcast_in_dim3A_96, %slice3A_97 in 0 : vector<1024x128xf32>, vector<1024x128xf32> -> vector<2048x128xf32>
    %add3A_99 = arith.addf %add3A_94, %concatenate3A_98 : vector<2048x128xf32>
    %sub3A_100 = arith.subf %add3A_99, %concatenate3A : vector<2048x128xf32>
    %slice3A_101 = vector.extract_strided_slice %sub3A_100 {offsets = [0, 0], sizes = [2048, 64], strides = [1, 1]} : vector<2048x128xf32> to vector<2048x64xf32>
    %slice3A_102 = vector.extract_strided_slice %sub3A_100 {offsets = [0, 64], sizes = [2048, 64], strides = [1, 1]} : vector<2048x128xf32> to vector<2048x64xf32>
    %add3A_103 = arith.addf %slice3A_101, %slice3A_102 : vector<2048x64xf32>
    %mul3A = arith.mulf %convert_element_type3A_41, %add3A_103 : vector<2048x64xf32>
    %reduce_sum3A = arith.constant dense<0.000000e+00> : vector<2048xf32>
    %reduce_sum3A_104 = vector.multi_reduction <add>, %mul3A, %reduce_sum3A [1] : vector<2048x64xf32> to vector<2048xf32>
    %broadcast_in_dim3A_105 = vector.shape_cast %reduce_sum3A_104 : vector<2048xf32> to vector<2048x1xf32>
    %add3A_106 = arith.addf %slice3A_101, %slice3A_102 : vector<2048x64xf32>
    %add3A_107 = arith.addf %add3A_106, %convert_element_type3A_41 : vector<2048x64xf32>
    %mul3A_108 = arith.mulf %convert_element_type3A_45, %add3A_107 : vector<2048x64xf32>
    %reduce_sum3A_109 = arith.constant dense<0.000000e+00> : vector<2048xf32>
    %reduce_sum3A_110 = vector.multi_reduction <add>, %mul3A_108, %reduce_sum3A_109 [1] : vector<2048x64xf32> to vector<2048xf32>
    %broadcast_in_dim3A_111 = vector.shape_cast %reduce_sum3A_110 : vector<2048xf32> to vector<2048x1xf32>
    %convert_element_type3A_112 = arith.fptosi %broadcast_in_dim3A_105 : vector<2048x1xf32> to vector<2048x1xi32>
    %convert_element_type3A_113 = arith.fptosi %broadcast_in_dim3A_111 : vector<2048x1xf32> to vector<2048x1xi32>
    %lt3A = arith.constant 128 : i32
    %lt3A_114 = vector.broadcast %lt3A : i32 to vector<2048x1xi32>
    %lt3A_115 = arith.cmpi slt, %convert_element_type3A_112, %lt3A_114 : vector<2048x1xi32>
    %lt3A_116 = arith.constant 128 : i32
    %lt3A_117 = vector.broadcast %lt3A_116 : i32 to vector<2048x1xi32>
    %lt3A_118 = arith.cmpi slt, %convert_element_type3A_113, %lt3A_117 : vector<2048x1xi32>
    %iota3A_119 = tpu.iota {dimensions = array<i32: 1>} : vector<2048x128xi32>
    %eq3A_120 = vector.broadcast %convert_element_type3A_112 : vector<2048x1xi32> to vector<2048x128xi32>
    %eq3A_121 = arith.cmpi eq, %iota3A_119, %eq3A_120 : vector<2048x128xi32>
    %and3A = vector.broadcast %lt3A_115 : vector<2048x1xi1> to vector<2048x128xi1>
    %and3A_122 = arith.andi %eq3A_121, %and3A : vector<2048x128xi1>
    %convert_element_type3A_123 = arith.extui %and3A_122 : vector<2048x128xi1> to vector<2048x128xi32>
    %convert_element_type3A_124 = arith.sitofp %convert_element_type3A_123 : vector<2048x128xi32> to vector<2048x128xf32>
    %eq3A_125 = vector.broadcast %convert_element_type3A_113 : vector<2048x1xi32> to vector<2048x128xi32>
    %eq3A_126 = arith.cmpi eq, %iota3A_119, %eq3A_125 : vector<2048x128xi32>
    %and3A_127 = vector.broadcast %lt3A_118 : vector<2048x1xi1> to vector<2048x128xi1>
    %and3A_128 = arith.andi %eq3A_126, %and3A_127 : vector<2048x128xi1>
    %convert_element_type3A_129 = arith.extui %and3A_128 : vector<2048x128xi1> to vector<2048x128xi32>
    %convert_element_type3A_130 = arith.sitofp %convert_element_type3A_129 : vector<2048x128xi32> to vector<2048x128xf32>
    %iota3A_131 = tpu.iota {dimensions = array<i32: 0>} : vector<2048x1xi32>
    %convert_element_type3A_132 = arith.sitofp %iota3A_131 : vector<2048x1xi32> to vector<2048x1xf32>
    %mul3A_133 = vector.broadcast %convert_element_type3A_132 : vector<2048x1xf32> to vector<2048x128xf32>
    %mul3A_134 = arith.mulf %convert_element_type3A_124, %mul3A_133 : vector<2048x128xf32>
    %dot_general3A_135 = arith.constant dense<0.000000e+00> : vector<64x128xf32>
    %dot_general3A_136 = tpu.matmul %convert_element_type3A_41, %mul3A_134, %dot_general3A_135 {dimension_numbers = #tpu.dot_dimension_numbers<[0], [0], [1], [1], [0, 1, 1, 1], [], []>, precision = #tpu.contract_precision<fp32>, transpose_lhs_hint = false} : vector<2048x64xf32>, vector<2048x128xf32>, vector<64x128xf32> -> vector<64x128xf32>
    %mul3A_137 = vector.broadcast %convert_element_type3A_132 : vector<2048x1xf32> to vector<2048x128xf32>
    %mul3A_138 = arith.mulf %convert_element_type3A_130, %mul3A_137 : vector<2048x128xf32>
    %dot_general3A_139 = arith.constant dense<0.000000e+00> : vector<64x128xf32>
    %dot_general3A_140 = tpu.matmul %convert_element_type3A_45, %mul3A_138, %dot_general3A_139 {dimension_numbers = #tpu.dot_dimension_numbers<[0], [0], [1], [1], [0, 1, 1, 1], [], []>, precision = #tpu.contract_precision<fp32>, transpose_lhs_hint = false} : vector<2048x64xf32>, vector<2048x128xf32>, vector<64x128xf32> -> vector<64x128xf32>
    %add3A_141 = arith.addf %dot_general3A_136, %dot_general3A_140 : vector<64x128xf32>
    %mul3A_142 = vector.broadcast %div3A_30 : vector<2048x1xf32> to vector<2048x128xf32>
    %mul3A_143 = arith.mulf %convert_element_type3A_124, %mul3A_142 : vector<2048x128xf32>
    %dot_general3A_144 = arith.constant dense<0.000000e+00> : vector<64x128xf32>
    %dot_general3A_145 = tpu.matmul %convert_element_type3A_41, %mul3A_143, %dot_general3A_144 {dimension_numbers = #tpu.dot_dimension_numbers<[0], [0], [1], [1], [0, 1, 1, 1], [], []>, precision = #tpu.contract_precision<fp32>, transpose_lhs_hint = false} : vector<2048x64xf32>, vector<2048x128xf32>, vector<64x128xf32> -> vector<64x128xf32>
    %mul3A_146 = vector.broadcast %div3A_38 : vector<2048x1xf32> to vector<2048x128xf32>
    %mul3A_147 = arith.mulf %convert_element_type3A_130, %mul3A_146 : vector<2048x128xf32>
    %dot_general3A_148 = arith.constant dense<0.000000e+00> : vector<64x128xf32>
    %dot_general3A_149 = tpu.matmul %convert_element_type3A_45, %mul3A_147, %dot_general3A_148 {dimension_numbers = #tpu.dot_dimension_numbers<[0], [0], [1], [1], [0, 1, 1, 1], [], []>, precision = #tpu.contract_precision<fp32>, transpose_lhs_hint = false} : vector<2048x64xf32>, vector<2048x128xf32>, vector<64x128xf32> -> vector<64x128xf32>
    %add3A_150 = arith.addf %dot_general3A_145, %dot_general3A_149 : vector<64x128xf32>
    %add3A_151 = arith.addf %convert_element_type3A_41, %convert_element_type3A_45 : vector<2048x64xf32>
    %broadcast_in_dim3A_152 = arith.constant 1.000000e+00 : f32
    %broadcast_in_dim3A_153 = vector.broadcast %broadcast_in_dim3A_152 : f32 to vector<2048x1xf32>
    %dot_general3A_154 = arith.constant dense<0.000000e+00> : vector<64x1xf32>
    %dot_general3A_155 = tpu.matmul %add3A_151, %broadcast_in_dim3A_153, %dot_general3A_154 {dimension_numbers = #tpu.dot_dimension_numbers<[0], [0], [1], [1], [0, 1, 1, 1], [], []>, precision = #tpu.contract_precision<fp32>, transpose_lhs_hint = false} : vector<2048x64xf32>, vector<2048x1xf32>, vector<64x1xf32> -> vector<64x1xf32>
    %convert_element_type3A_156 = arith.fptosi %dot_general3A_155 : vector<64x1xf32> to vector<64x1xi32>
    %iota3A_157 = tpu.iota {dimensions = array<i32: 1>} : vector<64x128xi32>
    %iota3A_158 = tpu.iota {dimensions = array<i32: 0>} : vector<64x128xi32>
    %mul3A_159 = arith.constant 128 : i32
    %mul3A_160 = vector.broadcast %mul3A_159 : i32 to vector<64x128xi32>
    %mul3A_161 = arith.muli %iota3A_158, %mul3A_160 : vector<64x128xi32>
    %add3A_162 = arith.addi %mul3A_161, %iota3A_157 : vector<64x128xi32>
    %and3A_163 = arith.constant 2047 : i32
    %and3A_164 = vector.broadcast %and3A_163 : i32 to vector<64x128xi32>
    %and3A_165 = arith.andi %add3A_162, %and3A_164 : vector<64x128xi32>
    %lt3A_166 = vector.broadcast %convert_element_type3A_156 : vector<64x1xi32> to vector<64x128xi32>
    %lt3A_167 = arith.cmpi slt, %iota3A_157, %lt3A_166 : vector<64x128xi32>
    %convert_element_type3A_168 = arith.fptosi %add3A_141 : vector<64x128xf32> to vector<64x128xi32>
    %select_n3A_169 = arith.select %lt3A_167, %convert_element_type3A_168, %and3A_165 : vector<64x128xi1>, vector<64x128xi32>
    %swap3A = arith.constant 0 : index
    %swap3A_170 = arith.constant 0 : index
    %swap3A_171 = vector.load %arg2[%swap3A, %swap3A_170] : memref<64x128xi32, #tpu.memory_space<vmem>>, vector<64x128xi32>
    tpu.vector_store %arg2[%swap3A, %swap3A_170], %select_n3A_169 {strides = array<i32>} : memref<64x128xi32, #tpu.memory_space<vmem>>, vector<64x128xi32>,
    %broadcast_in_dim3A_172 = arith.constant 0.000000e+00 : f32
    %broadcast_in_dim3A_173 = vector.broadcast %broadcast_in_dim3A_172 : f32 to vector<1x128xf32>
    %concatenate3A_174 = tpu.concatenate %add3A_150, %broadcast_in_dim3A_173 in 0 : vector<64x128xf32>, vector<1x128xf32> -> vector<65x128xf32>
    %swap3A_175 = arith.constant 0 : index
    %swap3A_176 = arith.constant 0 : index
    %swap3A_177 = vector.load %arg3[%swap3A_175, %swap3A_176] : memref<65x128xf32, #tpu.memory_space<vmem>>, vector<65x128xf32>
    tpu.vector_store %arg3[%swap3A_175, %swap3A_176], %concatenate3A_174 {strides = array<i32>} : memref<65x128xf32, #tpu.memory_space<vmem>>, vector<65x128xf32>,
    %mul3A_178 = arith.constant 128 : i32
    %mul3A_179 = vector.broadcast %mul3A_178 : i32 to vector<2048x1xi32>
    %mul3A_180 = arith.muli %broadcast_in_dim3A_10, %mul3A_179 : vector<2048x1xi32>
    %add3A_181 = arith.addi %mul3A_180, %convert_element_type3A_112 : vector<2048x1xi32>
    %jit3A_182 = arith.constant 8192 : i32
    %broadcast_in_dim3A_183 = vector.broadcast %jit3A_182 : i32 to vector<2048x1xi32>
    %select_n3A_184 = arith.select %lt3A_115, %add3A_181, %broadcast_in_dim3A_183 : vector<2048x1xi1>, vector<2048x1xi32>
    %swap3A_185 = arith.constant 0 : index
    %swap3A_186 = arith.constant 0 : index
    %swap3A_187 = vector.load %arg4[%swap3A_185, %swap3A_186] : memref<2048x1xi32, #tpu.memory_space<vmem>>, vector<2048x1xi32>
    tpu.vector_store %arg4[%swap3A_185, %swap3A_186], %select_n3A_184 {strides = array<i32>} : memref<2048x1xi32, #tpu.memory_space<vmem>>, vector<2048x1xi32>,
    %mul3A_188 = arith.constant 128 : i32
    %mul3A_189 = vector.broadcast %mul3A_188 : i32 to vector<2048x1xi32>
    %mul3A_190 = arith.muli %broadcast_in_dim3A_26, %mul3A_189 : vector<2048x1xi32>
    %add3A_191 = arith.addi %mul3A_190, %convert_element_type3A_113 : vector<2048x1xi32>
    %jit3A_192 = arith.constant 8192 : i32
    %broadcast_in_dim3A_193 = vector.broadcast %jit3A_192 : i32 to vector<2048x1xi32>
    %select_n3A_194 = arith.select %lt3A_118, %add3A_191, %broadcast_in_dim3A_193 : vector<2048x1xi1>, vector<2048x1xi32>
    %swap3A_195 = arith.constant 0 : index
    %swap3A_196 = arith.constant 0 : index
    %swap3A_197 = vector.load %arg5[%swap3A_195, %swap3A_196] : memref<2048x1xi32, #tpu.memory_space<vmem>>, vector<2048x1xi32>
    tpu.vector_store %arg5[%swap3A_195, %swap3A_196], %select_n3A_194 {strides = array<i32>} : memref<2048x1xi32, #tpu.memory_space<vmem>>, vector<2048x1xi32>,
    return
  }
}

module attributes {stable_mosaic.version = 14 : i64} {
  func.func @_ffn_body(%arg0: i32, %arg1: memref<128x768xf32, #tpu.memory_space<vmem>>, %arg2: memref<1x768x1536xf32, #tpu.memory_space<vmem>>, %arg3: memref<64x1536xf32, #tpu.memory_space<vmem>>, %arg4: memref<1x1536x768xf32, #tpu.memory_space<vmem>>, %arg5: memref<64x768xf32, #tpu.memory_space<vmem>>, %arg6: memref<65x128x1xf32, #tpu.memory_space<vmem>>, %arg7: memref<128x768xf32, #tpu.memory_space<vmem>>) attributes {dimension_semantics = [#tpu.dimension_semantics<arbitrary>], iteration_bounds = array<i64: 65>, scalar_prefetch = 0 : i64, scratch_operands = 0 : i64, tpu.core_type = #tpu.core_type<tc>, window_params = [{transform_indices = @transform_0, window_bounds = array<i64: 128, 768>}, {transform_indices = @transform_1, window_bounds = array<i64: 1, 768, 1536>}, {pipeline_mode = #tpu.pipeline_mode<synchronous>, transform_indices = @transform_2, window_bounds = array<i64: 64, 1536>}, {transform_indices = @transform_3, window_bounds = array<i64: 1, 1536, 768>}, {pipeline_mode = #tpu.pipeline_mode<synchronous>, transform_indices = @transform_4, window_bounds = array<i64: 64, 768>}, {pipeline_mode = #tpu.pipeline_mode<synchronous>, transform_indices = @transform_5, window_bounds = array<i64: 65, 128, 1>}, {transform_indices = @transform_6, window_bounds = array<i64: 128, 768>}]} {
    %min3A = arith.constant 63 : i32
    %min3A_0 = arith.minsi %arg0, %min3A : i32
    %get3A = arith.constant 0 : index
    %get3A_1 = arith.constant 0 : index
    %get3A_2 = vector.load %arg1[%get3A, %get3A_1] : memref<128x768xf32, #tpu.memory_space<vmem>>, vector<128x768xf32>
    %get3A_3 = arith.constant 0 : index
    %get3A_4 = arith.constant 0 : index
    %get3A_5 = arith.constant 0 : index
    %get3A_6 = vector.load %arg2[%get3A_3, %get3A_4, %get3A_5] : memref<1x768x1536xf32, #tpu.memory_space<vmem>>, vector<1x768x1536xf32>
    %get3A_7 = vector.shape_cast %get3A_6 : vector<1x768x1536xf32> to vector<768x1536xf32>
    %dot_general3A = arith.constant dense<0.000000e+00> : vector<128x1536xf32>
    %dot_general3A_8 = tpu.matmul %get3A_2, %get3A_7, %dot_general3A {dimension_numbers = #tpu.dot_dimension_numbers<[1], [0], [0], [1], [0, 0, 1, 1], [], []>, transpose_lhs_hint = false} : vector<128x768xf32>, vector<768x1536xf32>, vector<128x1536xf32> -> vector<128x1536xf32>
    %get3A_9 = arith.index_cast %min3A_0 : i32 to index
    %get3A_10 = arith.constant 0 : index
    %get3A_11 = vector.load %arg3[%get3A_9, %get3A_10] : memref<64x1536xf32, #tpu.memory_space<vmem>>, vector<1x1536xf32>
    %add3A = vector.broadcast %get3A_11 : vector<1x1536xf32> to vector<128x1536xf32>
    %add3A_12 = arith.addf %dot_general3A_8, %add3A : vector<128x1536xf32>
    %integer_pow3A = arith.mulf %add3A_12, %add3A_12 : vector<128x1536xf32>
    %integer_pow3A_13 = arith.mulf %add3A_12, %integer_pow3A : vector<128x1536xf32>
    %mul3A = arith.constant 4.471500e-02 : f32
    %mul3A_14 = vector.broadcast %mul3A : f32 to vector<128x1536xf32>
    %mul3A_15 = arith.mulf %mul3A_14, %integer_pow3A_13 : vector<128x1536xf32>
    %add3A_16 = arith.addf %add3A_12, %mul3A_15 : vector<128x1536xf32>
    %mul3A_17 = arith.constant 0.797884583 : f32
    %mul3A_18 = vector.broadcast %mul3A_17 : f32 to vector<128x1536xf32>
    %mul3A_19 = arith.mulf %mul3A_18, %add3A_16 : vector<128x1536xf32>
    %tanh3A = math.tanh %mul3A_19 : vector<128x1536xf32>
    %add3A_20 = arith.constant 1.000000e+00 : f32
    %add3A_21 = vector.broadcast %add3A_20 : f32 to vector<128x1536xf32>
    %add3A_22 = arith.addf %add3A_21, %tanh3A : vector<128x1536xf32>
    %mul3A_23 = arith.constant 5.000000e-01 : f32
    %mul3A_24 = vector.broadcast %mul3A_23 : f32 to vector<128x1536xf32>
    %mul3A_25 = arith.mulf %mul3A_24, %add3A_22 : vector<128x1536xf32>
    %mul3A_26 = arith.mulf %add3A_12, %mul3A_25 : vector<128x1536xf32>
    %get3A_27 = arith.constant 0 : index
    %get3A_28 = arith.constant 0 : index
    %get3A_29 = arith.constant 0 : index
    %get3A_30 = vector.load %arg4[%get3A_27, %get3A_28, %get3A_29] : memref<1x1536x768xf32, #tpu.memory_space<vmem>>, vector<1x1536x768xf32>
    %get3A_31 = vector.shape_cast %get3A_30 : vector<1x1536x768xf32> to vector<1536x768xf32>
    %dot_general3A_32 = arith.constant dense<0.000000e+00> : vector<128x768xf32>
    %dot_general3A_33 = tpu.matmul %mul3A_26, %get3A_31, %dot_general3A_32 {dimension_numbers = #tpu.dot_dimension_numbers<[1], [0], [0], [1], [0, 0, 1, 1], [], []>, transpose_lhs_hint = false} : vector<128x1536xf32>, vector<1536x768xf32>, vector<128x768xf32> -> vector<128x768xf32>
    %get3A_34 = arith.index_cast %arg0 : i32 to index
    %get3A_35 = arith.constant 0 : index
    %get3A_36 = arith.constant 0 : index
    %get3A_37 = vector.load %arg6[%get3A_34, %get3A_35, %get3A_36] : memref<65x128x1xf32, #tpu.memory_space<vmem>>, vector<1x128x1xf32>
    %reshape3A = vector.shape_cast %get3A_37 : vector<1x128x1xf32> to vector<128x1xf32>
    %get3A_38 = arith.index_cast %min3A_0 : i32 to index
    %get3A_39 = arith.constant 0 : index
    %get3A_40 = vector.load %arg5[%get3A_38, %get3A_39] : memref<64x768xf32, #tpu.memory_space<vmem>>, vector<1x768xf32>
    %add3A_41 = vector.broadcast %get3A_40 : vector<1x768xf32> to vector<128x768xf32>
    %add3A_42 = arith.addf %dot_general3A_33, %add3A_41 : vector<128x768xf32>
    %mul3A_43 = vector.broadcast %reshape3A : vector<128x1xf32> to vector<128x768xf32>
    %mul3A_44 = arith.mulf %add3A_42, %mul3A_43 : vector<128x768xf32>
    %swap3A = arith.constant 0 : index
    %swap3A_45 = arith.constant 0 : index
    %swap3A_46 = vector.load %arg7[%swap3A, %swap3A_45] : memref<128x768xf32, #tpu.memory_space<vmem>>, vector<128x768xf32>
    tpu.vector_store %arg7[%swap3A, %swap3A_45], %mul3A_44 {strides = array<i32>} : memref<128x768xf32, #tpu.memory_space<vmem>>, vector<128x768xf32>,
    return
  }
  func.func @transform_0(%arg0: i32) -> (i32, i32) {
    %min3A = arith.constant 63 : i32
    %min3A_0 = arith.minsi %arg0, %min3A : i32
    %c0_i32 = arith.constant 0 : i32
    %c0_i32_1 = arith.constant 0 : i32
    return %min3A_0, %c0_i32 : i32, i32
  }
  func.func @transform_1(%arg0: i32) -> (i32, i32, i32) {
    %min3A = arith.constant 63 : i32
    %min3A_0 = arith.minsi %arg0, %min3A : i32
    %c0_i32 = arith.constant 0 : i32
    %c0_i32_1 = arith.constant 0 : i32
    %c0_i32_2 = arith.constant 0 : i32
    return %min3A_0, %c0_i32, %c0_i32_1 : i32, i32, i32
  }
  func.func @transform_2(%arg0: i32) -> (i32, i32) {
    %c0_i32 = arith.constant 0 : i32
    %c0_i32_0 = arith.constant 0 : i32
    %c0_i32_1 = arith.constant 0 : i32
    return %c0_i32, %c0_i32_0 : i32, i32
  }
  func.func @transform_3(%arg0: i32) -> (i32, i32, i32) {
    %min3A = arith.constant 63 : i32
    %min3A_0 = arith.minsi %arg0, %min3A : i32
    %c0_i32 = arith.constant 0 : i32
    %c0_i32_1 = arith.constant 0 : i32
    %c0_i32_2 = arith.constant 0 : i32
    return %min3A_0, %c0_i32, %c0_i32_1 : i32, i32, i32
  }
  func.func @transform_4(%arg0: i32) -> (i32, i32) {
    %c0_i32 = arith.constant 0 : i32
    %c0_i32_0 = arith.constant 0 : i32
    %c0_i32_1 = arith.constant 0 : i32
    return %c0_i32, %c0_i32_0 : i32, i32
  }
  func.func @transform_5(%arg0: i32) -> (i32, i32, i32) {
    %c0_i32 = arith.constant 0 : i32
    %c0_i32_0 = arith.constant 0 : i32
    %c0_i32_1 = arith.constant 0 : i32
    %c0_i32_2 = arith.constant 0 : i32
    return %c0_i32, %c0_i32_0, %c0_i32_1 : i32, i32, i32
  }
  func.func @transform_6(%arg0: i32) -> (i32, i32) {
    %c0_i32 = arith.constant 0 : i32
    %c0_i32_0 = arith.constant 0 : i32
    return %arg0, %c0_i32 : i32, i32
  }
}

</mosaic_0001>

<sc_bundles>
// kernel: kernel.6.cloned.1.call-start
scs
__scs_entry_jumppad:
0x0: {  	(pc) =	sbr.rel $0x88, $3  }
0x1: {  	(tag) =	ssettag $0x0;
	lr =	simm.s32 $0x1  }
0x2: {  	[smem:$0x3F9B] =	sst lr;
	_ =	strace $0xD0000000  }
0x3: {  	_ = 	snop  }
0x4: {  	_ = 	snop  }
0x5: {  	_ = 	snop  }
0x6: {  	_ = 	snop  }
0x7: {  	_ = 	snop  }
__scs_overlays_trampoline_lowered:
0x8: {  	[smem:$0x3FAA] =	sst s0  }
0x9: {  	[smem:$0x3FAB] =	sst s1  }
0xa: {  	[smem:$0x3FAC] =	sst s2  }
0xb: {  	[smem:$0x3FAD] =	sst s3  }
0xc: {  	[smem:$0x3FAE] =	sst s4  }
0xd: {  	[smem:$0x3FAF] =	sst s5  }
0xe: {  	[smem:$0x3FB0] =	sst s6  }
0xf: {  	[smem:$0x3FB1] =	sst s7  }
0x10: {  	[smem:$0x3FB2] =	sst s8  }
0x11: {  	[smem:$0x3FB3] =	sst s9;
	s0 =	simm.s32 @!p0 $0x0  }
0x12: {  	s1 =	sld [smem:$0x3F99];
	s0 =	simm.s32 @p0 $0x1  }
0x13: {  	[smem:$0x3FB4] =	sst s0;
	s0 =	simm.s32 @!p1 $0x0  }
0x14: {  	s2 =	sld [smem:$0x3F98];
	s0 =	simm.s32 @p1 $0x1  }
0x15: {  	[smem:$0x3FB5] =	sst s0;
	s0 =	simm.s32 @!p2 $0x0  }
0x16: {  	s3 =	sld [smem:$0x3FDB];
	s0 =	simm.s32 @p2 $0x1  }
0x17: {  	s4 =	simm.s32 $0x1BF5;
	[smem:$0x3FB7] =	sst s0  }
0x18: {  	s0 =	sld [smem:$0x3F9A];
	_ =	swait.ge [sflag:s4], $0x0  }
0x19: {  	s7 =	sld [smem:$0x3F9B]  }
0x1a: {  	s8 =	sadd.s32 $0xFFFFE003, lr  }
0x1b: {  	s9 =	sadd.s32 $0xFFFFFEF7, lr;
	s5 =	simm.s32 $0xFFFFFFFF;
	p2 =	slt.u32 s8, $0xFFFFF086  }
0x1c: {  	p1 =	slt.u32 s9, $0xF7A;
	s5 =	simm.s32 @!p2 $0x0  }
0x1d: {  	s5 =	simm.s32 @p1 $0x1;
	p0 =	seq.s32 s7, s2  }
0x1e: {  	s7 =	smul.u32 @!p0 $0xF7A, s2;
	p2 =	seq.s32 @!p0 s5, $0x0  }
0x1f: {  	s9 =	smul.u32 $0xF7A, s1;
	s8 =	simm.s32 @!p0 $0x1BF5;
	p2 =	por !p2, p0  }
0x20: {  	[sflag:s8] =	ssyncset.s32 @!p0 $0xFFFFF086;
	s6 =	sadd.s32 @!p0 s3, s7;
	s7 =	simm.s32 @!p0 $0x108  }
0x21: {  	s3 =	sadd.s32 s3, s9;
	s6 =	sadd.s32 @!p0 $0x88, s6;
	s7 =	simm.s32 @p2 $0x1082  }
0x22: {  	[simem:s7], [sflag:s8] =	dma.local @!p0 [hbm:s6], $0xF7A  }
0x23: {  	s9 =	sor.u32 $0xD0000000, s2;
	s6 =	simm.s32 $0x108;
	_ =	swait.ge @!p0 [sflag:s8], $0x0  }
0x24: {  	s3 =	sadd.s32 $0x88, s3;
	s6 =	simm.s32 @!p1 $0x1082;
	[sflag:s4] =	ssyncset.s32 $0xFFFFF086  }
0x25: {  	[simem:s6], [sflag:s4] =	dma.local [hbm:s3], $0xF7A  }
0x26: {  	[smem:$0x3F9B] =	sst s1;
	(tag) =	ssettag s2;
	_ =	strace s9  }
0x27: {  	s1 =	sld [smem:$0x3FAB]  }
0x28: {  	s2 =	sld [smem:$0x3FAC]  }
0x29: {  	s4 =	sld [smem:$0x3FAE]  }
0x2a: {  	p0 =	seq.s32 s5, $0x0;
	s5 =	sld [smem:$0x3FAF]  }
0x2b: {  	s6 =	sld [smem:$0x3FB0]  }
0x2c: {  	s7 =	sld [smem:$0x3FB1]  }
0x2d: {  	s3 =	simm.s32 $0x108;
	s8 =	sld [smem:$0x3FB2]  }
0x2e: {  	s3 =	simm.s32 @!p0 $0x1082;
	s9 =	sld [smem:$0x3FB3]  }
0x2f: {  	lr =	sadd.s32 s0, s3;
	s0 =	sld [smem:$0x3FAA]  }
0x30: {  	s3 =	sld [smem:$0x3FAD]  }
0x31: {  	[smem:$0x3FB6] =	sst s10  }
0x32: {  	s10 =	sld [smem:$0x3FB4];
	_ =	sdelay $0x3  }
0x33: {  	p0 =	seq.s32 s10, $0x1;
	s10 =	sld [smem:$0x3FB6];
	_ =	sdelay $0x3  }
0x34: {  	[smem:$0x3FB6] =	sst s10  }
0x35: {  	s10 =	sld [smem:$0x3FB5];
	_ =	sdelay $0x3  }
0x36: {  	p1 =	seq.s32 s10, $0x1;
	s10 =	sld [smem:$0x3FB6];
	_ =	sdelay $0x3  }
0x37: {  	[smem:$0x3FB6] =	sst s10  }
0x38: {  	s10 =	sld [smem:$0x3FB7]  }
0x39: {  	_ = 	snop;
	(pc) =	sbr.ind lr, $3  }
0x3a: {  	_ = 	snop  }
0x3b: {  	_ = 	snop  }
0x3c: {  	p2 =	seq.s32 s10, $0x1;
	s10 =	sld [smem:$0x3FB6]  }
0x3d: {  	_ =	shalt  }
0x3e: {  	_ =	shalt  }
0x3f: {  	_ =	shalt  }
0x40: {  	_ =	shalt  }
0x41: {  	_ =	shalt  }
0x42: {  	_ =	shalt  }
0x43: {  	_ =	shalt  }
0x44: {  	_ =	shalt  }
0x45: {  	_ =	shalt  }
0x46: {  	_ =	shalt  }
0x47: {  	_ =	shalt  }
0x48: {  	_ =	shalt  }
0x49: {  	_ =	shalt  }
0x4a: {  	_ =	shalt  }
0x4b: {  	_ =	shalt  }
0x4c: {  	_ =	shalt  }
0x4d: {  	_ =	shalt  }
0x4e: {  	_ =	shalt  }
0x4f: {  	_ =	shalt  }
0x50: {  	_ =	shalt  }
0x51: {  	_ =	shalt  }
0x52: {  	_ =	shalt  }
0x53: {  	_ =	shalt  }
0x54: {  	_ =	shalt  }
0x55: {  	_ =	shalt  }
0x56: {  	_ =	shalt  }
0x57: {  	_ =	shalt  }
0x58: {  	_ =	shalt  }
0x59: {  	_ =	shalt  }
0x5a: {  	_ =	shalt  }
0x5b: {  	_ =	shalt  }
0x5c: {  	_ =	shalt  }
0x5d: {  	_ =	shalt  }
0x5e: {  	_ =	shalt  }
0x5f: {  	_ =	shalt  }
0x60: {  	_ =	shalt  }
0x61: {  	_ =	shalt  }
0x62: {  	_ =	shalt  }
0x63: {  	_ =	shalt  }
0x64: {  	_ =	shalt  }
0x65: {  	_ =	shalt  }
0x66: {  	_ =	shalt  }
0x67: {  	_ =	shalt  }
0x68: {  	_ =	shalt  }
0x69: {  	_ =	shalt  }
0x6a: {  	_ =	shalt  }
0x6b: {  	_ =	shalt  }
0x6c: {  	_ =	shalt  }
0x6d: {  	_ =	shalt  }
0x6e: {  	_ =	shalt  }
0x6f: {  	_ =	shalt  }
0x70: {  	_ =	shalt  }
0x71: {  	_ =	shalt  }
0x72: {  	_ =	shalt  }
0x73: {  	_ =	shalt  }
0x74: {  	_ =	shalt  }
0x75: {  	_ =	shalt  }
0x76: {  	_ =	shalt  }
0x77: {  	_ =	shalt  }
0x78: {  	_ =	shalt  }
0x79: {  	_ =	shalt  }
0x7a: {  	_ =	shalt  }
0x7b: {  	_ =	shalt  }
0x7c: {  	_ =	shalt  }
0x7d: {  	_ =	shalt  }
0x7e: {  	_ =	shalt  }
0x7f: {  	_ =	shalt  }
0x80: {  	_ =	shalt  }
0x81: {  	_ =	shalt  }
0x82: {  	_ =	shalt  }
0x83: {  	_ =	shalt  }
0x84: {  	_ =	shalt  }
0x85: {  	_ =	shalt  }
0x86: {  	_ =	shalt  }
0x87: {  	_ =	shalt  }
.Lfunc_end0:
.L_simem_size_0:
called_computation_lowered:
.L_overlay_start_0:
0x88: {  	s2 =	sld [smem:$0x3FD9]  }
0x89: {  	s3 =	sld [smem:$0x3FFE];
	_ =	sdelay $0x1  }
0x8a: {  	s1 =	srdreg.scid  }
0x8b: {  	s0 =	sand.u32 $0x1, s1  }
0x8c: {  	s17 =	sshll.u32 s0, $0xA;
	s2 =	sadd.s32 s3, s2  }
0x8d: {  	s2 =	sadd.s32 s2, s17  }
0x8e: {  	[smem:$0x3FC2] =	sst s2  }
0x8f: {  	_ = 	snop  }
0x90: {  	s2 =	sld [smem:$0x3FC9]  }
0x91: {  	s18 =	sld [smem:$0x3FD0];
	(tm) =	ssettm $0x1  }
0x92: {  	s4 =	sld [smem:$0x3FFB];
	_ =	sdelay $0x3  }
0x93: {  	_ =	strace s4  }
0x94: {  	s4 =	sld [smem:$0x3FFC];
	_ =	sdelay $0x3  }
0x95: {  	_ =	strace s4  }
0x96: {  	s4 =	sld [smem:$0x3FFD];
	_ =	sdelay $0x3  }
0x97: {  	_ =	strace s4  }
0x98: {  	_ =	strace $0x8FFFFFFF  }
0x99: {  	s19 =	sld [smem:$0x3FDB];
	_ =	sdelay $0x1  }
0x9a: {  	s5 =	simm.s32 $_scs_section_size  }
0x9b: {  	s6 =	simm.s32 $_size__tile_overlayer_lowered;
	s7 =	simm.s32 $_tile_overlayer_lowered  }
0x9c: {  	s22 =	simm.s32 $0x1BFF;
	s21 =	sshll.u32 s7, $0x1;
	s4 =	sadd.s32 s5, s19  }
0x9d: {  	s8 =	simm.s32 $0x0;
	s20 =	sshll.u32 s6, $0x1;
	s6 =	sadd.s32 s21, s4  }
0x9e: {  	[timem:s8], [sflag:s22] =	dma.local [hbm:s6], s20  }
0x9f: {  	_ =	swait.ge [sflag:s22], s20  }
0xa0: {  	s5 =	ssub.s32 $0x0, s20;
	[sflag:s22] =	ssyncset.done $0x0  }
0xa1: {  	[sflag:s22] =	ssyncadd.s32 s5;
	_ =	sdelay $0x1  }
0xa2: {  	s23 =	simm.s32 $0x1B8B  }
0xa3: {  	_ =	swait.ge [sflag:s23], $0x1  }
0xa4: {  	[sflag:s23] =	ssyncset.done $0x0  }
0xa5: {  	s25 =	simm.s32 $0x1B8E;
	s24 =	sld [smem:$0x3FFE];
	[sflag:s23] =	ssyncadd.s32 $0xFFFFFFFF  }
0xa6: {  	s26 =	simm.s32 $execute0_lowered;
	[smem:$0x3FD2] =	sst s25  }
0xa7: {  	s6 =	sshll.u32 s26, $0x1;
	_ =	strace $0x80000046;
	[dreg:$0x1] =	wrdreg $0xFFFFFFFF  }
0xa8: {  	s28 =	simm.s32 $_size_execute0_lowered;
	s4 =	sadd.s32 s4, s6;
	[dreg:$0x0] =	wrdreg $0x0  }
0xa9: {  	s6 =	sshll.u32 s28, $0x1;
	[dreg:$0x2] =	wrdreg s4  }
0xaa: {  	[dreg:$0x3] =	wrdreg s6  }
0xab: {  	[dreg:$0x4] =	wrdreg $0xC0  }
0xac: {  	_ =	task [dreg:s8], $0x5FFFF  }
0xad: {  	[dreg:$0x1] =	wrdreg $0xFFFFFFFF  }
0xae: {  	[dreg:$0x0] =	wrdreg $0x60  }
0xaf: {  	[dreg:$0x2] =	wrdreg s2  }
0xb0: {  	[dreg:$0x3] =	wrdreg s18  }
0xb1: {  	[dreg:$0x4] =	wrdreg s24  }
0xb2: {  	[dreg:$0x5] =	wrdreg $0x9  }
0xb3: {  	_ =	task.clear_ibuf [dreg:s8], $0x6FFFF;
	_ =	strace $0x90000046  }
0xb4: {  	s29 =	simm.s32 $0x9;
	_ =	strace $0x80000048  }
0xb5: {  	_ =	swait.ge [sflag:s29], $0x1  }
0xb6: {  	[sflag:s29] =	ssyncadd.s32 $0xFFFFFFFF  }
0xb7: {  	_ =	strace $0x90000048  }
0xb8: {  	_ =	sfence  }
0xb9: {  	s30 =	sld [smem:$0x0];
	_ =	sdelay $0x2  }
0xba: {  	s31 =	sshll.u32 s1, $0xD;
	s1 =	sshrl.u32 s1, $0x2  }
0xbb: {  	s3 =	sand.u32 $0x4000, s31;
	s1 =	sadd.s32 s1, s30  }
0xbc: {  	s0 =	sor.u32 s3, s0;
	s1 =	sshll.u32 s1, $0x11  }
0xbd: {  	s0 =	sor.u32 s1, s0  }
0xbe: {  	s0 =	sadd.s32 $0x8F2B, s0  }
0xbf: {  	[sflag:s0] =	ssyncadd.remote.s32 $0x1  }
0xc0: {  	_ =	sfence.sel $0xFFFF  }
0xc1: {  	[dreg:$0x0] =	wrdreg $0xFFFFFFFF;
	(pc) =	sbr.abs _section_cstart, $3  }
0xc2: {  	[dreg:$0x1] =	wrdreg $0xFFFFFFFF  }
0xc3: {  	_ =	task.clear_ibuf [dreg:s8], $0x2FFFF;
	_ =	strace $0x9FFFFFFF  }
0xc4: {  	(tm) =	ssettm $0x7FFFFFFF  }
0xc5: {  	_ =	shalt  }
tec
execute0_lowered:
.L_overlay_start_1:
0x0: {  	(tag) =	ssettag $0x1  }
0x1: {  	s0 =	srdreg.scid;
	s1 =	rddreg [dreg:$0x0]  }
0x2: {  	s4 =	stileid.u32;
	s2 =	rddreg [dreg:$0x1]  }
0x3: {  	s5 =	rddreg [dreg:$0x2];
	s14 =	simm.s32 $0x900;
	s15 =	simm.s32 $0x1100  }
0x4: {  	s16 =	simm.s32 $0x1900;
	s17 =	simm.s32 $0x2100;
	s18 =	simm.s32 $0x2900  }
0x5: {  	s19 =	simm.s32 $0x3100;
	s20 =	simm.s32 $0x3900;
	s21 =	simm.s32 $0x4100  }
0x6: {  	s22 =	simm.s32 $0x4900;
	s28 =	simm.s32 $0x7100;
	s29 =	simm.s32 $0x7900  }
0x7: {  	s30 =	simm.s32 $0x8100;
	s31 =	simm.s32 $0x8900;
	s0 =	sand.u32 $0x1, s0  }
0x8: {  	s11 =	simm.s32 $0xA100;
	s4 =	sshll.u32 s4, $0x5;
	s3 =	sshll.u32 s0, $0x9  }
0x9: {  	s10 =	simm.s32 $0xB100;
	s5 =	sadd.s32 $0x800, s5;
	s4 =	sor.u32 s4, s3  }
0xa: {  	s0 =	ssub.s32 $0x2, s0;
	s3 =	simm.s32 $0x0;
	s6 =	smul.u32 $0x300, s4  }
0xb: {  	s8 =	sshrl.u32 s0, $0x1;
	[smem:$0x7FF] =	sst s3;
	s7 =	smul.u32 $0x1800, s4  }
0xc: {  	s2 =	sadd.s32 s2, s4;
	s0 =	ssub.s32 s0, s8;
	s8 =	simm.s32 $0x3  }
0xd: {  	_ =	strace $0x80000047;
	[dreg:$0x4] =	wrdreg s2;
	s2 =	simm.s32 $0xC100  }
0xe: {  	s6 =	sadd.s32 s5, s6;
	s23 =	sshrl.u32 s7, $0x3;
	s7 =	smax.u32 s0, $0x1  }
0xf: {  	[dreg:$0x8] =	wrdreg s6;
	s24 =	sadd.s32 $0x1800, s6;
	s4 =	sadd.s32 s5, s23  }
0x10: {  	s5 =	sadd.s32 $0x100, s1;
	s6 =	sadd.s32 $0x200, s1;
	s23 =	simm.s32 $0x5100  }
0x11: {  	v2 =	vlaneseq.u32;
	[dreg:$0x5] =	wrdreg s24;
	s25 =	sadd.s32 $0x3000, s4;
	s26 =	sadd.s32 $0x4800, s4  }
0x12: {  	vm0 =	vmmov $0xffff;
	v1 =	vshrl.u32 v2, $0x3;
	s4 =	simm.s32 $0x2;
	s24 =	simm.s32 $0x5900;
	[dreg:$0x6] =	wrdreg s25  }
0x13: {  	v0 =	vand.u32 $0x7, v2;
	v2 =	vor.u32 $0x8, v2;
	v1 =	vmul.u32 $0x8, v1;
	[dreg:$0x7] =	wrdreg s26;
	s25 =	simm.s32 $0x6100;
	s26 =	simm.s32 $0x6900  }
.LBB2_1:
0x14: {  	s13 =	rddreg [dreg:$0x4]  }
0x15: {  	[tilespmem:s3], [sflag:$0x3] =	stream.linear.gather [hbm4b:s13+s3], $0x100, $0x38;
	[tilespmem:$0x18100] =	vst v63  }
0x16: {  	_ =	swait.ge [sflag:s8], $0x100  }
0x17: {  	[sflag:s8] =	ssyncset.done $0x0  }
0x18: {  	[sflag:s8] =	ssyncadd.s32 $0xFFFFFF00  }
0x19: {  	v3 =	vld [tilespmem:$0x0];
	_ =	sdelay $0x4  }
0x1a: {  	v4 =	vshrl.u32 v3, $0x3  }
0x1b: {  	v4 =	vmul.u32 $0x30, v4  }
0x1c: {  	v3 =	vand.u32 $0x7, v3  }
0x1d: {  	v3 =	vor.u32 v3, v4  }
0x1e: {  	v4 =	vperm.xlane v3, v0;
	_ =	sdelay $0x1  }
0x1f: {  	v4 =	vadd.s32 v1, v4;
	_ =	sdelay $0x3  }
0x20: {  	s0 =	simm.s32 $0x100;
	v3 =	vperm.xlane v3, v2  }
0x21: {  	[tilespmem:s0], [sflag:$0x1] =	stream.indirect_vreg.gather [hbm4b:s1+s3], $0x80, v4, vm0, $0xb8;
	[tilespmem:$0x18100] =	vst v63  }
0x22: {  	v3 =	vadd.s32 v1, v3  }
0x23: {  	[tilespmem:s14], [sflag:$0x1] =	stream.indirect_vreg.gather [hbm4b:s5+s3], $0x80, v4, vm0, $0xb8;
	[tilespmem:$0x18100] =	vst v63  }
0x24: {  	_ = 	snop  }
0x25: {  	[tilespmem:s15], [sflag:$0x1] =	stream.indirect_vreg.gather [hbm4b:s6+s3], $0x80, v4, vm0, $0xb8;
	[tilespmem:$0x18100] =	vst v63  }
0x26: {  	_ = 	snop  }
0x27: {  	[tilespmem:s16], [sflag:$0x1] =	stream.indirect_vreg.gather [hbm4b:s1+s3], $0x80, v3, vm0, $0xb8;
	[tilespmem:$0x18100] =	vst v63  }
0x28: {  	_ = 	snop  }
0x29: {  	[tilespmem:s17], [sflag:$0x1] =	stream.indirect_vreg.gather [hbm4b:s5+s3], $0x80, v3, vm0, $0xb8;
	[tilespmem:$0x18100] =	vst v63  }
0x2a: {  	_ = 	snop  }
0x2b: {  	[tilespmem:s18], [sflag:$0x1] =	stream.indirect_vreg.gather [hbm4b:s6+s3], $0x80, v3, vm0, $0xb8;
	[tilespmem:$0x18100] =	vst v63  }
0x2c: {  	v3 =	vld [tilespmem:$0x10];
	_ =	sdelay $0x4  }
0x2d: {  	v49 =	vshrl.u32 v3, $0x3  }
0x2e: {  	v4 =	vmul.u32 $0x30, v49  }
0x2f: {  	v3 =	vand.u32 $0x7, v3  }
0x30: {  	v3 =	vor.u32 v3, v4  }
0x31: {  	v4 =	vperm.xlane v3, v0;
	_ =	sdelay $0x1  }
0x32: {  	v4 =	vadd.s32 v1, v4;
	_ =	sdelay $0x3  }
0x33: {  	v3 =	vperm.xlane v3, v2  }
0x34: {  	[tilespmem:s19], [sflag:$0x1] =	stream.indirect_vreg.gather [hbm4b:s1+s3], $0x80, v4, vm0, $0xb8;
	[tilespmem:$0x18100] =	vst v63  }
0x35: {  	v3 =	vadd.s32 v1, v3  }
0x36: {  	[tilespmem:s20], [sflag:$0x1] =	stream.indirect_vreg.gather [hbm4b:s5+s3], $0x80, v4, vm0, $0xb8;
	[tilespmem:$0x18100] =	vst v63  }
0x37: {  	_ = 	snop  }
0x38: {  	[tilespmem:s21], [sflag:$0x1] =	stream.indirect_vreg.gather [hbm4b:s6+s3], $0x80, v4, vm0, $0xb8;
	[tilespmem:$0x18100] =	vst v63  }
0x39: {  	_ = 	snop  }
0x3a: {  	[tilespmem:s22], [sflag:$0x1] =	stream.indirect_vreg.gather [hbm4b:s1+s3], $0x80, v3, vm0, $0xb8;
	[tilespmem:$0x18100] =	vst v63  }
0x3b: {  	_ = 	snop  }
0x3c: {  	[tilespmem:s23], [sflag:$0x1] =	stream.indirect_vreg.gather [hbm4b:s5+s3], $0x80, v3, vm0, $0xb8;
	[tilespmem:$0x18100] =	vst v63  }
0x3d: {  	_ = 	snop  }
0x3e: {  	[tilespmem:s24], [sflag:$0x1] =	stream.indirect_vreg.gather [hbm4b:s6+s3], $0x80, v3, vm0, $0xb8;
	[tilespmem:$0x18100] =	vst v63  }
0x3f: {  	v3 =	vld [tilespmem:$0x20];
	_ =	sdelay $0x4  }
0x40: {  	v50 =	vshrl.u32 v3, $0x3  }
0x41: {  	v4 =	vmul.u32 $0x30, v50  }
0x42: {  	v3 =	vand.u32 $0x7, v3  }
0x43: {  	v3 =	vor.u32 v3, v4  }
0x44: {  	v4 =	vperm.xlane v3, v0;
	_ =	sdelay $0x1  }
0x45: {  	v4 =	vadd.s32 v1, v4;
	_ =	sdelay $0x3  }
0x46: {  	v3 =	vperm.xlane v3, v2  }
0x47: {  	[tilespmem:s25], [sflag:$0x1] =	stream.indirect_vreg.gather [hbm4b:s1+s3], $0x80, v4, vm0, $0xb8;
	[tilespmem:$0x18100] =	vst v63  }
0x48: {  	v3 =	vadd.s32 v1, v3  }
0x49: {  	[tilespmem:s26], [sflag:$0x1] =	stream.indirect_vreg.gather [hbm4b:s5+s3], $0x80, v4, vm0, $0xb8;
	[tilespmem:$0x18100] =	vst v63  }
0x4a: {  	_ = 	snop  }
0x4b: {  	[tilespmem:s28], [sflag:$0x1] =	stream.indirect_vreg.gather [hbm4b:s6+s3], $0x80, v4, vm0, $0xb8;
	[tilespmem:$0x18100] =	vst v63  }
0x4c: {  	_ = 	snop  }
0x4d: {  	[tilespmem:s29], [sflag:$0x1] =	stream.indirect_vreg.gather [hbm4b:s1+s3], $0x80, v3, vm0, $0xb8;
	[tilespmem:$0x18100] =	vst v63  }
0x4e: {  	_ = 	snop  }
0x4f: {  	[tilespmem:s30], [sflag:$0x1] =	stream.indirect_vreg.gather [hbm4b:s5+s3], $0x80, v3, vm0, $0xb8;
	[tilespmem:$0x18100] =	vst v63  }
0x50: {  	_ = 	snop  }
0x51: {  	[tilespmem:s31], [sflag:$0x1] =	stream.indirect_vreg.gather [hbm4b:s6+s3], $0x80, v3, vm0, $0xb8;
	[tilespmem:$0x18100] =	vst v63  }
0x52: {  	v3 =	vld [tilespmem:$0x30];
	_ =	sdelay $0x4  }
0x53: {  	v51 =	vshrl.u32 v3, $0x3  }
0x54: {  	v4 =	vmul.u32 $0x30, v51  }
0x55: {  	v3 =	vand.u32 $0x7, v3  }
0x56: {  	v3 =	vor.u32 v3, v4  }
0x57: {  	v4 =	vperm.xlane v3, v0;
	_ =	sdelay $0x1  }
0x58: {  	v4 =	vadd.s32 v1, v4;
	_ =	sdelay $0x3  }
0x59: {  	s13 =	simm.s32 $0x9100;
	v3 =	vperm.xlane v3, v2  }
0x5a: {  	[tilespmem:s13], [sflag:$0x1] =	stream.indirect_vreg.gather [hbm4b:s1+s3], $0x80, v4, vm0, $0xb8;
	[tilespmem:$0x18100] =	vst v63  }
0x5b: {  	s9 =	simm.s32 $0x9900;
	v3 =	vadd.s32 v1, v3  }
0x5c: {  	[tilespmem:s9], [sflag:$0x1] =	stream.indirect_vreg.gather [hbm4b:s5+s3], $0x80, v4, vm0, $0xb8;
	[tilespmem:$0x18100] =	vst v63  }
0x5d: {  	_ = 	snop  }
0x5e: {  	[tilespmem:s11], [sflag:$0x1] =	stream.indirect_vreg.gather [hbm4b:s6+s3], $0x80, v4, vm0, $0xb8;
	[tilespmem:$0x18100] =	vst v63  }
0x5f: {  	s9 =	simm.s32 $0xA900  }
0x60: {  	[tilespmem:s9], [sflag:$0x1] =	stream.indirect_vreg.gather [hbm4b:s1+s3], $0x80, v3, vm0, $0xb8;
	[tilespmem:$0x18100] =	vst v63  }
0x61: {  	_ = 	snop  }
0x62: {  	[tilespmem:s10], [sflag:$0x1] =	stream.indirect_vreg.gather [hbm4b:s5+s3], $0x80, v3, vm0, $0xb8;
	[tilespmem:$0x18100] =	vst v63  }
0x63: {  	s12 =	simm.s32 $0xB900;
	s0 =	simm.s32 $0x1  }
0x64: {  	[tilespmem:s12], [sflag:$0x1] =	stream.indirect_vreg.gather [hbm4b:s6+s3], $0x80, v3, vm0, $0xb8;
	[tilespmem:$0x18100] =	vst v63  }
0x65: {  	_ =	swait.ge [sflag:s0], $0xC000  }
0x66: {  	[sflag:s0] =	ssyncset.done $0x0  }
0x67: {  	[sflag:s0] =	ssyncadd.s32 $0xFFFF4000  }
0x68: {  	v3 =	vld [tilespmem:$0x40];
	_ =	sdelay $0x4  }
0x69: {  	v52 =	vshrl.u32 v3, $0x3  }
0x6a: {  	v4 =	vmul.u32 $0x30, v52  }
0x6b: {  	v3 =	vand.u32 $0x7, v3  }
0x6c: {  	v3 =	vor.u32 v3, v4  }
0x6d: {  	v4 =	vperm.xlane v3, v0;
	_ =	sdelay $0x1  }
0x6e: {  	v4 =	vadd.s32 v1, v4;
	_ =	sdelay $0x3  }
0x6f: {  	v3 =	vperm.xlane v3, v2  }
0x70: {  	[tilespmem:s2], [sflag:$0x2] =	stream.indirect_vreg.gather [hbm4b:s1+s3], $0x80, v4, vm0, $0xb8;
	[tilespmem:$0x18100] =	vst v63  }
0x71: {  	s12 =	simm.s32 $0xC900;
	v3 =	vadd.s32 v1, v3  }
0x72: {  	[tilespmem:s12], [sflag:$0x2] =	stream.indirect_vreg.gather [hbm4b:s5+s3], $0x80, v4, vm0, $0xb8;
	[tilespmem:$0x18100] =	vst v63  }
0x73: {  	s13 =	simm.s32 $0xD100  }
0x74: {  	[tilespmem:s13], [sflag:$0x2] =	stream.indirect_vreg.gather [hbm4b:s6+s3], $0x80, v4, vm0, $0xb8;
	[tilespmem:$0x18100] =	vst v63  }
0x75: {  	s13 =	simm.s32 $0xD900  }
0x76: {  	[tilespmem:s13], [sflag:$0x2] =	stream.indirect_vreg.gather [hbm4b:s1+s3], $0x80, v3, vm0, $0xb8;
	[tilespmem:$0x18100] =	vst v63  }
0x77: {  	s13 =	simm.s32 $0xE100  }
0x78: {  	[tilespmem:s13], [sflag:$0x2] =	stream.indirect_vreg.gather [hbm4b:s5+s3], $0x80, v3, vm0, $0xb8;
	[tilespmem:$0x18100] =	vst v63  }
0x79: {  	s13 =	simm.s32 $0xE900  }
0x7a: {  	[tilespmem:s13], [sflag:$0x2] =	stream.indirect_vreg.gather [hbm4b:s6+s3], $0x80, v3, vm0, $0xb8;
	[tilespmem:$0x18100] =	vst v63  }
0x7b: {  	v3 =	vld [tilespmem:$0x50];
	_ =	sdelay $0x4  }
0x7c: {  	v53 =	vshrl.u32 v3, $0x3  }
0x7d: {  	v4 =	vmul.u32 $0x30, v53  }
0x7e: {  	v3 =	vand.u32 $0x7, v3  }
0x7f: {  	v3 =	vor.u32 v3, v4  }
0x80: {  	v4 =	vperm.xlane v3, v0;
	_ =	sdelay $0x1  }
0x81: {  	v4 =	vadd.s32 v1, v4;
	_ =	sdelay $0x3  }
0x82: {  	s13 =	simm.s32 $0xF100;
	v3 =	vperm.xlane v3, v2  }
0x83: {  	[tilespmem:s13], [sflag:$0x2] =	stream.indirect_vreg.gather [hbm4b:s1+s3], $0x80, v4, vm0, $0xb8;
	[tilespmem:$0x18100] =	vst v63  }
0x84: {  	v3 =	vadd.s32 v1, v3;
	s13 =	simm.s32 $0xF900  }
0x85: {  	[tilespmem:s13], [sflag:$0x2] =	stream.indirect_vreg.gather [hbm4b:s5+s3], $0x80, v4, vm0, $0xb8;
	[tilespmem:$0x18100] =	vst v63  }
0x86: {  	s13 =	simm.s32 $0x10100  }
0x87: {  	[tilespmem:s13], [sflag:$0x2] =	stream.indirect_vreg.gather [hbm4b:s6+s3], $0x80, v4, vm0, $0xb8;
	[tilespmem:$0x18100] =	vst v63  }
0x88: {  	s13 =	simm.s32 $0x10900  }
0x89: {  	[tilespmem:s13], [sflag:$0x2] =	stream.indirect_vreg.gather [hbm4b:s1+s3], $0x80, v3, vm0, $0xb8;
	[tilespmem:$0x18100] =	vst v63  }
0x8a: {  	s13 =	simm.s32 $0x11100  }
0x8b: {  	[tilespmem:s13], [sflag:$0x2] =	stream.indirect_vreg.gather [hbm4b:s5+s3], $0x80, v3, vm0, $0xb8;
	[tilespmem:$0x18100] =	vst v63  }
0x8c: {  	s13 =	simm.s32 $0x11900  }
0x8d: {  	[tilespmem:s13], [sflag:$0x2] =	stream.indirect_vreg.gather [hbm4b:s6+s3], $0x80, v3, vm0, $0xb8;
	[tilespmem:$0x18100] =	vst v63  }
0x8e: {  	v3 =	vld [tilespmem:$0x60];
	_ =	sdelay $0x4  }
0x8f: {  	v54 =	vshrl.u32 v3, $0x3  }
0x90: {  	v4 =	vmul.u32 $0x30, v54  }
0x91: {  	v3 =	vand.u32 $0x7, v3  }
0x92: {  	v3 =	vor.u32 v3, v4  }
0x93: {  	v4 =	vperm.xlane v3, v0;
	_ =	sdelay $0x1  }
0x94: {  	v4 =	vadd.s32 v1, v4;
	_ =	sdelay $0x3  }
0x95: {  	s13 =	simm.s32 $0x12100;
	v3 =	vperm.xlane v3, v2  }
0x96: {  	[tilespmem:s13], [sflag:$0x2] =	stream.indirect_vreg.gather [hbm4b:s1+s3], $0x80, v4, vm0, $0xb8;
	[tilespmem:$0x18100] =	vst v63  }
0x97: {  	v3 =	vadd.s32 v1, v3;
	s13 =	simm.s32 $0x12900  }
0x98: {  	[tilespmem:s13], [sflag:$0x2] =	stream.indirect_vreg.gather [hbm4b:s5+s3], $0x80, v4, vm0, $0xb8;
	[tilespmem:$0x18100] =	vst v63  }
0x99: {  	s13 =	simm.s32 $0x13100  }
0x9a: {  	[tilespmem:s13], [sflag:$0x2] =	stream.indirect_vreg.gather [hbm4b:s6+s3], $0x80, v4, vm0, $0xb8;
	[tilespmem:$0x18100] =	vst v63  }
0x9b: {  	s13 =	simm.s32 $0x13900  }
0x9c: {  	[tilespmem:s13], [sflag:$0x2] =	stream.indirect_vreg.gather [hbm4b:s1+s3], $0x80, v3, vm0, $0xb8;
	[tilespmem:$0x18100] =	vst v63  }
0x9d: {  	s13 =	simm.s32 $0x14100  }
0x9e: {  	[tilespmem:s13], [sflag:$0x2] =	stream.indirect_vreg.gather [hbm4b:s5+s3], $0x80, v3, vm0, $0xb8;
	[tilespmem:$0x18100] =	vst v63  }
0x9f: {  	s13 =	simm.s32 $0x14900  }
0xa0: {  	[tilespmem:s13], [sflag:$0x2] =	stream.indirect_vreg.gather [hbm4b:s6+s3], $0x80, v3, vm0, $0xb8;
	[tilespmem:$0x18100] =	vst v63  }
0xa1: {  	v3 =	vld [tilespmem:$0x70];
	_ =	sdelay $0x4  }
0xa2: {  	v55 =	vshrl.u32 v3, $0x3  }
0xa3: {  	v4 =	vmul.u32 $0x30, v55  }
0xa4: {  	v3 =	vand.u32 $0x7, v3  }
0xa5: {  	v3 =	vor.u32 v3, v4  }
0xa6: {  	v4 =	vperm.xlane v3, v0;
	_ =	sdelay $0x1  }
0xa7: {  	v4 =	vadd.s32 v1, v4;
	_ =	sdelay $0x3  }
0xa8: {  	s13 =	simm.s32 $0x15100;
	v3 =	vperm.xlane v3, v2  }
0xa9: {  	[tilespmem:s13], [sflag:$0x2] =	stream.indirect_vreg.gather [hbm4b:s1+s3], $0x80, v4, vm0, $0xb8;
	[tilespmem:$0x18100] =	vst v63  }
0xaa: {  	v3 =	vadd.s32 v1, v3;
	s13 =	simm.s32 $0x15900  }
0xab: {  	[tilespmem:s13], [sflag:$0x2] =	stream.indirect_vreg.gather [hbm4b:s5+s3], $0x80, v4, vm0, $0xb8;
	[tilespmem:$0x18100] =	vst v63  }
0xac: {  	s13 =	simm.s32 $0x16100  }
0xad: {  	[tilespmem:s13], [sflag:$0x2] =	stream.indirect_vreg.gather [hbm4b:s6+s3], $0x80, v4, vm0, $0xb8;
	[tilespmem:$0x18100] =	vst v63  }
0xae: {  	s13 =	simm.s32 $0x16900  }
0xaf: {  	[tilespmem:s13], [sflag:$0x2] =	stream.indirect_vreg.gather [hbm4b:s1+s3], $0x80, v3, vm0, $0xb8;
	[tilespmem:$0x18100] =	vst v63  }
0xb0: {  	s13 =	simm.s32 $0x17100  }
0xb1: {  	[tilespmem:s13], [sflag:$0x2] =	stream.indirect_vreg.gather [hbm4b:s5+s3], $0x80, v3, vm0, $0xb8;
	[tilespmem:$0x18100] =	vst v63  }
0xb2: {  	s13 =	simm.s32 $0x17900  }
0xb3: {  	[tilespmem:s13], [sflag:$0x2] =	stream.indirect_vreg.gather [hbm4b:s6+s3], $0x80, v3, vm0, $0xb8;
	[tilespmem:$0x18100] =	vst v63  }
0xb4: {  	s12 =	simm.s32 $0x100;
	s13 =	rddreg [dreg:$0x8]  }
0xb5: {  	[hbm4b:s13+s3] =	stream.linear.scatter [tilespmem:s12], [sflag:$0x3], $0xC000, $0x38;
	[tilespmem:$0x18100] =	vst v63  }
0xb6: {  	_ =	swait.ge [sflag:s8], $0xC000  }
0xb7: {  	[sflag:s8] =	ssyncset.done $0x0  }
0xb8: {  	[sflag:s8] =	ssyncadd.s32 $0xFFFF4000  }
0xb9: {  	_ =	swait.ge [sflag:s4], $0xC000  }
0xba: {  	[sflag:s4] =	ssyncset.done $0x0  }
0xbb: {  	[sflag:s4] =	ssyncadd.s32 $0xFFFF4000  }
0xbc: {  	v3 =	vld [tilespmem:$0x80];
	_ =	sdelay $0x4  }
0xbd: {  	v56 =	vshrl.u32 v3, $0x3  }
0xbe: {  	v4 =	vmul.u32 $0x30, v56  }
0xbf: {  	v3 =	vand.u32 $0x7, v3  }
0xc0: {  	v3 =	vor.u32 v3, v4  }
0xc1: {  	v4 =	vperm.xlane v3, v0;
	_ =	sdelay $0x1  }
0xc2: {  	v4 =	vadd.s32 v1, v4;
	_ =	sdelay $0x3  }
0xc3: {  	v3 =	vperm.xlane v3, v2  }
0xc4: {  	[tilespmem:s12], [sflag:$0x1] =	stream.indirect_vreg.gather [hbm4b:s1+s3], $0x80, v4, vm0, $0xb8;
	[tilespmem:$0x18100] =	vst v63  }
0xc5: {  	v3 =	vadd.s32 v1, v3  }
0xc6: {  	[tilespmem:s14], [sflag:$0x1] =	stream.indirect_vreg.gather [hbm4b:s5+s3], $0x80, v4, vm0, $0xb8;
	[tilespmem:$0x18100] =	vst v63  }
0xc7: {  	_ = 	snop  }
0xc8: {  	[tilespmem:s15], [sflag:$0x1] =	stream.indirect_vreg.gather [hbm4b:s6+s3], $0x80, v4, vm0, $0xb8;
	[tilespmem:$0x18100] =	vst v63  }
0xc9: {  	_ = 	snop  }
0xca: {  	[tilespmem:s16], [sflag:$0x1] =	stream.indirect_vreg.gather [hbm4b:s1+s3], $0x80, v3, vm0, $0xb8;
	[tilespmem:$0x18100] =	vst v63  }
0xcb: {  	_ = 	snop  }
0xcc: {  	[tilespmem:s17], [sflag:$0x1] =	stream.indirect_vreg.gather [hbm4b:s5+s3], $0x80, v3, vm0, $0xb8;
	[tilespmem:$0x18100] =	vst v63  }
0xcd: {  	_ = 	snop  }
0xce: {  	[tilespmem:s18], [sflag:$0x1] =	stream.indirect_vreg.gather [hbm4b:s6+s3], $0x80, v3, vm0, $0xb8;
	[tilespmem:$0x18100] =	vst v63  }
0xcf: {  	v3 =	vld [tilespmem:$0x90];
	_ =	sdelay $0x4  }
0xd0: {  	v57 =	vshrl.u32 v3, $0x3  }
0xd1: {  	v4 =	vmul.u32 $0x30, v57  }
0xd2: {  	v3 =	vand.u32 $0x7, v3  }
0xd3: {  	v3 =	vor.u32 v3, v4  }
0xd4: {  	v4 =	vperm.xlane v3, v0;
	_ =	sdelay $0x1  }
0xd5: {  	v4 =	vadd.s32 v1, v4;
	_ =	sdelay $0x3  }
0xd6: {  	v3 =	vperm.xlane v3, v2  }
0xd7: {  	[tilespmem:s19], [sflag:$0x1] =	stream.indirect_vreg.gather [hbm4b:s1+s3], $0x80, v4, vm0, $0xb8;
	[tilespmem:$0x18100] =	vst v63  }
0xd8: {  	v3 =	vadd.s32 v1, v3  }
0xd9: {  	[tilespmem:s20], [sflag:$0x1] =	stream.indirect_vreg.gather [hbm4b:s5+s3], $0x80, v4, vm0, $0xb8;
	[tilespmem:$0x18100] =	vst v63  }
0xda: {  	_ = 	snop  }
0xdb: {  	[tilespmem:s21], [sflag:$0x1] =	stream.indirect_vreg.gather [hbm4b:s6+s3], $0x80, v4, vm0, $0xb8;
	[tilespmem:$0x18100] =	vst v63  }
0xdc: {  	_ = 	snop  }
0xdd: {  	[tilespmem:s22], [sflag:$0x1] =	stream.indirect_vreg.gather [hbm4b:s1+s3], $0x80, v3, vm0, $0xb8;
	[tilespmem:$0x18100] =	vst v63  }
0xde: {  	_ = 	snop  }
0xdf: {  	[tilespmem:s23], [sflag:$0x1] =	stream.indirect_vreg.gather [hbm4b:s5+s3], $0x80, v3, vm0, $0xb8;
	[tilespmem:$0x18100] =	vst v63  }
0xe0: {  	_ = 	snop  }
0xe1: {  	[tilespmem:s24], [sflag:$0x1] =	stream.indirect_vreg.gather [hbm4b:s6+s3], $0x80, v3, vm0, $0xb8;
	[tilespmem:$0x18100] =	vst v63  }
0xe2: {  	v3 =	vld [tilespmem:$0xA0];
	_ =	sdelay $0x4  }
0xe3: {  	v58 =	vshrl.u32 v3, $0x3  }
0xe4: {  	v4 =	vmul.u32 $0x30, v58  }
0xe5: {  	v3 =	vand.u32 $0x7, v3  }
0xe6: {  	v3 =	vor.u32 v3, v4  }
0xe7: {  	v4 =	vperm.xlane v3, v0;
	_ =	sdelay $0x1  }
0xe8: {  	v4 =	vadd.s32 v1, v4;
	_ =	sdelay $0x3  }
0xe9: {  	v3 =	vperm.xlane v3, v2  }
0xea: {  	[tilespmem:s25], [sflag:$0x1] =	stream.indirect_vreg.gather [hbm4b:s1+s3], $0x80, v4, vm0, $0xb8;
	[tilespmem:$0x18100] =	vst v63  }
0xeb: {  	v3 =	vadd.s32 v1, v3  }
0xec: {  	[tilespmem:s26], [sflag:$0x1] =	stream.indirect_vreg.gather [hbm4b:s5+s3], $0x80, v4, vm0, $0xb8;
	[tilespmem:$0x18100] =	vst v63  }
0xed: {  	_ = 	snop  }
0xee: {  	[tilespmem:s28], [sflag:$0x1] =	stream.indirect_vreg.gather [hbm4b:s6+s3], $0x80, v4, vm0, $0xb8;
	[tilespmem:$0x18100] =	vst v63  }
0xef: {  	_ = 	snop  }
0xf0: {  	[tilespmem:s29], [sflag:$0x1] =	stream.indirect_vreg.gather [hbm4b:s1+s3], $0x80, v3, vm0, $0xb8;
	[tilespmem:$0x18100] =	vst v63  }
0xf1: {  	_ = 	snop  }
0xf2: {  	[tilespmem:s30], [sflag:$0x1] =	stream.indirect_vreg.gather [hbm4b:s5+s3], $0x80, v3, vm0, $0xb8;
	[tilespmem:$0x18100] =	vst v63  }
0xf3: {  	_ = 	snop  }
0xf4: {  	[tilespmem:s31], [sflag:$0x1] =	stream.indirect_vreg.gather [hbm4b:s6+s3], $0x80, v3, vm0, $0xb8;
	[tilespmem:$0x18100] =	vst v63  }
0xf5: {  	v3 =	vld [tilespmem:$0xB0];
	_ =	sdelay $0x4  }
0xf6: {  	v59 =	vshrl.u32 v3, $0x3  }
0xf7: {  	v4 =	vmul.u32 $0x30, v59  }
0xf8: {  	v3 =	vand.u32 $0x7, v3  }
0xf9: {  	v3 =	vor.u32 v3, v4  }
0xfa: {  	v4 =	vperm.xlane v3, v0;
	_ =	sdelay $0x1  }
0xfb: {  	v4 =	vadd.s32 v1, v4;
	_ =	sdelay $0x3  }
0xfc: {  	s13 =	simm.s32 $0x9100;
	v3 =	vperm.xlane v3, v2  }
0xfd: {  	[tilespmem:s13], [sflag:$0x1] =	stream.indirect_vreg.gather [hbm4b:s1+s3], $0x80, v4, vm0, $0xb8;
	[tilespmem:$0x18100] =	vst v63  }
0xfe: {  	v3 =	vadd.s32 v1, v3;
	s13 =	simm.s32 $0x9900  }
0xff: {  	[tilespmem:s13], [sflag:$0x1] =	stream.indirect_vreg.gather [hbm4b:s5+s3], $0x80, v4, vm0, $0xb8;
	[tilespmem:$0x18100] =	vst v63  }
0x100: {  	_ = 	snop  }
0x101: {  	[tilespmem:s11], [sflag:$0x1] =	stream.indirect_vreg.gather [hbm4b:s6+s3], $0x80, v4, vm0, $0xb8;
	[tilespmem:$0x18100] =	vst v63  }
0x102: {  	_ = 	snop  }
0x103: {  	[tilespmem:s9], [sflag:$0x1] =	stream.indirect_vreg.gather [hbm4b:s1+s3], $0x80, v3, vm0, $0xb8;
	[tilespmem:$0x18100] =	vst v63  }
0x104: {  	_ = 	snop  }
0x105: {  	[tilespmem:s10], [sflag:$0x1] =	stream.indirect_vreg.gather [hbm4b:s5+s3], $0x80, v3, vm0, $0xb8;
	[tilespmem:$0x18100] =	vst v63  }
0x106: {  	s12 =	simm.s32 $0xB900  }
0x107: {  	[tilespmem:s12], [sflag:$0x1] =	stream.indirect_vreg.gather [hbm4b:s6+s3], $0x80, v3, vm0, $0xb8;
	[tilespmem:$0x18100] =	vst v63  }
0x108: {  	s13 =	rddreg [dreg:$0x5]  }
0x109: {  	[hbm4b:s13+s3] =	stream.linear.scatter [tilespmem:s2], [sflag:$0x3], $0xC000, $0x38;
	[tilespmem:$0x18100] =	vst v63  }
0x10a: {  	_ =	swait.ge [sflag:s8], $0xC000  }
0x10b: {  	[sflag:s8] =	ssyncset.done $0x0  }
0x10c: {  	[sflag:s8] =	ssyncadd.s32 $0xFFFF4000  }
0x10d: {  	_ =	swait.ge [sflag:s0], $0xC000  }
0x10e: {  	[sflag:s0] =	ssyncset.done $0x0  }
0x10f: {  	[sflag:s0] =	ssyncadd.s32 $0xFFFF4000  }
0x110: {  	v3 =	vld [tilespmem:$0xC0];
	_ =	sdelay $0x4  }
0x111: {  	v60 =	vshrl.u32 v3, $0x3  }
0x112: {  	v4 =	vmul.u32 $0x30, v60  }
0x113: {  	v3 =	vand.u32 $0x7, v3  }
0x114: {  	v3 =	vor.u32 v3, v4  }
0x115: {  	v4 =	vperm.xlane v3, v0;
	_ =	sdelay $0x1  }
0x116: {  	v4 =	vadd.s32 v1, v4;
	_ =	sdelay $0x3  }
0x117: {  	v3 =	vperm.xlane v3, v2  }
0x118: {  	[tilespmem:s2], [sflag:$0x2] =	stream.indirect_vreg.gather [hbm4b:s1+s3], $0x80, v4, vm0, $0xb8;
	[tilespmem:$0x18100] =	vst v63  }
0x119: {  	s9 =	simm.s32 $0xC900;
	v3 =	vadd.s32 v1, v3  }
0x11a: {  	[tilespmem:s9], [sflag:$0x2] =	stream.indirect_vreg.gather [hbm4b:s5+s3], $0x80, v4, vm0, $0xb8;
	[tilespmem:$0x18100] =	vst v63  }
0x11b: {  	s12 =	simm.s32 $0xD100  }
0x11c: {  	[tilespmem:s12], [sflag:$0x2] =	stream.indirect_vreg.gather [hbm4b:s6+s3], $0x80, v4, vm0, $0xb8;
	[tilespmem:$0x18100] =	vst v63  }
0x11d: {  	s13 =	simm.s32 $0xD900  }
0x11e: {  	[tilespmem:s13], [sflag:$0x2] =	stream.indirect_vreg.gather [hbm4b:s1+s3], $0x80, v3, vm0, $0xb8;
	[tilespmem:$0x18100] =	vst v63  }
0x11f: {  	s9 =	simm.s32 $0xE100  }
0x120: {  	[tilespmem:s9], [sflag:$0x2] =	stream.indirect_vreg.gather [hbm4b:s5+s3], $0x80, v3, vm0, $0xb8;
	[tilespmem:$0x18100] =	vst v63  }
0x121: {  	s12 =	simm.s32 $0xE900  }
0x122: {  	[tilespmem:s12], [sflag:$0x2] =	stream.indirect_vreg.gather [hbm4b:s6+s3], $0x80, v3, vm0, $0xb8;
	[tilespmem:$0x18100] =	vst v63  }
0x123: {  	v3 =	vld [tilespmem:$0xD0];
	_ =	sdelay $0x4  }
0x124: {  	v61 =	vshrl.u32 v3, $0x3  }
0x125: {  	v4 =	vmul.u32 $0x30, v61  }
0x126: {  	v3 =	vand.u32 $0x7, v3  }
0x127: {  	v3 =	vor.u32 v3, v4  }
0x128: {  	v4 =	vperm.xlane v3, v0;
	_ =	sdelay $0x1  }
0x129: {  	v4 =	vadd.s32 v1, v4;
	_ =	sdelay $0x3  }
0x12a: {  	s13 =	simm.s32 $0xF100;
	v3 =	vperm.xlane v3, v2  }
0x12b: {  	[tilespmem:s13], [sflag:$0x2] =	stream.indirect_vreg.gather [hbm4b:s1+s3], $0x80, v4, vm0, $0xb8;
	[tilespmem:$0x18100] =	vst v63  }
0x12c: {  	s9 =	simm.s32 $0xF900;
	v3 =	vadd.s32 v1, v3  }
0x12d: {  	[tilespmem:s9], [sflag:$0x2] =	stream.indirect_vreg.gather [hbm4b:s5+s3], $0x80, v4, vm0, $0xb8;
	[tilespmem:$0x18100] =	vst v63  }
0x12e: {  	s12 =	simm.s32 $0x10100  }
0x12f: {  	[tilespmem:s12], [sflag:$0x2] =	stream.indirect_vreg.gather [hbm4b:s6+s3], $0x80, v4, vm0, $0xb8;
	[tilespmem:$0x18100] =	vst v63  }
0x130: {  	s13 =	simm.s32 $0x10900  }
0x131: {  	[tilespmem:s13], [sflag:$0x2] =	stream.indirect_vreg.gather [hbm4b:s1+s3], $0x80, v3, vm0, $0xb8;
	[tilespmem:$0x18100] =	vst v63  }
0x132: {  	s9 =	simm.s32 $0x11100  }
0x133: {  	[tilespmem:s9], [sflag:$0x2] =	stream.indirect_vreg.gather [hbm4b:s5+s3], $0x80, v3, vm0, $0xb8;
	[tilespmem:$0x18100] =	vst v63  }
0x134: {  	s12 =	simm.s32 $0x11900  }
0x135: {  	[tilespmem:s12], [sflag:$0x2] =	stream.indirect_vreg.gather [hbm4b:s6+s3], $0x80, v3, vm0, $0xb8;
	[tilespmem:$0x18100] =	vst v63  }
0x136: {  	v3 =	vld [tilespmem:$0xE0];
	_ =	sdelay $0x4  }
0x137: {  	v62 =	vshrl.u32 v3, $0x3  }
0x138: {  	v4 =	vmul.u32 $0x30, v62  }
0x139: {  	v3 =	vand.u32 $0x7, v3  }
0x13a: {  	v3 =	vor.u32 v3, v4  }
0x13b: {  	v4 =	vperm.xlane v3, v0;
	_ =	sdelay $0x1  }
0x13c: {  	v4 =	vadd.s32 v1, v4;
	_ =	sdelay $0x3  }
0x13d: {  	s13 =	simm.s32 $0x12100;
	v3 =	vperm.xlane v3, v2  }
0x13e: {  	[tilespmem:s13], [sflag:$0x2] =	stream.indirect_vreg.gather [hbm4b:s1+s3], $0x80, v4, vm0, $0xb8;
	[tilespmem:$0x18100] =	vst v63  }
0x13f: {  	s9 =	simm.s32 $0x12900;
	v3 =	vadd.s32 v1, v3  }
0x140: {  	[tilespmem:s9], [sflag:$0x2] =	stream.indirect_vreg.gather [hbm4b:s5+s3], $0x80, v4, vm0, $0xb8;
	[tilespmem:$0x18100] =	vst v63  }
0x141: {  	s12 =	simm.s32 $0x13100  }
0x142: {  	[tilespmem:s12], [sflag:$0x2] =	stream.indirect_vreg.gather [hbm4b:s6+s3], $0x80, v4, vm0, $0xb8;
	[tilespmem:$0x18100] =	vst v63  }
0x143: {  	s13 =	simm.s32 $0x13900  }
0x144: {  	[tilespmem:s13], [sflag:$0x2] =	stream.indirect_vreg.gather [hbm4b:s1+s3], $0x80, v3, vm0, $0xb8;
	[tilespmem:$0x18100] =	vst v63  }
0x145: {  	s9 =	simm.s32 $0x14100  }
0x146: {  	[tilespmem:s9], [sflag:$0x2] =	stream.indirect_vreg.gather [hbm4b:s5+s3], $0x80, v3, vm0, $0xb8;
	[tilespmem:$0x18100] =	vst v63  }
0x147: {  	s12 =	simm.s32 $0x14900  }
0x148: {  	[tilespmem:s12], [sflag:$0x2] =	stream.indirect_vreg.gather [hbm4b:s6+s3], $0x80, v3, vm0, $0xb8;
	[tilespmem:$0x18100] =	vst v63  }
0x149: {  	v3 =	vld [tilespmem:$0xF0];
	_ =	sdelay $0x4  }
0x14a: {  	v63 =	vshrl.u32 v3, $0x3  }
0x14b: {  	v4 =	vmul.u32 $0x30, v63  }
0x14c: {  	v3 =	vand.u32 $0x7, v3  }
0x14d: {  	v3 =	vor.u32 v3, v4  }
0x14e: {  	v4 =	vperm.xlane v3, v0;
	_ =	sdelay $0x1  }
0x14f: {  	v4 =	vadd.s32 v1, v4;
	_ =	sdelay $0x3  }
0x150: {  	s13 =	simm.s32 $0x15100;
	v3 =	vperm.xlane v3, v2  }
0x151: {  	[tilespmem:s13], [sflag:$0x2] =	stream.indirect_vreg.gather [hbm4b:s1+s3], $0x80, v4, vm0, $0xb8;
	[tilespmem:$0x18100] =	vst v63  }
0x152: {  	s9 =	simm.s32 $0x15900;
	v3 =	vadd.s32 v1, v3  }
0x153: {  	[tilespmem:s9], [sflag:$0x2] =	stream.indirect_vreg.gather [hbm4b:s5+s3], $0x80, v4, vm0, $0xb8;
	[tilespmem:$0x18100] =	vst v63  }
0x154: {  	s12 =	simm.s32 $0x16100  }
0x155: {  	[tilespmem:s12], [sflag:$0x2] =	stream.indirect_vreg.gather [hbm4b:s6+s3], $0x80, v4, vm0, $0xb8;
	[tilespmem:$0x18100] =	vst v63  }
0x156: {  	s13 =	simm.s32 $0x16900  }
0x157: {  	[tilespmem:s13], [sflag:$0x2] =	stream.indirect_vreg.gather [hbm4b:s1+s3], $0x80, v3, vm0, $0xb8;
	[tilespmem:$0x18100] =	vst v63  }
0x158: {  	s9 =	simm.s32 $0x17100  }
0x159: {  	[tilespmem:s9], [sflag:$0x2] =	stream.indirect_vreg.gather [hbm4b:s5+s3], $0x80, v3, vm0, $0xb8;
	[tilespmem:$0x18100] =	vst v63  }
0x15a: {  	s12 =	simm.s32 $0x17900  }
0x15b: {  	[tilespmem:s12], [sflag:$0x2] =	stream.indirect_vreg.gather [hbm4b:s6+s3], $0x80, v3, vm0, $0xb8;
	[tilespmem:$0x18100] =	vst v63  }
0x15c: {  	s13 =	rddreg [dreg:$0x6];
	s9 =	simm.s32 $0x100  }
0x15d: {  	[hbm4b:s13+s3] =	stream.linear.scatter [tilespmem:s9], [sflag:$0x3], $0xC000, $0x38;
	[tilespmem:$0x18100] =	vst v63  }
0x15e: {  	_ =	swait.ge [sflag:s8], $0xC000  }
0x15f: {  	[sflag:s8] =	ssyncset.done $0x0  }
0x160: {  	[sflag:s8] =	ssyncadd.s32 $0xFFFF4000  }
0x161: {  	_ =	swait.ge [sflag:s4], $0xC000  }
0x162: {  	p0 =	sne.s32 s7, $0x1;
	[sflag:s4] =	ssyncset.done $0x0  }
.Ltmp0:
0x163: {  	s12 =	rddreg [dreg:$0x7];
	[sflag:s4] =	ssyncadd.s32 $0xFFFF4000;
	(pc) =	sbr.rel @p0 .LBB2_1-.Ltmp0, $4  }
0x164: {  	[hbm4b:s12+s3] =	stream.linear.scatter [tilespmem:s2], [sflag:$0x3], $0xC000, $0x38;
	[tilespmem:$0x18100] =	vst v63  }
0x165: {  	_ =	swait.ge [sflag:s8], $0xC000  }
0x166: {  	[sflag:s8] =	ssyncset.done $0x0  }
0x167: {  	s7 =	sadd.s32 $0xFFFFFFFF, s7;
	[sflag:s8] =	ssyncadd.s32 $0xFFFF4000  }
0x168: {  	_ =	sfence.sel $0x180000  }
0x169: {  	[bflag:$0x0] =	sbarrier.arrive $0xFFFF  }
0x16a: {  	_ =	strace $0x90000047  }
0x16b: {  	s0 =	stileid.u32;
	[bflag:$0x2] =	sbarrier.arrive $0xFFFF  }
0x16c: {  	p0 =	sne.s32 s0, $0x0;
	s0 =	rddreg [dreg:$0x3]  }
0x16d: {  	s0 =	sadd.s32 @!p0 $0x100000, s0  }
0x16e: {  	[sflag:s0] =	ssyncadd.tile.s32 @!p0 $0x1;
	_ =	shalt  }
.Lfunc_end2:
_tile_overlayer_lowered:
.L_overlay_start_2:
0x16f: {  	(tag) =	ssettag $0x2  }
0x170: {  	s0 =	rddreg [dreg:$0x0];
	s2 =	stileid.u32  }
0x171: {  	s1 =	rddreg [dreg:$0x1];
	p0 =	sne.s32 s2, $0x0  }
0x172: {  	s3 =	rddreg [dreg:$0x2];
	[bflag:$0x3] =	sbarrier.arrive $0xFFFF;
	s2 =	simm.s32 @!p0 $0x1C03  }
0x173: {  	[timem:s3], [sflag:s2] =	dma.local @!p0 [hbm:s0], s1  }
0x174: {  	s0 =	simm.s32 @!p0 $0x3  }
0x175: {  	_ =	swait.ge @!p0 [sflag:s0], s1  }
0x176: {  	s1 =	ssub.s32 @!p0 $0x0, s1;
	[sflag:s0] =	ssyncset.done @!p0 $0x0  }
0x177: {  	[sflag:s0] =	ssyncadd.s32 @!p0 s1  }
0x178: {  	[bflag:$0x3] =	sbarrier.arrive $0xFFFF  }
0x179: {  	_ =	shalt  }

// kernel: kernel.9.cloned.1.call-start
scs
__scs_entry_jumppad:
0x0: {  	(pc) =	sbr.rel $0x88, $3  }
0x1: {  	(tag) =	ssettag $0x0;
	lr =	simm.s32 $0x1  }
0x2: {  	[smem:$0x3F9B] =	sst lr;
	_ =	strace $0xD0000000  }
0x3: {  	_ = 	snop  }
0x4: {  	_ = 	snop  }
0x5: {  	_ = 	snop  }
0x6: {  	_ = 	snop  }
0x7: {  	_ = 	snop  }
__scs_overlays_trampoline_lowered:
0x8: {  	[smem:$0x3FAA] =	sst s0  }
0x9: {  	[smem:$0x3FAB] =	sst s1  }
0xa: {  	[smem:$0x3FAC] =	sst s2  }
0xb: {  	[smem:$0x3FAD] =	sst s3  }
0xc: {  	[smem:$0x3FAE] =	sst s4  }
0xd: {  	[smem:$0x3FAF] =	sst s5  }
0xe: {  	[smem:$0x3FB0] =	sst s6  }
0xf: {  	[smem:$0x3FB1] =	sst s7  }
0x10: {  	[smem:$0x3FB2] =	sst s8  }
0x11: {  	[smem:$0x3FB3] =	sst s9;
	s0 =	simm.s32 @!p0 $0x0  }
0x12: {  	s1 =	sld [smem:$0x3F99];
	s0 =	simm.s32 @p0 $0x1  }
0x13: {  	[smem:$0x3FB4] =	sst s0;
	s0 =	simm.s32 @!p1 $0x0  }
0x14: {  	s2 =	sld [smem:$0x3F98];
	s0 =	simm.s32 @p1 $0x1  }
0x15: {  	[smem:$0x3FB5] =	sst s0;
	s0 =	simm.s32 @!p2 $0x0  }
0x16: {  	s3 =	sld [smem:$0x3FDB];
	s0 =	simm.s32 @p2 $0x1  }
0x17: {  	s4 =	simm.s32 $0x1BF5;
	[smem:$0x3FB7] =	sst s0  }
0x18: {  	s0 =	sld [smem:$0x3F9A];
	_ =	swait.ge [sflag:s4], $0x0  }
0x19: {  	s7 =	sld [smem:$0x3F9B]  }
0x1a: {  	s8 =	sadd.s32 $0xFFFFE003, lr  }
0x1b: {  	s9 =	sadd.s32 $0xFFFFFEF7, lr;
	s5 =	simm.s32 $0xFFFFFFFF;
	p2 =	slt.u32 s8, $0xFFFFF086  }
0x1c: {  	p1 =	slt.u32 s9, $0xF7A;
	s5 =	simm.s32 @!p2 $0x0  }
0x1d: {  	s5 =	simm.s32 @p1 $0x1;
	p0 =	seq.s32 s7, s2  }
0x1e: {  	s7 =	smul.u32 @!p0 $0xF7A, s2;
	p2 =	seq.s32 @!p0 s5, $0x0  }
0x1f: {  	s9 =	smul.u32 $0xF7A, s1;
	s8 =	simm.s32 @!p0 $0x1BF5;
	p2 =	por !p2, p0  }
0x20: {  	[sflag:s8] =	ssyncset.s32 @!p0 $0xFFFFF086;
	s6 =	sadd.s32 @!p0 s3, s7;
	s7 =	simm.s32 @!p0 $0x108  }
0x21: {  	s3 =	sadd.s32 s3, s9;
	s6 =	sadd.s32 @!p0 $0x88, s6;
	s7 =	simm.s32 @p2 $0x1082  }
0x22: {  	[simem:s7], [sflag:s8] =	dma.local @!p0 [hbm:s6], $0xF7A  }
0x23: {  	s9 =	sor.u32 $0xD0000000, s2;
	s6 =	simm.s32 $0x108;
	_ =	swait.ge @!p0 [sflag:s8], $0x0  }
0x24: {  	s3 =	sadd.s32 $0x88, s3;
	s6 =	simm.s32 @!p1 $0x1082;
	[sflag:s4] =	ssyncset.s32 $0xFFFFF086  }
0x25: {  	[simem:s6], [sflag:s4] =	dma.local [hbm:s3], $0xF7A  }
0x26: {  	[smem:$0x3F9B] =	sst s1;
	(tag) =	ssettag s2;
	_ =	strace s9  }
0x27: {  	s1 =	sld [smem:$0x3FAB]  }
0x28: {  	s2 =	sld [smem:$0x3FAC]  }
0x29: {  	s4 =	sld [smem:$0x3FAE]  }
0x2a: {  	p0 =	seq.s32 s5, $0x0;
	s5 =	sld [smem:$0x3FAF]  }
0x2b: {  	s6 =	sld [smem:$0x3FB0]  }
0x2c: {  	s7 =	sld [smem:$0x3FB1]  }
0x2d: {  	s3 =	simm.s32 $0x108;
	s8 =	sld [smem:$0x3FB2]  }
0x2e: {  	s3 =	simm.s32 @!p0 $0x1082;
	s9 =	sld [smem:$0x3FB3]  }
0x2f: {  	lr =	sadd.s32 s0, s3;
	s0 =	sld [smem:$0x3FAA]  }
0x30: {  	s3 =	sld [smem:$0x3FAD]  }
0x31: {  	[smem:$0x3FB6] =	sst s10  }
0x32: {  	s10 =	sld [smem:$0x3FB4];
	_ =	sdelay $0x3  }
0x33: {  	p0 =	seq.s32 s10, $0x1;
	s10 =	sld [smem:$0x3FB6];
	_ =	sdelay $0x3  }
0x34: {  	[smem:$0x3FB6] =	sst s10  }
0x35: {  	s10 =	sld [smem:$0x3FB5];
	_ =	sdelay $0x3  }
0x36: {  	p1 =	seq.s32 s10, $0x1;
	s10 =	sld [smem:$0x3FB6];
	_ =	sdelay $0x3  }
0x37: {  	[smem:$0x3FB6] =	sst s10  }
0x38: {  	s10 =	sld [smem:$0x3FB7]  }
0x39: {  	_ = 	snop;
	(pc) =	sbr.ind lr, $3  }
0x3a: {  	_ = 	snop  }
0x3b: {  	_ = 	snop  }
0x3c: {  	p2 =	seq.s32 s10, $0x1;
	s10 =	sld [smem:$0x3FB6]  }
0x3d: {  	_ =	shalt  }
0x3e: {  	_ =	shalt  }
0x3f: {  	_ =	shalt  }
0x40: {  	_ =	shalt  }
0x41: {  	_ =	shalt  }
0x42: {  	_ =	shalt  }
0x43: {  	_ =	shalt  }
0x44: {  	_ =	shalt  }
0x45: {  	_ =	shalt  }
0x46: {  	_ =	shalt  }
0x47: {  	_ =	shalt  }
0x48: {  	_ =	shalt  }
0x49: {  	_ =	shalt  }
0x4a: {  	_ =	shalt  }
0x4b: {  	_ =	shalt  }
0x4c: {  	_ =	shalt  }
0x4d: {  	_ =	shalt  }
0x4e: {  	_ =	shalt  }
0x4f: {  	_ =	shalt  }
0x50: {  	_ =	shalt  }
0x51: {  	_ =	shalt  }
0x52: {  	_ =	shalt  }
0x53: {  	_ =	shalt  }
0x54: {  	_ =	shalt  }
0x55: {  	_ =	shalt  }
0x56: {  	_ =	shalt  }
0x57: {  	_ =	shalt  }
0x58: {  	_ =	shalt  }
0x59: {  	_ =	shalt  }
0x5a: {  	_ =	shalt  }
0x5b: {  	_ =	shalt  }
0x5c: {  	_ =	shalt  }
0x5d: {  	_ =	shalt  }
0x5e: {  	_ =	shalt  }
0x5f: {  	_ =	shalt  }
0x60: {  	_ =	shalt  }
0x61: {  	_ =	shalt  }
0x62: {  	_ =	shalt  }
0x63: {  	_ =	shalt  }
0x64: {  	_ =	shalt  }
0x65: {  	_ =	shalt  }
0x66: {  	_ =	shalt  }
0x67: {  	_ =	shalt  }
0x68: {  	_ =	shalt  }
0x69: {  	_ =	shalt  }
0x6a: {  	_ =	shalt  }
0x6b: {  	_ =	shalt  }
0x6c: {  	_ =	shalt  }
0x6d: {  	_ =	shalt  }
0x6e: {  	_ =	shalt  }
0x6f: {  	_ =	shalt  }
0x70: {  	_ =	shalt  }
0x71: {  	_ =	shalt  }
0x72: {  	_ =	shalt  }
0x73: {  	_ =	shalt  }
0x74: {  	_ =	shalt  }
0x75: {  	_ =	shalt  }
0x76: {  	_ =	shalt  }
0x77: {  	_ =	shalt  }
0x78: {  	_ =	shalt  }
0x79: {  	_ =	shalt  }
0x7a: {  	_ =	shalt  }
0x7b: {  	_ =	shalt  }
0x7c: {  	_ =	shalt  }
0x7d: {  	_ =	shalt  }
0x7e: {  	_ =	shalt  }
0x7f: {  	_ =	shalt  }
0x80: {  	_ =	shalt  }
0x81: {  	_ =	shalt  }
0x82: {  	_ =	shalt  }
0x83: {  	_ =	shalt  }
0x84: {  	_ =	shalt  }
0x85: {  	_ =	shalt  }
0x86: {  	_ =	shalt  }
0x87: {  	_ =	shalt  }
.Lfunc_end0:
.L_simem_size_0:
called_computation.1_lowered:
.L_overlay_start_0:
0x88: {  	s2 =	sld [smem:$0x3FD9]  }
0x89: {  	s3 =	sld [smem:$0x3FFE];
	_ =	sdelay $0x1  }
0x8a: {  	s1 =	srdreg.scid  }
0x8b: {  	s0 =	sand.u32 $0x1, s1  }
0x8c: {  	s17 =	sshll.u32 s0, $0xA;
	s2 =	sadd.s32 s3, s2  }
0x8d: {  	s2 =	sadd.s32 s2, s17  }
0x8e: {  	[smem:$0x3FC2] =	sst s2  }
0x8f: {  	_ = 	snop  }
0x90: {  	s2 =	sld [smem:$0x3FD0];
	(tm) =	ssettm $0x1  }
0x91: {  	s18 =	sld [smem:$0x3FFB];
	_ =	sdelay $0x3  }
0x92: {  	_ =	strace s18  }
0x93: {  	s3 =	sld [smem:$0x3FFC];
	_ =	sdelay $0x3  }
0x94: {  	_ =	strace s3  }
0x95: {  	s3 =	sld [smem:$0x3FFD];
	_ =	sdelay $0x3  }
0x96: {  	_ =	strace s3  }
0x97: {  	_ =	strace $0x8FFFFFFF  }
0x98: {  	s19 =	sld [smem:$0x3FDB];
	_ =	sdelay $0x1  }
0x99: {  	s4 =	simm.s32 $_scs_section_size  }
0x9a: {  	s5 =	simm.s32 $_size__tile_overlayer_lowered;
	s6 =	simm.s32 $_tile_overlayer_lowered  }
0x9b: {  	s22 =	simm.s32 $0x1BFF;
	s21 =	sshll.u32 s6, $0x1;
	s3 =	sadd.s32 s4, s19  }
0x9c: {  	s7 =	simm.s32 $0x0;
	s20 =	sshll.u32 s5, $0x1;
	s5 =	sadd.s32 s21, s3  }
0x9d: {  	[timem:s7], [sflag:s22] =	dma.local [hbm:s5], s20  }
0x9e: {  	_ =	swait.ge [sflag:s22], s20  }
0x9f: {  	s4 =	ssub.s32 $0x0, s20;
	[sflag:s22] =	ssyncset.done $0x0  }
0xa0: {  	[sflag:s22] =	ssyncadd.s32 s4;
	_ =	sdelay $0x1  }
0xa1: {  	s23 =	simm.s32 $0x1B8B  }
0xa2: {  	_ =	swait.ge [sflag:s23], $0x1  }
0xa3: {  	[sflag:s23] =	ssyncset.done $0x0  }
0xa4: {  	s25 =	simm.s32 $0x1B8E;
	s24 =	sld [smem:$0x3FFE];
	[sflag:s23] =	ssyncadd.s32 $0xFFFFFFFF  }
0xa5: {  	s26 =	simm.s32 $execute0_lowered;
	[smem:$0x3FD2] =	sst s25  }
0xa6: {  	s5 =	sshll.u32 s26, $0x1;
	_ =	strace $0x80000049;
	[dreg:$0x1] =	wrdreg $0xFFFFFFFF  }
0xa7: {  	s28 =	simm.s32 $_size_execute0_lowered;
	s3 =	sadd.s32 s3, s5;
	[dreg:$0x0] =	wrdreg $0x0  }
0xa8: {  	s5 =	sshll.u32 s28, $0x1;
	[dreg:$0x2] =	wrdreg s3  }
0xa9: {  	[dreg:$0x3] =	wrdreg s5  }
0xaa: {  	[dreg:$0x4] =	wrdreg $0xC0  }
0xab: {  	_ =	task [dreg:s7], $0x5FFFF  }
0xac: {  	[dreg:$0x1] =	wrdreg $0xFFFFFFFF  }
0xad: {  	[dreg:$0x0] =	wrdreg $0x60  }
0xae: {  	[dreg:$0x2] =	wrdreg s24  }
0xaf: {  	[dreg:$0x3] =	wrdreg s2  }
0xb0: {  	[dreg:$0x4] =	wrdreg $0x9  }
0xb1: {  	_ =	task.clear_ibuf [dreg:s7], $0x5FFFF;
	_ =	strace $0x90000049  }
0xb2: {  	s29 =	simm.s32 $0x9;
	_ =	strace $0x8000004B  }
0xb3: {  	_ =	swait.ge [sflag:s29], $0x1  }
0xb4: {  	[sflag:s29] =	ssyncadd.s32 $0xFFFFFFFF  }
0xb5: {  	_ =	strace $0x9000004B  }
0xb6: {  	_ =	sfence  }
0xb7: {  	s30 =	sld [smem:$0x0];
	_ =	sdelay $0x2  }
0xb8: {  	s31 =	sshll.u32 s1, $0xD;
	s1 =	sshrl.u32 s1, $0x2  }
0xb9: {  	s3 =	sand.u32 $0x4000, s31;
	s1 =	sadd.s32 s1, s30  }
0xba: {  	s0 =	sor.u32 s3, s0;
	s1 =	sshll.u32 s1, $0x11  }
0xbb: {  	s0 =	sor.u32 s1, s0  }
0xbc: {  	s0 =	sadd.s32 $0x8F2B, s0  }
0xbd: {  	[sflag:s0] =	ssyncadd.remote.s32 $0x1  }
0xbe: {  	_ =	sfence.sel $0xFFFF  }
0xbf: {  	[dreg:$0x0] =	wrdreg $0xFFFFFFFF;
	(pc) =	sbr.abs _section_cstart, $3  }
0xc0: {  	[dreg:$0x1] =	wrdreg $0xFFFFFFFF  }
0xc1: {  	_ =	task.clear_ibuf [dreg:s7], $0x2FFFF;
	_ =	strace $0x9FFFFFFF  }
0xc2: {  	(tm) =	ssettm $0x7FFFFFFF  }
0xc3: {  	_ =	shalt  }
tec
execute0_lowered:
.L_overlay_start_1:
0x0: {  	(tag) =	ssettag $0x1  }
0x1: {  	s0 =	rddreg [dreg:$0x0]  }
0x2: {  	s1 =	rddreg [dreg:$0x1]  }
0x3: {  	s2 =	simm.s32 $0x0;
	s3 =	srdreg.scid;
	s6 =	stileid.u32  }
0x4: {  	s10 =	simm.s32 $0x3;
	s11 =	simm.s32 $0x100;
	s28 =	simm.s32 $0x12100  }
0x5: {  	s29 =	simm.s32 $0x12900;
	s30 =	simm.s32 $0x13100;
	s31 =	simm.s32 $0x13900  }
0x6: {  	s12 =	simm.s32 $0x15100;
	s13 =	simm.s32 $0x15900;
	s14 =	simm.s32 $0x16100  }
0x7: {  	s15 =	simm.s32 $0x16900;
	s16 =	simm.s32 $0x17100;
	s17 =	simm.s32 $0x17900  }
0x8: {  	s18 =	simm.s32 $0x1;
	s19 =	simm.s32 $0x2;
	s20 =	simm.s32 $0x0  }
0x9: {  	[smem:$0x7FF] =	sst s2;
	s4 =	sand.u32 $0x1, s3;
	s6 =	sshll.u32 s6, $0x3  }
0xa: {  	s3 =	sadd.s32 $0xC0C00, s0;
	s5 =	sshll.u32 s4, $0x7;
	s4 =	ssub.s32 $0x2, s4  }
0xb: {  	_ =	strace $0x8000004A;
	s5 =	sor.u32 s6, s5;
	s26 =	sshrl.u32 s4, $0x1  }
0xc: {  	s6 =	sadd.s32 $0xC0E00, s0;
	s7 =	sadd.s32 s5, s0;
	s8 =	smul.u32 $0x300, s5  }
0xd: {  	v2 =	vlaneseq.u32;
	s9 =	ssub.s32 s4, s26;
	s5 =	sadd.s32 $0xC0D00, s0;
	s26 =	simm.s32 $0x11900  }
0xe: {  	vm0 =	vmmov $0xffff;
	v1 =	vshrl.u32 v2, $0x3;
	s0 =	simm.s32 $0x14100;
	s4 =	sadd.s32 $0xC0800, s7;
	s7 =	sadd.s32 $0xC0A00, s7  }
0xf: {  	v0 =	vand.u32 $0x7, v2;
	v2 =	vor.u32 $0x8, v2;
	v1 =	vmul.u32 $0x8, v1;
	s9 =	smax.u32 s9, $0x1;
	s8 =	sadd.s32 s1, s8;
	s1 =	simm.s32 $0x14900  }
.LBB2_1:
0x10: {  	[tilespmem:s2], [sflag:$0x3] =	stream.linear.gather [hbm4b:s4+s2], $0x40, $0x38;
	[tilespmem:$0x18100] =	vst v63  }
0x11: {  	_ =	swait.ge [sflag:s10], $0x40  }
0x12: {  	[sflag:s10] =	ssyncset.done $0x0  }
0x13: {  	[sflag:s10] =	ssyncadd.s32 $0xFFFFFFC0  }
0x14: {  	v3 =	vld [tilespmem:$0x0];
	_ =	sdelay $0x4  }
0x15: {  	v4 =	vshrl.u32 v3, $0x3  }
0x16: {  	v4 =	vmul.u32 $0x30, v4  }
0x17: {  	v3 =	vand.u32 $0x7, v3  }
0x18: {  	v3 =	vor.u32 v3, v4  }
0x19: {  	v4 =	vperm.xlane v3, v0;
	_ =	sdelay $0x1  }
0x1a: {  	v4 =	vadd.s32 v1, v4;
	_ =	sdelay $0x3  }
0x1b: {  	v3 =	vperm.xlane v3, v2  }
0x1c: {  	[tilespmem:s11], [sflag:$0x1] =	stream.indirect_vreg.gather [hbm4b:s3+s2], $0x80, v4, vm0, $0xb8;
	[tilespmem:$0x18100] =	vst v63  }
0x1d: {  	s21 =	simm.s32 $0x900;
	v3 =	vadd.s32 v1, v3  }
0x1e: {  	[tilespmem:s21], [sflag:$0x1] =	stream.indirect_vreg.gather [hbm4b:s5+s2], $0x80, v4, vm0, $0xb8;
	[tilespmem:$0x18100] =	vst v63  }
0x1f: {  	s23 =	simm.s32 $0x1100  }
0x20: {  	[tilespmem:s23], [sflag:$0x1] =	stream.indirect_vreg.gather [hbm4b:s6+s2], $0x80, v4, vm0, $0xb8;
	[tilespmem:$0x18100] =	vst v63  }
0x21: {  	s24 =	simm.s32 $0x1900  }
0x22: {  	[tilespmem:s24], [sflag:$0x1] =	stream.indirect_vreg.gather [hbm4b:s3+s2], $0x80, v3, vm0, $0xb8;
	[tilespmem:$0x18100] =	vst v63  }
0x23: {  	s25 =	simm.s32 $0x2100  }
0x24: {  	[tilespmem:s25], [sflag:$0x1] =	stream.indirect_vreg.gather [hbm4b:s5+s2], $0x80, v3, vm0, $0xb8;
	[tilespmem:$0x18100] =	vst v63  }
0x25: {  	s22 =	simm.s32 $0x2900  }
0x26: {  	[tilespmem:s22], [sflag:$0x1] =	stream.indirect_vreg.gather [hbm4b:s6+s2], $0x80, v3, vm0, $0xb8;
	[tilespmem:$0x18100] =	vst v63  }
0x27: {  	v3 =	vld [tilespmem:$0x10];
	_ =	sdelay $0x4  }
0x28: {  	v4 =	vshrl.u32 v3, $0x3  }
0x29: {  	v4 =	vmul.u32 $0x30, v4  }
0x2a: {  	v3 =	vand.u32 $0x7, v3  }
0x2b: {  	v3 =	vor.u32 v3, v4  }
0x2c: {  	v4 =	vperm.xlane v3, v0;
	_ =	sdelay $0x1  }
0x2d: {  	v4 =	vadd.s32 v1, v4;
	_ =	sdelay $0x3  }
0x2e: {  	s23 =	simm.s32 $0x3100;
	v3 =	vperm.xlane v3, v2  }
0x2f: {  	[tilespmem:s23], [sflag:$0x1] =	stream.indirect_vreg.gather [hbm4b:s3+s2], $0x80, v4, vm0, $0xb8;
	[tilespmem:$0x18100] =	vst v63  }
0x30: {  	s24 =	simm.s32 $0x3900;
	v3 =	vadd.s32 v1, v3  }
0x31: {  	[tilespmem:s24], [sflag:$0x1] =	stream.indirect_vreg.gather [hbm4b:s5+s2], $0x80, v4, vm0, $0xb8;
	[tilespmem:$0x18100] =	vst v63  }
0x32: {  	s25 =	simm.s32 $0x4100  }
0x33: {  	[tilespmem:s25], [sflag:$0x1] =	stream.indirect_vreg.gather [hbm4b:s6+s2], $0x80, v4, vm0, $0xb8;
	[tilespmem:$0x18100] =	vst v63  }
0x34: {  	s22 =	simm.s32 $0x4900  }
0x35: {  	[tilespmem:s22], [sflag:$0x1] =	stream.indirect_vreg.gather [hbm4b:s3+s2], $0x80, v3, vm0, $0xb8;
	[tilespmem:$0x18100] =	vst v63  }
0x36: {  	s23 =	simm.s32 $0x5100  }
0x37: {  	[tilespmem:s23], [sflag:$0x1] =	stream.indirect_vreg.gather [hbm4b:s5+s2], $0x80, v3, vm0, $0xb8;
	[tilespmem:$0x18100] =	vst v63  }
0x38: {  	s24 =	simm.s32 $0x5900  }
0x39: {  	[tilespmem:s24], [sflag:$0x1] =	stream.indirect_vreg.gather [hbm4b:s6+s2], $0x80, v3, vm0, $0xb8;
	[tilespmem:$0x18100] =	vst v63  }
0x3a: {  	v3 =	vld [tilespmem:$0x20];
	_ =	sdelay $0x4  }
0x3b: {  	v4 =	vshrl.u32 v3, $0x3  }
0x3c: {  	v4 =	vmul.u32 $0x30, v4  }
0x3d: {  	v3 =	vand.u32 $0x7, v3  }
0x3e: {  	v3 =	vor.u32 v3, v4  }
0x3f: {  	v4 =	vperm.xlane v3, v0;
	_ =	sdelay $0x1  }
0x40: {  	v4 =	vadd.s32 v1, v4;
	_ =	sdelay $0x3  }
0x41: {  	s25 =	simm.s32 $0x6100;
	v3 =	vperm.xlane v3, v2  }
0x42: {  	[tilespmem:s25], [sflag:$0x1] =	stream.indirect_vreg.gather [hbm4b:s3+s2], $0x80, v4, vm0, $0xb8;
	[tilespmem:$0x18100] =	vst v63  }
0x43: {  	s22 =	simm.s32 $0x6900;
	v3 =	vadd.s32 v1, v3  }
0x44: {  	[tilespmem:s22], [sflag:$0x1] =	stream.indirect_vreg.gather [hbm4b:s5+s2], $0x80, v4, vm0, $0xb8;
	[tilespmem:$0x18100] =	vst v63  }
0x45: {  	s23 =	simm.s32 $0x7100  }
0x46: {  	[tilespmem:s23], [sflag:$0x1] =	stream.indirect_vreg.gather [hbm4b:s6+s2], $0x80, v4, vm0, $0xb8;
	[tilespmem:$0x18100] =	vst v63  }
0x47: {  	s24 =	simm.s32 $0x7900  }
0x48: {  	[tilespmem:s24], [sflag:$0x1] =	stream.indirect_vreg.gather [hbm4b:s3+s2], $0x80, v3, vm0, $0xb8;
	[tilespmem:$0x18100] =	vst v63  }
0x49: {  	s25 =	simm.s32 $0x8100  }
0x4a: {  	[tilespmem:s25], [sflag:$0x1] =	stream.indirect_vreg.gather [hbm4b:s5+s2], $0x80, v3, vm0, $0xb8;
	[tilespmem:$0x18100] =	vst v63  }
0x4b: {  	s22 =	simm.s32 $0x8900  }
0x4c: {  	[tilespmem:s22], [sflag:$0x1] =	stream.indirect_vreg.gather [hbm4b:s6+s2], $0x80, v3, vm0, $0xb8;
	[tilespmem:$0x18100] =	vst v63  }
0x4d: {  	v3 =	vld [tilespmem:$0x30];
	_ =	sdelay $0x4  }
0x4e: {  	v4 =	vshrl.u32 v3, $0x3  }
0x4f: {  	v4 =	vmul.u32 $0x30, v4  }
0x50: {  	v3 =	vand.u32 $0x7, v3  }
0x51: {  	v3 =	vor.u32 v3, v4  }
0x52: {  	v4 =	vperm.xlane v3, v0;
	_ =	sdelay $0x1  }
0x53: {  	v4 =	vadd.s32 v1, v4;
	_ =	sdelay $0x3  }
0x54: {  	s23 =	simm.s32 $0x9100;
	v3 =	vperm.xlane v3, v2  }
0x55: {  	[tilespmem:s23], [sflag:$0x1] =	stream.indirect_vreg.gather [hbm4b:s3+s2], $0x80, v4, vm0, $0xb8;
	[tilespmem:$0x18100] =	vst v63  }
0x56: {  	s24 =	simm.s32 $0x9900;
	v3 =	vadd.s32 v1, v3  }
0x57: {  	[tilespmem:s24], [sflag:$0x1] =	stream.indirect_vreg.gather [hbm4b:s5+s2], $0x80, v4, vm0, $0xb8;
	[tilespmem:$0x18100] =	vst v63  }
0x58: {  	s25 =	simm.s32 $0xA100  }
0x59: {  	[tilespmem:s25], [sflag:$0x1] =	stream.indirect_vreg.gather [hbm4b:s6+s2], $0x80, v4, vm0, $0xb8;
	[tilespmem:$0x18100] =	vst v63  }
0x5a: {  	s22 =	simm.s32 $0xA900  }
0x5b: {  	[tilespmem:s22], [sflag:$0x1] =	stream.indirect_vreg.gather [hbm4b:s3+s2], $0x80, v3, vm0, $0xb8;
	[tilespmem:$0x18100] =	vst v63  }
0x5c: {  	s23 =	simm.s32 $0xB100  }
0x5d: {  	[tilespmem:s23], [sflag:$0x1] =	stream.indirect_vreg.gather [hbm4b:s5+s2], $0x80, v3, vm0, $0xb8;
	[tilespmem:$0x18100] =	vst v63  }
0x5e: {  	s24 =	simm.s32 $0xB900  }
0x5f: {  	[tilespmem:s24], [sflag:$0x1] =	stream.indirect_vreg.gather [hbm4b:s6+s2], $0x80, v3, vm0, $0xb8;
	[tilespmem:$0x18100] =	vst v63  }
0x60: {  	s25 =	simm.s32 $0x80  }
0x61: {  	[tilespmem:s25], [sflag:$0x3] =	stream.linear.gather [hbm4b:s7+s2], $0x40, $0x38;
	[tilespmem:$0x18100] =	vst v63  }
0x62: {  	_ =	swait.ge [sflag:s10], $0x40  }
0x63: {  	[sflag:s10] =	ssyncset.done $0x0  }
0x64: {  	[sflag:s10] =	ssyncadd.s32 $0xFFFFFFC0  }
0x65: {  	v3 =	vld [tilespmem:$0x80];
	_ =	sdelay $0x4  }
0x66: {  	v4 =	vshrl.u32 v3, $0x3  }
0x67: {  	v4 =	vmul.u32 $0x30, v4  }
0x68: {  	v3 =	vand.u32 $0x7, v3  }
0x69: {  	v3 =	vor.u32 v3, v4  }
0x6a: {  	v4 =	vperm.xlane v3, v0;
	_ =	sdelay $0x1  }
0x6b: {  	v4 =	vadd.s32 v1, v4;
	_ =	sdelay $0x3  }
0x6c: {  	s22 =	simm.s32 $0xC100;
	v3 =	vperm.xlane v3, v2  }
0x6d: {  	[tilespmem:s22], [sflag:$0x2] =	stream.indirect_vreg.gather [hbm4b:s3+s2], $0x80, v4, vm0, $0xb8;
	[tilespmem:$0x18100] =	vst v63  }
0x6e: {  	s23 =	simm.s32 $0xC900;
	v3 =	vadd.s32 v1, v3  }
0x6f: {  	[tilespmem:s23], [sflag:$0x2] =	stream.indirect_vreg.gather [hbm4b:s5+s2], $0x80, v4, vm0, $0xb8;
	[tilespmem:$0x18100] =	vst v63  }
0x70: {  	s24 =	simm.s32 $0xD100  }
0x71: {  	[tilespmem:s24], [sflag:$0x2] =	stream.indirect_vreg.gather [hbm4b:s6+s2], $0x80, v4, vm0, $0xb8;
	[tilespmem:$0x18100] =	vst v63  }
0x72: {  	s25 =	simm.s32 $0xD900  }
0x73: {  	[tilespmem:s25], [sflag:$0x2] =	stream.indirect_vreg.gather [hbm4b:s3+s2], $0x80, v3, vm0, $0xb8;
	[tilespmem:$0x18100] =	vst v63  }
0x74: {  	s22 =	simm.s32 $0xE100  }
0x75: {  	[tilespmem:s22], [sflag:$0x2] =	stream.indirect_vreg.gather [hbm4b:s5+s2], $0x80, v3, vm0, $0xb8;
	[tilespmem:$0x18100] =	vst v63  }
0x76: {  	s23 =	simm.s32 $0xE900  }
0x77: {  	[tilespmem:s23], [sflag:$0x2] =	stream.indirect_vreg.gather [hbm4b:s6+s2], $0x80, v3, vm0, $0xb8;
	[tilespmem:$0x18100] =	vst v63  }
0x78: {  	v3 =	vld [tilespmem:$0x90];
	_ =	sdelay $0x4  }
0x79: {  	v4 =	vshrl.u32 v3, $0x3  }
0x7a: {  	v4 =	vmul.u32 $0x30, v4  }
0x7b: {  	v3 =	vand.u32 $0x7, v3  }
0x7c: {  	v3 =	vor.u32 v3, v4  }
0x7d: {  	v4 =	vperm.xlane v3, v0;
	_ =	sdelay $0x1  }
0x7e: {  	v4 =	vadd.s32 v1, v4;
	_ =	sdelay $0x3  }
0x7f: {  	s24 =	simm.s32 $0xF100;
	v3 =	vperm.xlane v3, v2  }
0x80: {  	[tilespmem:s24], [sflag:$0x2] =	stream.indirect_vreg.gather [hbm4b:s3+s2], $0x80, v4, vm0, $0xb8;
	[tilespmem:$0x18100] =	vst v63  }
0x81: {  	s25 =	simm.s32 $0xF900;
	v3 =	vadd.s32 v1, v3  }
0x82: {  	[tilespmem:s25], [sflag:$0x2] =	stream.indirect_vreg.gather [hbm4b:s5+s2], $0x80, v4, vm0, $0xb8;
	[tilespmem:$0x18100] =	vst v63  }
0x83: {  	s22 =	simm.s32 $0x10100  }
0x84: {  	[tilespmem:s22], [sflag:$0x2] =	stream.indirect_vreg.gather [hbm4b:s6+s2], $0x80, v4, vm0, $0xb8;
	[tilespmem:$0x18100] =	vst v63  }
0x85: {  	s23 =	simm.s32 $0x10900  }
0x86: {  	[tilespmem:s23], [sflag:$0x2] =	stream.indirect_vreg.gather [hbm4b:s3+s2], $0x80, v3, vm0, $0xb8;
	[tilespmem:$0x18100] =	vst v63  }
0x87: {  	s24 =	simm.s32 $0x11100  }
0x88: {  	[tilespmem:s24], [sflag:$0x2] =	stream.indirect_vreg.gather [hbm4b:s5+s2], $0x80, v3, vm0, $0xb8;
	[tilespmem:$0x18100] =	vst v63  }
0x89: {  	_ = 	snop  }
0x8a: {  	[tilespmem:s26], [sflag:$0x2] =	stream.indirect_vreg.gather [hbm4b:s6+s2], $0x80, v3, vm0, $0xb8;
	[tilespmem:$0x18100] =	vst v63  }
0x8b: {  	v3 =	vld [tilespmem:$0xA0];
	_ =	sdelay $0x4  }
0x8c: {  	v4 =	vshrl.u32 v3, $0x3  }
0x8d: {  	v4 =	vmul.u32 $0x30, v4  }
0x8e: {  	v3 =	vand.u32 $0x7, v3  }
0x8f: {  	v3 =	vor.u32 v3, v4  }
0x90: {  	v4 =	vperm.xlane v3, v0;
	_ =	sdelay $0x1  }
0x91: {  	v4 =	vadd.s32 v1, v4;
	_ =	sdelay $0x3  }
0x92: {  	v3 =	vperm.xlane v3, v2  }
0x93: {  	[tilespmem:s28], [sflag:$0x2] =	stream.indirect_vreg.gather [hbm4b:s3+s2], $0x80, v4, vm0, $0xb8;
	[tilespmem:$0x18100] =	vst v63  }
0x94: {  	v3 =	vadd.s32 v1, v3  }
0x95: {  	[tilespmem:s29], [sflag:$0x2] =	stream.indirect_vreg.gather [hbm4b:s5+s2], $0x80, v4, vm0, $0xb8;
	[tilespmem:$0x18100] =	vst v63  }
0x96: {  	_ = 	snop  }
0x97: {  	[tilespmem:s30], [sflag:$0x2] =	stream.indirect_vreg.gather [hbm4b:s6+s2], $0x80, v4, vm0, $0xb8;
	[tilespmem:$0x18100] =	vst v63  }
0x98: {  	_ = 	snop  }
0x99: {  	[tilespmem:s31], [sflag:$0x2] =	stream.indirect_vreg.gather [hbm4b:s3+s2], $0x80, v3, vm0, $0xb8;
	[tilespmem:$0x18100] =	vst v63  }
0x9a: {  	_ = 	snop  }
0x9b: {  	[tilespmem:s0], [sflag:$0x2] =	stream.indirect_vreg.gather [hbm4b:s5+s2], $0x80, v3, vm0, $0xb8;
	[tilespmem:$0x18100] =	vst v63  }
0x9c: {  	_ = 	snop  }
0x9d: {  	[tilespmem:s1], [sflag:$0x2] =	stream.indirect_vreg.gather [hbm4b:s6+s2], $0x80, v3, vm0, $0xb8;
	[tilespmem:$0x18100] =	vst v63  }
0x9e: {  	v3 =	vld [tilespmem:$0xB0];
	_ =	sdelay $0x4  }
0x9f: {  	v4 =	vshrl.u32 v3, $0x3  }
0xa0: {  	v4 =	vmul.u32 $0x30, v4  }
0xa1: {  	v3 =	vand.u32 $0x7, v3  }
0xa2: {  	v3 =	vor.u32 v3, v4  }
0xa3: {  	v4 =	vperm.xlane v3, v0;
	_ =	sdelay $0x1  }
0xa4: {  	v4 =	vadd.s32 v1, v4;
	_ =	sdelay $0x3  }
0xa5: {  	v3 =	vperm.xlane v3, v2  }
0xa6: {  	[tilespmem:s12], [sflag:$0x2] =	stream.indirect_vreg.gather [hbm4b:s3+s2], $0x80, v4, vm0, $0xb8;
	[tilespmem:$0x18100] =	vst v63  }
0xa7: {  	v3 =	vadd.s32 v1, v3  }
0xa8: {  	[tilespmem:s13], [sflag:$0x2] =	stream.indirect_vreg.gather [hbm4b:s5+s2], $0x80, v4, vm0, $0xb8;
	[tilespmem:$0x18100] =	vst v63  }
0xa9: {  	_ = 	snop  }
0xaa: {  	[tilespmem:s14], [sflag:$0x2] =	stream.indirect_vreg.gather [hbm4b:s6+s2], $0x80, v4, vm0, $0xb8;
	[tilespmem:$0x18100] =	vst v63  }
0xab: {  	_ = 	snop  }
0xac: {  	[tilespmem:s15], [sflag:$0x2] =	stream.indirect_vreg.gather [hbm4b:s3+s2], $0x80, v3, vm0, $0xb8;
	[tilespmem:$0x18100] =	vst v63  }
0xad: {  	_ = 	snop  }
0xae: {  	[tilespmem:s16], [sflag:$0x2] =	stream.indirect_vreg.gather [hbm4b:s5+s2], $0x80, v3, vm0, $0xb8;
	[tilespmem:$0x18100] =	vst v63  }
0xaf: {  	_ = 	snop  }
0xb0: {  	[tilespmem:s17], [sflag:$0x2] =	stream.indirect_vreg.gather [hbm4b:s6+s2], $0x80, v3, vm0, $0xb8;
	[tilespmem:$0x18100] =	vst v63  }
0xb1: {  	_ =	swait.ge [sflag:s18], $0xC000  }
0xb2: {  	[sflag:s18] =	ssyncset.done $0x0  }
0xb3: {  	s25 =	simm.s32 $0x0;
	[sflag:s18] =	ssyncadd.s32 $0xFFFF4000  }
0xb4: {  	s21 =	smul.u32 $0x1800, s25;
	_ =	swait.ge [sflag:s19], $0xC000  }
0xb5: {  	s22 =	sand.u32 $0x380, s2;
	[sflag:s19] =	ssyncset.done $0x0  }
0xb6: {  	s21 =	sor.u32 s22, s21;
	[sflag:s19] =	ssyncadd.s32 $0xFFFF4000  }
0xb7: {  	v12 =	vld [tilespmem:s21+$0xC100]  }
0xb8: {  	v13 =	vld [tilespmem:s21+$0xC110]  }
0xb9: {  	v14 =	vld [tilespmem:s21+$0xC120]  }
0xba: {  	v15 =	vld [tilespmem:s21+$0xC130]  }
0xbb: {  	v16 =	vld [tilespmem:s21+$0xC140]  }
0xbc: {  	v17 =	vld [tilespmem:s21+$0xC150]  }
0xbd: {  	v18 =	vld [tilespmem:s21+$0xC160]  }
0xbe: {  	v19 =	vld [tilespmem:s21+$0xC170]  }
0xbf: {  	v20 =	vld [tilespmem:s21+$0xC500]  }
0xc0: {  	v21 =	vld [tilespmem:s21+$0xC510]  }
0xc1: {  	v22 =	vld [tilespmem:s21+$0xC520]  }
0xc2: {  	v23 =	vld [tilespmem:s21+$0xC530]  }
0xc3: {  	v24 =	vld [tilespmem:s21+$0xC540]  }
0xc4: {  	v25 =	vld [tilespmem:s21+$0xC550]  }
0xc5: {  	v26 =	vld [tilespmem:s21+$0xC560]  }
0xc6: {  	v27 =	vld [tilespmem:s21+$0xC570]  }
0xc7: {  	v28 =	vld [tilespmem:s21+$0xC900]  }
0xc8: {  	v29 =	vld [tilespmem:s21+$0xC910]  }
0xc9: {  	v30 =	vld [tilespmem:s21+$0xC920]  }
0xca: {  	v31 =	vld [tilespmem:s21+$0xC930]  }
0xcb: {  	v32 =	vld [tilespmem:s21+$0xC940]  }
0xcc: {  	v33 =	vld [tilespmem:s21+$0xC950]  }
0xcd: {  	v34 =	vld [tilespmem:s21+$0xC960]  }
0xce: {  	v35 =	vld [tilespmem:s21+$0xC970]  }
0xcf: {  	v36 =	vld [tilespmem:s21+$0xCD00]  }
0xd0: {  	v37 =	vld [tilespmem:s21+$0xCD10]  }
0xd1: {  	v38 =	vld [tilespmem:s21+$0xCD20]  }
0xd2: {  	v39 =	vld [tilespmem:s21+$0xCD30]  }
0xd3: {  	v40 =	vld [tilespmem:s21+$0xCD40]  }
0xd4: {  	v41 =	vld [tilespmem:s21+$0xCD50]  }
0xd5: {  	v42 =	vld [tilespmem:s21+$0xCD60]  }
0xd6: {  	v43 =	vld [tilespmem:s21+$0xCD70]  }
0xd7: {  	v44 =	vld [tilespmem:s21+$0xD100]  }
0xd8: {  	v45 =	vld [tilespmem:s21+$0xD110]  }
0xd9: {  	v46 =	vld [tilespmem:s21+$0xD120]  }
0xda: {  	v47 =	vld [tilespmem:s21+$0xD130]  }
0xdb: {  	v48 =	vld [tilespmem:s21+$0xD140]  }
0xdc: {  	v49 =	vld [tilespmem:s21+$0xD150]  }
0xdd: {  	v50 =	vld [tilespmem:s21+$0xD160]  }
0xde: {  	v11 =	vld [tilespmem:s21+$0xD170]  }
0xdf: {  	v10 =	vld [tilespmem:s21+$0xD500]  }
0xe0: {  	v9 =	vld [tilespmem:s21+$0xD510]  }
0xe1: {  	v8 =	vld [tilespmem:s21+$0xD520]  }
0xe2: {  	v7 =	vld [tilespmem:s21+$0xD530]  }
0xe3: {  	v6 =	vld [tilespmem:s21+$0xD540]  }
0xe4: {  	v51 =	vld [tilespmem:s21+$0x100]  }
0xe5: {  	v52 =	vld [tilespmem:s21+$0x110]  }
0xe6: {  	v53 =	vld [tilespmem:s21+$0x120]  }
0xe7: {  	v54 =	vld [tilespmem:s21+$0x130]  }
0xe8: {  	v55 =	vld [tilespmem:s21+$0x140]  }
0xe9: {  	v62 =	vld [tilespmem:s21+$0x150];
	v12 =	vadd.f32 v12, v51  }
0xea: {  	v63 =	vld [tilespmem:s21+$0x160];
	v13 =	vadd.f32 v13, v52  }
0xeb: {  	[tilespmem:s21+$0x100] =	vst v12;
	v12 =	vadd.f32 v14, v53;
	v14 =	vld [tilespmem:s21+$0x170]  }
0xec: {  	[tilespmem:s21+$0x110] =	vst v13;
	v13 =	vadd.f32 v15, v54;
	v15 =	vld [tilespmem:s21+$0x500]  }
0xed: {  	[tilespmem:s21+$0x120] =	vst v12;
	v12 =	vadd.f32 v16, v55;
	v16 =	vld [tilespmem:s21+$0x510]  }
0xee: {  	[tilespmem:s21+$0x130] =	vst v13;
	v13 =	vadd.f32 v17, v62;
	v17 =	vld [tilespmem:s21+$0x520]  }
0xef: {  	v5 =	vld [tilespmem:s21+$0xD550]  }
0xf0: {  	[tilespmem:s21+$0x140] =	vst v12;
	v12 =	vadd.f32 v18, v63;
	v18 =	vld [tilespmem:s21+$0x570]  }
0xf1: {  	[tilespmem:s21+$0x150] =	vst v13;
	v13 =	vadd.f32 v19, v14;
	v14 =	vld [tilespmem:s21+$0x530]  }
0xf2: {  	[tilespmem:s21+$0x160] =	vst v12;
	v12 =	vadd.f32 v20, v15;
	v15 =	vld [tilespmem:s21+$0x540]  }
0xf3: {  	[tilespmem:s21+$0x170] =	vst v13;
	v13 =	vadd.f32 v21, v16;
	v16 =	vadd.f32 v22, v17;
	v17 =	vld [tilespmem:s21+$0x560]  }
0xf4: {  	[tilespmem:s21+$0x500] =	vst v12;
	v12 =	vld [tilespmem:s21+$0x550]  }
0xf5: {  	[tilespmem:s21+$0x510] =	vst v13;
	v13 =	vld [tilespmem:s21+$0x900];
	v18 =	vadd.f32 v27, v18  }
0xf6: {  	[tilespmem:s21+$0x520] =	vst v16;
	v16 =	vld [tilespmem:s21+$0x910];
	v14 =	vadd.f32 v23, v14  }
0xf7: {  	v4 =	vld [tilespmem:s21+$0xD560];
	v15 =	vadd.f32 v24, v15;
	[tilespmem:s21+$0x570] =	vst v18  }
0xf8: {  	[tilespmem:s21+$0x530] =	vst v14;
	v14 =	vld [tilespmem:s21+$0x920];
	v17 =	vadd.f32 v26, v17  }
0xf9: {  	v12 =	vadd.f32 v25, v12;
	[tilespmem:s21+$0x540] =	vst v15;
	v15 =	vld [tilespmem:s21+$0x930]  }
0xfa: {  	v18 =	vld [tilespmem:s21+$0x970];
	[tilespmem:s21+$0x560] =	vst v17;
	v13 =	vadd.f32 v28, v13  }
0xfb: {  	v16 =	vadd.f32 v29, v16;
	[tilespmem:s21+$0x550] =	vst v12;
	v12 =	vld [tilespmem:s21+$0x940]  }
0xfc: {  	v17 =	vld [tilespmem:s21+$0x950];
	[tilespmem:s21+$0x900] =	vst v13  }
0xfd: {  	[tilespmem:s21+$0x910] =	vst v16;
	v16 =	vld [tilespmem:s21+$0x960];
	v13 =	vadd.f32 v30, v14  }
0xfe: {  	v14 =	vld [tilespmem:s21+$0xD00];
	v15 =	vadd.f32 v31, v15  }
0xff: {  	[tilespmem:s21+$0x920] =	vst v13;
	v13 =	vld [tilespmem:s21+$0xD10]  }
0x100: {  	v12 =	vadd.f32 v32, v12;
	[tilespmem:s21+$0x930] =	vst v15;
	v15 =	vld [tilespmem:s21+$0xD20]  }
0x101: {  	v3 =	vld [tilespmem:s21+$0xD570];
	v17 =	vadd.f32 v33, v17  }
0x102: {  	v16 =	vadd.f32 v34, v16;
	[tilespmem:s21+$0x940] =	vst v12;
	v12 =	vld [tilespmem:s21+$0xD30]  }
0x103: {  	[tilespmem:s21+$0x950] =	vst v17;
	v17 =	vld [tilespmem:s21+$0xD40];
	v14 =	vadd.f32 v36, v14  }
0x104: {  	v18 =	vadd.f32 v35, v18;
	[tilespmem:s21+$0x960] =	vst v16;
	v16 =	vld [tilespmem:s21+$0xD50]  }
0x105: {  	v13 =	vadd.f32 v37, v13;
	[tilespmem:s21+$0xD00] =	vst v14;
	v14 =	vadd.f32 v38, v15;
	v15 =	vld [tilespmem:s21+$0xD60]  }
0x106: {  	[tilespmem:s21+$0x970] =	vst v18;
	v18 =	vld [tilespmem:s21+$0xD70]  }
0x107: {  	[tilespmem:s21+$0xD10] =	vst v13;
	v13 =	vld [tilespmem:s21+$0x1100];
	v12 =	vadd.f32 v39, v12  }
0x108: {  	v17 =	vadd.f32 v40, v17;
	[tilespmem:s21+$0xD20] =	vst v14;
	v14 =	vld [tilespmem:s21+$0x1110]  }
0x109: {  	v16 =	vadd.f32 v41, v16;
	[tilespmem:s21+$0xD30] =	vst v12;
	v12 =	vld [tilespmem:s21+$0x1120]  }
0x10a: {  	[tilespmem:s21+$0xD40] =	vst v17;
	v17 =	vld [tilespmem:s21+$0x1130];
	v15 =	vadd.f32 v42, v15  }
0x10b: {  	v19 =	vld [tilespmem:s21+$0x1140];
	[tilespmem:s21+$0xD50] =	vst v16;
	v16 =	vadd.f32 v43, v18  }
0x10c: {  	v18 =	vld [tilespmem:s21+$0x1150];
	v13 =	vadd.f32 v44, v13;
	[tilespmem:s21+$0xD60] =	vst v15  }
0x10d: {  	v20 =	vld [tilespmem:s21+$0x1160];
	[tilespmem:s21+$0xD70] =	vst v16;
	v14 =	vadd.f32 v45, v14  }
0x10e: {  	v16 =	vld [tilespmem:s21+$0x1170];
	[tilespmem:s21+$0x1100] =	vst v13;
	v12 =	vadd.f32 v46, v12  }
0x10f: {  	v15 =	vld [tilespmem:s21+$0x1500];
	v13 =	vadd.f32 v47, v17;
	[tilespmem:s21+$0x1110] =	vst v14  }
0x110: {  	v14 =	vld [tilespmem:s21+$0x1510];
	[tilespmem:s21+$0x1120] =	vst v12;
	v12 =	vadd.f32 v48, v19  }
0x111: {  	[tilespmem:s21+$0x1130] =	vst v13;
	v13 =	vld [tilespmem:s21+$0x1520];
	v18 =	vadd.f32 v49, v18  }
0x112: {  	s22 =	simm.s32 $0x1;
	s23 =	simm.s32 $0x0;
	v17 =	vadd.f32 v50, v20;
	[tilespmem:s21+$0x1140] =	vst v12;
	v12 =	vld [tilespmem:s21+$0x1530]  }
.LBB2_2:
0x113: {  	s24 =	sshrl.u32 s22, $0x3;
	p0 =	sne.s32 s22, $0x3F;
	[tilespmem:s21+$0x1150] =	vst v18;
	v11 =	vadd.f32 v11, v16;
	v16 =	vld [tilespmem:s21+$0x1540]  }
0x114: {  	s23 =	sadd.s32 $0x80, s23;
	s24 =	smul.u32 $0x1800, s24;
	[tilespmem:s21+$0x1160] =	vst v17;
	v10 =	vadd.f32 v10, v15;
	v15 =	vld [tilespmem:s21+$0x1550]  }
0x115: {  	s25 =	sand.u32 $0x380, s23;
	[tilespmem:s21+$0x1170] =	vst v11;
	v9 =	vadd.f32 v9, v14;
	v11 =	vld [tilespmem:s21+$0x1560]  }
0x116: {  	s24 =	sor.u32 s25, s24;
	[tilespmem:s21+$0x1500] =	vst v10;
	v8 =	vadd.f32 v8, v13;
	v10 =	vld [tilespmem:s21+$0x1570]  }
0x117: {  	v39 =	vld [tilespmem:s24+$0xC100];
	[tilespmem:s21+$0x1510] =	vst v9;
	v7 =	vadd.f32 v7, v12  }
0x118: {  	v40 =	vld [tilespmem:s24+$0xC110];
	[tilespmem:s21+$0x1520] =	vst v8;
	v6 =	vadd.f32 v6, v16  }
0x119: {  	v41 =	vld [tilespmem:s24+$0xC120];
	[tilespmem:s21+$0x1530] =	vst v7;
	v5 =	vadd.f32 v5, v15  }
0x11a: {  	v42 =	vld [tilespmem:s24+$0xC130];
	[tilespmem:s21+$0x1540] =	vst v6;
	v4 =	vadd.f32 v4, v11  }
0x11b: {  	v43 =	vld [tilespmem:s24+$0xC140];
	[tilespmem:s21+$0x1550] =	vst v5;
	v3 =	vadd.f32 v3, v10  }
0x11c: {  	v44 =	vld [tilespmem:s24+$0xC150];
	[tilespmem:s21+$0x1560] =	vst v4  }
0x11d: {  	v45 =	vld [tilespmem:s24+$0xC160];
	[tilespmem:s21+$0x1570] =	vst v3;
	s21 =	smov.u32 s24  }
0x11e: {  	v46 =	vld [tilespmem:s21+$0xC170]  }
0x11f: {  	v47 =	vld [tilespmem:s21+$0xC500]  }
0x120: {  	v48 =	vld [tilespmem:s21+$0xC510]  }
0x121: {  	v49 =	vld [tilespmem:s21+$0xC520]  }
0x122: {  	v50 =	vld [tilespmem:s21+$0xC530]  }
0x123: {  	v38 =	vld [tilespmem:s21+$0xC540]  }
0x124: {  	v37 =	vld [tilespmem:s21+$0xC550]  }
0x125: {  	v36 =	vld [tilespmem:s21+$0xC560]  }
0x126: {  	v35 =	vld [tilespmem:s21+$0xC570]  }
0x127: {  	v34 =	vld [tilespmem:s21+$0xC900]  }
0x128: {  	v33 =	vld [tilespmem:s21+$0xC910]  }
0x129: {  	v32 =	vld [tilespmem:s21+$0xC920]  }
0x12a: {  	v31 =	vld [tilespmem:s21+$0xC930]  }
0x12b: {  	v30 =	vld [tilespmem:s21+$0xC940]  }
0x12c: {  	v29 =	vld [tilespmem:s21+$0xC950]  }
0x12d: {  	v28 =	vld [tilespmem:s21+$0xC960]  }
0x12e: {  	v27 =	vld [tilespmem:s21+$0xC970]  }
0x12f: {  	v26 =	vld [tilespmem:s21+$0xCD00]  }
0x130: {  	v25 =	vld [tilespmem:s21+$0xCD10]  }
0x131: {  	v24 =	vld [tilespmem:s21+$0xCD20]  }
0x132: {  	v23 =	vld [tilespmem:s21+$0xCD30]  }
0x133: {  	v22 =	vld [tilespmem:s21+$0xCD40]  }
0x134: {  	v21 =	vld [tilespmem:s21+$0xCD50]  }
0x135: {  	v20 =	vld [tilespmem:s21+$0xCD60]  }
0x136: {  	v19 =	vld [tilespmem:s21+$0xCD70]  }
0x137: {  	v18 =	vld [tilespmem:s21+$0xD100]  }
0x138: {  	v17 =	vld [tilespmem:s21+$0xD110]  }
0x139: {  	v16 =	vld [tilespmem:s21+$0xD120]  }
0x13a: {  	v15 =	vld [tilespmem:s21+$0xD130]  }
0x13b: {  	v14 =	vld [tilespmem:s21+$0xD140]  }
0x13c: {  	v13 =	vld [tilespmem:s21+$0xD150]  }
0x13d: {  	v12 =	vld [tilespmem:s21+$0xD160]  }
0x13e: {  	v11 =	vld [tilespmem:s21+$0xD170]  }
0x13f: {  	v10 =	vld [tilespmem:s21+$0xD500]  }
0x140: {  	v9 =	vld [tilespmem:s21+$0xD510]  }
0x141: {  	v8 =	vld [tilespmem:s21+$0xD520]  }
0x142: {  	v7 =	vld [tilespmem:s21+$0xD530]  }
0x143: {  	v6 =	vld [tilespmem:s21+$0xD540]  }
0x144: {  	v5 =	vld [tilespmem:s21+$0xD550]  }
0x145: {  	v4 =	vld [tilespmem:s21+$0xD560]  }
0x146: {  	v3 =	vld [tilespmem:s21+$0xD570]  }
0x147: {  	v51 =	vld [tilespmem:s21+$0x100]  }
0x148: {  	v52 =	vld [tilespmem:s21+$0x110]  }
0x149: {  	v53 =	vld [tilespmem:s21+$0x120]  }
0x14a: {  	v54 =	vld [tilespmem:s21+$0x130]  }
0x14b: {  	v55 =	vld [tilespmem:s21+$0x140]  }
0x14c: {  	v39 =	vadd.f32 v39, v51;
	v51 =	vld [tilespmem:s21+$0x150]  }
0x14d: {  	v40 =	vadd.f32 v40, v52;
	v52 =	vld [tilespmem:s21+$0x160]  }
0x14e: {  	[tilespmem:s21+$0x100] =	vst v39;
	v39 =	vadd.f32 v41, v53;
	v41 =	vld [tilespmem:s21+$0x170]  }
0x14f: {  	[tilespmem:s21+$0x110] =	vst v40;
	v40 =	vadd.f32 v42, v54;
	v42 =	vld [tilespmem:s21+$0x500]  }
0x150: {  	[tilespmem:s21+$0x120] =	vst v39;
	v39 =	vadd.f32 v43, v55;
	v43 =	vld [tilespmem:s21+$0x510]  }
0x151: {  	[tilespmem:s21+$0x130] =	vst v40;
	v40 =	vadd.f32 v44, v51;
	v44 =	vld [tilespmem:s21+$0x520]  }
0x152: {  	[tilespmem:s21+$0x140] =	vst v39;
	v39 =	vadd.f32 v45, v52;
	v45 =	vld [tilespmem:s21+$0x530]  }
0x153: {  	[tilespmem:s21+$0x150] =	vst v40;
	v40 =	vadd.f32 v46, v41;
	v41 =	vld [tilespmem:s21+$0x540]  }
0x154: {  	[tilespmem:s21+$0x160] =	vst v39;
	v39 =	vadd.f32 v47, v42;
	v42 =	vld [tilespmem:s21+$0x550]  }
0x155: {  	[tilespmem:s21+$0x170] =	vst v40;
	v40 =	vadd.f32 v48, v43;
	v43 =	vld [tilespmem:s21+$0x560]  }
0x156: {  	[tilespmem:s21+$0x500] =	vst v39;
	v39 =	vadd.f32 v49, v44;
	v44 =	vld [tilespmem:s21+$0x570]  }
0x157: {  	[tilespmem:s21+$0x510] =	vst v40;
	v40 =	vadd.f32 v50, v45;
	v45 =	vld [tilespmem:s21+$0x900]  }
0x158: {  	[tilespmem:s21+$0x520] =	vst v39;
	v38 =	vadd.f32 v38, v41;
	v39 =	vld [tilespmem:s21+$0x910]  }
0x159: {  	[tilespmem:s21+$0x530] =	vst v40;
	v37 =	vadd.f32 v37, v42;
	v40 =	vld [tilespmem:s21+$0x920]  }
0x15a: {  	[tilespmem:s21+$0x540] =	vst v38;
	v36 =	vadd.f32 v36, v43;
	v38 =	vld [tilespmem:s21+$0x930]  }
0x15b: {  	[tilespmem:s21+$0x550] =	vst v37;
	v35 =	vadd.f32 v35, v44;
	v37 =	vld [tilespmem:s21+$0x940]  }
0x15c: {  	[tilespmem:s21+$0x560] =	vst v36;
	v34 =	vadd.f32 v34, v45;
	v36 =	vld [tilespmem:s21+$0x950]  }
0x15d: {  	[tilespmem:s21+$0x570] =	vst v35;
	v33 =	vadd.f32 v33, v39;
	v35 =	vld [tilespmem:s21+$0x960]  }
0x15e: {  	[tilespmem:s21+$0x900] =	vst v34;
	v32 =	vadd.f32 v32, v40;
	v34 =	vld [tilespmem:s21+$0x970]  }
0x15f: {  	[tilespmem:s21+$0x910] =	vst v33;
	v31 =	vadd.f32 v31, v38;
	v33 =	vld [tilespmem:s21+$0xD00]  }
0x160: {  	[tilespmem:s21+$0x920] =	vst v32;
	v30 =	vadd.f32 v30, v37;
	v32 =	vld [tilespmem:s21+$0xD10]  }
0x161: {  	[tilespmem:s21+$0x930] =	vst v31;
	v29 =	vadd.f32 v29, v36;
	v31 =	vld [tilespmem:s21+$0xD20]  }
0x162: {  	[tilespmem:s21+$0x940] =	vst v30;
	v28 =	vadd.f32 v28, v35;
	v30 =	vld [tilespmem:s21+$0xD30]  }
0x163: {  	[tilespmem:s21+$0x950] =	vst v29;
	v27 =	vadd.f32 v27, v34;
	v29 =	vld [tilespmem:s21+$0xD40]  }
0x164: {  	[tilespmem:s21+$0x960] =	vst v28;
	v26 =	vadd.f32 v26, v33;
	v28 =	vld [tilespmem:s21+$0xD50]  }
0x165: {  	[tilespmem:s21+$0x970] =	vst v27;
	v25 =	vadd.f32 v25, v32;
	v27 =	vld [tilespmem:s21+$0xD60]  }
0x166: {  	[tilespmem:s21+$0xD00] =	vst v26;
	v24 =	vadd.f32 v24, v31;
	v26 =	vld [tilespmem:s21+$0xD70]  }
0x167: {  	[tilespmem:s21+$0xD10] =	vst v25;
	v23 =	vadd.f32 v23, v30;
	v25 =	vld [tilespmem:s21+$0x1100]  }
0x168: {  	[tilespmem:s21+$0xD20] =	vst v24;
	v22 =	vadd.f32 v22, v29;
	v24 =	vld [tilespmem:s21+$0x1110]  }
0x169: {  	[tilespmem:s21+$0xD30] =	vst v23;
	v21 =	vadd.f32 v21, v28;
	v23 =	vld [tilespmem:s21+$0x1120]  }
0x16a: {  	[tilespmem:s21+$0xD40] =	vst v22;
	v20 =	vadd.f32 v20, v27;
	v22 =	vld [tilespmem:s21+$0x1130]  }
0x16b: {  	[tilespmem:s21+$0xD50] =	vst v21;
	v19 =	vadd.f32 v19, v26;
	v21 =	vld [tilespmem:s21+$0x1140]  }
0x16c: {  	[tilespmem:s21+$0xD60] =	vst v20;
	v18 =	vadd.f32 v18, v25;
	v20 =	vld [tilespmem:s21+$0x1150]  }
0x16d: {  	[tilespmem:s21+$0xD70] =	vst v19;
	v17 =	vadd.f32 v17, v24;
	v19 =	vld [tilespmem:s21+$0x1160]  }
.Ltmp0:
0x16e: {  	[tilespmem:s21+$0x1100] =	vst v18;
	v18 =	vadd.f32 v16, v23;
	v16 =	vld [tilespmem:s21+$0x1170];
	(pc) =	sbr.rel @p0 .LBB2_2-.Ltmp0, $4  }
0x16f: {  	[tilespmem:s21+$0x1110] =	vst v17;
	v17 =	vadd.f32 v15, v22;
	v15 =	vld [tilespmem:s21+$0x1500]  }
0x170: {  	[tilespmem:s21+$0x1120] =	vst v18;
	v21 =	vadd.f32 v14, v21;
	v14 =	vld [tilespmem:s21+$0x1510]  }
0x171: {  	[tilespmem:s21+$0x1130] =	vst v17;
	v18 =	vadd.f32 v13, v20;
	v13 =	vld [tilespmem:s21+$0x1520]  }
0x172: {  	s22 =	sadd.s32 $0x1, s22;
	[tilespmem:s21+$0x1140] =	vst v21;
	v17 =	vadd.f32 v12, v19;
	v12 =	vld [tilespmem:s21+$0x1530]  }
0x173: {  	[tilespmem:s21+$0x1150] =	vst v18;
	v60 =	vld [tilespmem:s21+$0x1540];
	v11 =	vadd.f32 v11, v16  }
0x174: {  	v61 =	vld [tilespmem:s21+$0x1550];
	[tilespmem:s21+$0x1160] =	vst v17;
	v10 =	vadd.f32 v10, v15  }
0x175: {  	v62 =	vld [tilespmem:s21+$0x1560];
	[tilespmem:s21+$0x1170] =	vst v11;
	v9 =	vadd.f32 v9, v14  }
0x176: {  	v63 =	vld [tilespmem:s21+$0x1570];
	[tilespmem:s21+$0x1500] =	vst v10;
	v8 =	vadd.f32 v8, v13  }
0x177: {  	[tilespmem:s21+$0x1510] =	vst v9;
	v7 =	vadd.f32 v7, v12  }
0x178: {  	[tilespmem:s21+$0x1520] =	vst v8;
	v6 =	vadd.f32 v6, v60  }
0x179: {  	v5 =	vadd.f32 v5, v61;
	[tilespmem:s21+$0x1530] =	vst v7  }
0x17a: {  	v4 =	vadd.f32 v4, v62;
	[tilespmem:s21+$0x1540] =	vst v6  }
0x17b: {  	s20 =	sadd.s32 $0x1, s20;
	v3 =	vadd.f32 v3, v63;
	[tilespmem:s21+$0x1550] =	vst v5  }
0x17c: {  	p0 =	sne.s32 s20, s9;
	[tilespmem:s21+$0x1560] =	vst v4  }
.Ltmp1:
0x17d: {  	[tilespmem:s21+$0x1570] =	vst v3;
	(pc) =	sbr.rel @p0 .LBB2_1-.Ltmp1, $4  }
0x17e: {  	[hbm4b:s8+s2] =	stream.linear.scatter [tilespmem:s11], [sflag:$0x3], $0xC000, $0x38;
	[tilespmem:$0x18100] =	vst v63  }
0x17f: {  	_ =	swait.ge [sflag:s10], $0xC000  }
0x180: {  	[sflag:s10] =	ssyncset.done $0x0  }
0x181: {  	[sflag:s10] =	ssyncadd.s32 $0xFFFF4000  }
0x182: {  	_ =	sfence.sel $0x180000  }
0x183: {  	[bflag:$0x0] =	sbarrier.arrive $0xFFFF  }
0x184: {  	_ =	strace $0x9000004A  }
0x185: {  	s0 =	stileid.u32;
	[bflag:$0x2] =	sbarrier.arrive $0xFFFF  }
0x186: {  	p0 =	sne.s32 s0, $0x0;
	s0 =	rddreg [dreg:$0x2]  }
0x187: {  	s0 =	sadd.s32 @!p0 $0x100000, s0  }
0x188: {  	[sflag:s0] =	ssyncadd.tile.s32 @!p0 $0x1;
	_ =	shalt  }
.Lfunc_end2:
_tile_overlayer_lowered:
.L_overlay_start_2:
0x189: {  	(tag) =	ssettag $0x2  }
0x18a: {  	s0 =	rddreg [dreg:$0x0];
	s2 =	stileid.u32  }
0x18b: {  	s1 =	rddreg [dreg:$0x1];
	p0 =	sne.s32 s2, $0x0  }
0x18c: {  	s3 =	rddreg [dreg:$0x2];
	[bflag:$0x3] =	sbarrier.arrive $0xFFFF;
	s2 =	simm.s32 @!p0 $0x1C03  }
0x18d: {  	[timem:s3], [sflag:s2] =	dma.local @!p0 [hbm:s0], s1  }
0x18e: {  	s0 =	simm.s32 @!p0 $0x3  }
0x18f: {  	_ =	swait.ge @!p0 [sflag:s0], s1  }
0x190: {  	s1 =	ssub.s32 @!p0 $0x0, s1;
	[sflag:s0] =	ssyncset.done @!p0 $0x0  }
0x191: {  	[sflag:s0] =	ssyncadd.s32 @!p0 s1  }
0x192: {  	[bflag:$0x3] =	sbarrier.arrive $0xFFFF  }
0x193: {  	_ =	shalt  }

</sc_bundles>
